<compile_context>
chip_gen: v7x
topology: tpu7x:2x2x1
jax: 0.10.2.dev20260603
libtpu: 0.0.44.dev20260713+nightly
codegen_flags: <defaults>
</compile_context>

<pallas_src>
import functools

import jax
import jax.numpy as jnp
from jax import lax
from jax.experimental import pallas as pl
from jax.experimental.pallas import tpu as pltpu
from jax.experimental.pallas import tpu_sc as plsc

NC = 2
NS = 16
NW = NC * NS
CHUNK = 64
BLK = 40
NSLOT = 4
BR = 256
B0_RATIO = 3


def _mesh():
    return plsc.VectorSubcoreMesh(core_axis_name="c", subcore_axis_name="s")


def _make_deg_kernel(n_pad, nblk0, nblk1):
    rps = n_pad // NS

    @functools.partial(
        pl.kernel,
        out_type=jax.ShapeDtypeStruct((NC, n_pad), jnp.float32),
        mesh=_mesh(),
        scratch_types=[
            pltpu.VMEM((nblk0 * BLK, CHUNK), jnp.int32),
            pltpu.VMEM((CHUNK,), jnp.float32),
            pltpu.VMEM_SHARED((n_pad,), jnp.float32),
            pltpu.SemaphoreType.DMA,
        ],
    )
    def deg_kernel(dst_hbm, zeros_hbm, ones_hbm, deg_hbm, idx_v, ones_v, acc_sh, sem):
        c = lax.axis_index("c")
        s = lax.axis_index("s")
        w = c * NS + s
        nchunk_t = jnp.where(c == 0, nblk0 * BLK, nblk1 * BLK)
        pltpu.sync_copy(zeros_hbm, acc_sh.at[pl.ds(s * rps, rps)])
        pltpu.sync_copy(ones_hbm, ones_v)
        pltpu.sync_copy(dst_hbm.at[w], idx_v)
        plsc.subcore_barrier()

        @pl.loop(0, nchunk_t)
        def _fire(j):
            pltpu.async_copy(ones_v, acc_sh.at[idx_v.at[j]], sem, add=True)

        @pl.loop(0, nchunk_t)
        def _drain(j):
            pltpu.make_async_copy(ones_v, acc_sh.at[idx_v.at[0]], sem).wait()

        plsc.subcore_barrier()
        pltpu.sync_copy(acc_sh.at[pl.ds(s * rps, rps)],
                        deg_hbm.at[c].at[pl.ds(s * rps, rps)])

    return deg_kernel


def _make_agg_kernel(n_pad, nblk0, nblk1, d):
    rps = n_pad // NS

    @functools.partial(
        pl.kernel,
        out_type=jax.ShapeDtypeStruct((NC, n_pad, d), jnp.float32),
        mesh=_mesh(),
        scratch_types=[
            pltpu.VMEM((BLK, CHUNK), jnp.int32),
            pltpu.VMEM((BLK, CHUNK), jnp.int32),
            pltpu.VMEM((NSLOT, CHUNK, d), jnp.float32),
            pltpu.VMEM_SHARED((n_pad, d), jnp.float32),
            pltpu.SemaphoreType.DMA((NSLOT,)),
            pltpu.SemaphoreType.DMA((NSLOT,)),
        ],
        compiler_params=pltpu.CompilerParams(use_tc_tiling_on_sc=False),
    )
    def agg_kernel(src_hbm, dst_hbm, y_hbm, zeros_hbm, out_hbm,
                   sblk, dblk, rows, acc_sh, gsems, ssems):
        c = lax.axis_index("c")
        s = lax.axis_index("s")
        w = c * NS + s
        nblk_t = jnp.where(c == 0, nblk0, nblk1)

        def gather(j, slot, sem_slot):
            pltpu.async_copy(y_hbm.at[sblk.at[j]], rows.at[slot],
                             gsems.at[sem_slot])

        def gather_wait(slot):
            pltpu.make_async_copy(y_hbm.at[sblk.at[0]], rows.at[0],
                                  gsems.at[slot]).wait()

        def scatter(j, slot):
            pltpu.async_copy(rows.at[slot], acc_sh.at[dblk.at[j]],
                             ssems.at[slot], add=True)

        def scatter_wait(slot):
            pltpu.make_async_copy(rows.at[0], acc_sh.at[dblk.at[0]],
                                  ssems.at[slot]).wait()

        pltpu.sync_copy(zeros_hbm, acc_sh.at[pl.ds(s * rps, rps)])
        plsc.subcore_barrier()

        @pl.loop(0, nblk_t)
        def _block(b):
            pltpu.sync_copy(src_hbm.at[w].at[pl.ds(b * BLK, BLK)], sblk)
            pltpu.sync_copy(dst_hbm.at[w].at[pl.ds(b * BLK, BLK)], dblk)

            gather(0, 0, 0)
            gather(1, 1, 1)
            gather_wait(0)
            gather(2, 2, 2)
            scatter(0, 0)
            gather_wait(1)
            gather(3, 3, 3)
            scatter(1, 1)

            @pl.loop(2, BLK)
            def _body(jj):
                slot = lax.rem(jj, NSLOT)
                nslot = lax.rem(jj + 2, NSLOT)
                gather_wait(slot)
                scatter_wait(nslot)
                gather(jnp.minimum(jj + 2, BLK - 1), nslot, nslot)
                scatter(jj, slot)

            gather_wait(0)
            gather_wait(1)
            scatter_wait(2)
            scatter_wait(3)

        plsc.subcore_barrier()
        pltpu.sync_copy(acc_sh.at[pl.ds(s * rps, rps)],
                        out_hbm.at[c].at[pl.ds(s * rps, rps)])

    return agg_kernel


def _mm1_body(deg_ref, x_ref, w_ref, y_ref, dinv_ref):
    d = deg_ref[:, 0:1] + deg_ref[:, 1:2] + 1.0
    dinv = lax.rsqrt(d)
    xw = jnp.dot(x_ref[...], w_ref[...], preferred_element_type=jnp.float32)
    y_ref[...] = xw * dinv
    dinv_ref[...] = dinv


def _mm2_body(a_ref, y_ref, dinv_ref, w_ref, b_ref, y2_ref):
    agg = a_ref[0] + a_ref[1] + y_ref[...]
    t = agg * dinv_ref[...] + b_ref[...]
    h = jnp.maximum(t, 0.0)
    y2_ref[...] = jnp.dot(h, w_ref[...], preferred_element_type=jnp.float32) * dinv_ref[...]


def _final_body(a_ref, y_ref, dinv_ref, b_ref, out_ref):
    agg = a_ref[0] + a_ref[1] + y_ref[...]
    t = agg * dinv_ref[...] + b_ref[...]
    m = jnp.max(t, axis=1, keepdims=True)
    lse = jnp.log(jnp.sum(jnp.exp(t - m), axis=1, keepdims=True)) + m
    out_ref[...] = t - lse


def _row_spec(d):
    return pl.BlockSpec((BR, d), lambda i: (i, 0))


def _full_spec(shape):
    return pl.BlockSpec(shape, lambda i: tuple(0 for _ in shape))


def _agg_spec(d):
    return pl.BlockSpec((NC, BR, d), lambda i: (0, i, 0))


def kernel(features, edge_index, batch_size, W1, b1, W2, b2):
    n = features.shape[0]
    d_in = features.shape[1]
    d_hid = W1.shape[1]
    d_out = W2.shape[1]
    e = edge_index.shape[1]

    n_pad = ((n + 1 + BR - 1) // BR) * BR
    blk_edges = BLK * CHUNK
    blocks_needed = (e + blk_edges - 1) // blk_edges
    u = (blocks_needed + NS * (B0_RATIO + 1) - 1) // (NS * (B0_RATIO + 1))
    nblk0, nblk1 = B0_RATIO * u, u
    nchunk_max = nblk0 * BLK
    ep = NS * (nblk0 + nblk1) * blk_edges

    src = edge_index[0].astype(jnp.int32)
    dst = edge_index[1].astype(jnp.int32)
    pad = ep - e
    src = jnp.concatenate([src, jnp.zeros((pad,), jnp.int32)])
    dst = jnp.concatenate([dst, jnp.full((pad,), n, jnp.int32)])
    e0 = NS * nblk0 * blk_edges

    def to3(a):
        a0 = a[:e0].reshape(NS, nchunk_max, CHUNK)
        a1 = a[e0:].reshape(NS, nblk1 * BLK, CHUNK)
        a1 = jnp.pad(a1, ((0, 0), (0, (nblk0 - nblk1) * BLK), (0, 0)),
                     constant_values=n)
        return jnp.concatenate([a0, a1], axis=0)

    src3 = to3(src)
    dst3 = to3(dst)

    x_pad = jnp.zeros((n_pad, d_in), features.dtype).at[:n].set(features)
    rps = n_pad // NS
    zeros_row = jnp.zeros((rps,), jnp.float32)
    ones_row = jnp.ones((CHUNK,), jnp.float32)
    zeros_hid = jnp.zeros((rps, d_hid), jnp.float32)
    zeros_out = jnp.zeros((rps, d_out), jnp.float32)

    grid = (n_pad // BR,)

    deg = _make_deg_kernel(n_pad, nblk0, nblk1)(dst3, zeros_row, ones_row)
    deg_t = deg.T

    y1, dinv = pl.pallas_call(
        _mm1_body,
        grid=grid,
        in_specs=[
            pl.BlockSpec((BR, NC), lambda i: (i, 0)),
            _row_spec(d_in),
            _full_spec((d_in, d_hid)),
        ],
        out_specs=[_row_spec(d_hid), pl.BlockSpec((BR, 1), lambda i: (i, 0))],
        out_shape=[
            jax.ShapeDtypeStruct((n_pad, d_hid), jnp.float32),
            jax.ShapeDtypeStruct((n_pad, 1), jnp.float32),
        ],
    )(deg_t, x_pad, W1)

    agg1 = _make_agg_kernel(n_pad, nblk0, nblk1, d_hid)(src3, dst3, y1, zeros_hid)

    y2 = pl.pallas_call(
        _mm2_body,
        grid=grid,
        in_specs=[
            _agg_spec(d_hid),
            _row_spec(d_hid),
            pl.BlockSpec((BR, 1), lambda i: (i, 0)),
            _full_spec((d_hid, d_out)),
            _full_spec((1, d_hid)),
        ],
        out_specs=_row_spec(d_out),
        out_shape=jax.ShapeDtypeStruct((n_pad, d_out), jnp.float32),
    )(agg1, y1, dinv, W2, b1.reshape(1, d_hid))

    agg2 = _make_agg_kernel(n_pad, nblk0, nblk1, d_out)(src3, dst3, y2, zeros_out)

    out = pl.pallas_call(
        _final_body,
        grid=grid,
        in_specs=[
            _agg_spec(d_out),
            _row_spec(d_out),
            pl.BlockSpec((BR, 1), lambda i: (i, 0)),
            _full_spec((1, d_out)),
        ],
        out_specs=_row_spec(d_out),
        out_shape=jax.ShapeDtypeStruct((n_pad, d_out), jnp.float32),
    )(agg2, y2, dinv, b2.reshape(1, d_out))

    return out[:n]

# --- scband reference (transcript-rebuilt; emitter-appended) ---
"""Pipeline reference for scband-gcn-43937515438539 (READ-ONLY COPY).

The authoritative reference and input builder live on the scoring server;
editing this copy changes nothing except your own understanding.
"""

import jax, jax.numpy as jnp
import numpy as np


def _gcn_conv(x, edge_index, W, b):
    num_nodes = x.shape[0]
    src = edge_index[0]
    dst = edge_index[1]
    # add self-loops (PyG GCNConv default)
    loop = jnp.arange(num_nodes, dtype=src.dtype)
    src = jnp.concatenate([src, loop])
    dst = jnp.concatenate([dst, loop])
    # symmetric normalization D^-1/2 A_hat D^-1/2
    ones = jnp.ones(src.shape[0], dtype=x.dtype)
    deg = jnp.zeros((num_nodes,), dtype=x.dtype).at[dst].add(ones)
    deg_inv_sqrt = jnp.where(deg > 0, 1.0 / jnp.sqrt(deg), 0.0)
    norm = deg_inv_sqrt[src] * deg_inv_sqrt[dst]
    xw = x @ W
    msg = xw[src] * norm[:, None]
    out = jnp.zeros((num_nodes, W.shape[1]), dtype=x.dtype).at[dst].add(msg)
    return out + b


def setup_inputs(seed: int = 0) -> dict:
    key = jax.random.key(seed)
    k1, k2, k3, k4, k5, k6 = jax.random.split(key, 6)
    n_nodes = 10000
    n_edges = 320000
    d_in, d_hid, d_out = 128, 128, 64
    features = jax.random.normal(k1, (n_nodes, d_in), dtype=jnp.float32)
    edge_index = jax.random.randint(k2, (2, n_edges), 0, n_nodes, dtype=jnp.int64)
    W1 = jax.random.normal(k3, (d_in, d_hid), dtype=jnp.float32) * (1.0 / np.sqrt(d_in))
    b1 = jnp.zeros((d_hid,), dtype=jnp.float32)
    W2 = jax.random.normal(k4, (d_hid, d_out), dtype=jnp.float32) * (1.0 / np.sqrt(d_hid))
    b2 = jnp.zeros((d_out,), dtype=jnp.float32)
    return {"features": features, "edge_index": edge_index, "batch_size": 10000,
            "W1": W1, "b1": b1, "W2": W2, "b2": b2}


def reference(features, edge_index, batch_size, W1, b1, W2, b2):
    # conv1 -> relu -> (dropout is identity in eval) -> conv2 -> log_softmax
    x = _gcn_conv(features, edge_index, W1, b1)
    x = jax.nn.relu(x)
    x = _gcn_conv(x, edge_index, W2, b2)
    x = jax.nn.log_softmax(x, axis=1)
    return x

if __name__ == "__main__":
    import jax
    _d = setup_inputs()
    print(jax.jit(kernel)(*tuple(_d.values())))

</pallas_src>

<mosaic_0001>
#map = affine_map<(d0, d1) -> (0, 0, 0)>
#map1 = affine_map<(d0, d1) -> (0)>
#map2 = affine_map<(d0, d1) -> (0, 0)>
module attributes {stable_mosaic.version = 14 : i64} {
  func.func @deg_kernel(%arg0: i32, %arg1: i32, %arg2: memref<32x240x64xi32, #tpu.memory_space<hbm>>, %arg3: memref<640xf32, #tpu.memory_space<hbm>>, %arg4: memref<64xf32, #tpu.memory_space<hbm>>, %arg5: memref<2x10240xf32, #tpu.memory_space<hbm>>, %arg6: memref<240x64xi32, #tpu.memory_space<vmem>>, %arg7: memref<64xf32, #tpu.memory_space<vmem>>, %arg8: memref<10240xf32, #tpu.memory_space<vmem_shared>>, %arg9: memref<!tpu.dma_semaphore, #tpu.memory_space<semaphore_mem>>) attributes {dimension_semantics = [#tpu.dimension_semantics<core_parallel>, #tpu.dimension_semantics<subcore_parallel>], iteration_bounds = array<i64: 2, 16>, scalar_prefetch = 0 : i64, scratch_operands = 4 : i64, tpu.core_type = #tpu.core_type<sc_vector_subcore>, window_params = [{transform_indices = #map}, {transform_indices = #map1}, {transform_indices = #map1}, {transform_indices = #map2}]} {
    %mul3A = arith.constant 16 : i32
    %mul3A_0 = arith.muli %arg0, %mul3A : i32
    %add3A = arith.addi %mul3A_0, %arg1 : i32
    %eq3A = arith.constant 0 : i32
    %eq3A_1 = arith.cmpi eq, %arg0, %eq3A : i32
    %jit3A = arith.constant 240 : i32
    %jit3A_2 = arith.constant 80 : i32
    %select_n3A = arith.select %eq3A_1, %jit3A, %jit3A_2 : i32
    %mul3A_3 = arith.constant 640 : i32
    %mul3A_4 = arith.muli %arg1, %mul3A_3 : i32
    "tpu.region"() ({
      %run_scoped3A = tpu.sem_alloc : memref<!tpu.dma_semaphore, #tpu.memory_space<semaphore_mem>>
      %dma_start3A = tpu.memref_slice %arg8[%mul3A_4] : memref<10240xf32, #tpu.memory_space<vmem_shared>> -> memref<640xf32, #tpu.memory_space<vmem_shared>>
      tpu.enqueue_dma source(%arg3 : memref<640xf32, #tpu.memory_space<hbm>>) target(%dma_start3A : memref<640xf32, #tpu.memory_space<vmem_shared>>) target_semaphore(%run_scoped3A : memref<!tpu.dma_semaphore, #tpu.memory_space<semaphore_mem>>)
      %dma_wait3A = tpu.memref_slice %arg8[%mul3A_4] : memref<10240xf32, #tpu.memory_space<vmem_shared>> -> memref<640xf32, #tpu.memory_space<vmem_shared>>
      tpu.wait_dma2 semaphore(%run_scoped3A : memref<!tpu.dma_semaphore, #tpu.memory_space<semaphore_mem>>) src(%arg3 : memref<640xf32, #tpu.memory_space<hbm>>) dst(%dma_wait3A : memref<640xf32, #tpu.memory_space<vmem_shared>>)
      tpu.yield
    }) : () -> ()
    "tpu.region"() ({
      %run_scoped3A = tpu.sem_alloc : memref<!tpu.dma_semaphore, #tpu.memory_space<semaphore_mem>>
      tpu.enqueue_dma source(%arg4 : memref<64xf32, #tpu.memory_space<hbm>>) target(%arg7 : memref<64xf32, #tpu.memory_space<vmem>>) target_semaphore(%run_scoped3A : memref<!tpu.dma_semaphore, #tpu.memory_space<semaphore_mem>>)
      tpu.wait_dma2 semaphore(%run_scoped3A : memref<!tpu.dma_semaphore, #tpu.memory_space<semaphore_mem>>) src(%arg4 : memref<64xf32, #tpu.memory_space<hbm>>) dst(%arg7 : memref<64xf32, #tpu.memory_space<vmem>>)
      tpu.yield
    }) : () -> ()
    "tpu.region"() ({
      %run_scoped3A = tpu.sem_alloc : memref<!tpu.dma_semaphore, #tpu.memory_space<semaphore_mem>>
      %dma_start3A = arith.constant 0 : i32
      %dma_start3A_45 = arith.constant 0 : i32
      %dma_start3A_46 = tpu.memref_slice %arg2[%add3A, %dma_start3A, %dma_start3A_45] : memref<32x240x64xi32, #tpu.memory_space<hbm>> -> memref<1x240x64xi32, #tpu.memory_space<hbm>>
      %dma_start3A_47 = tpu.memref_squeeze %dma_start3A_46 : memref<1x240x64xi32, #tpu.memory_space<hbm>> -> memref<240x64xi32, #tpu.memory_space<hbm>>
      %dma_start3A_48 = arith.constant 0 : i32
      %dma_start3A_49 = arith.constant 0 : i32
      %dma_start3A_50 = tpu.memref_slice %arg2[%add3A, %dma_start3A_48, %dma_start3A_49] : memref<32x240x64xi32, #tpu.memory_space<hbm>> -> memref<1x240x64xi32, #tpu.memory_space<hbm>>
      %dma_start3A_51 = tpu.memref_squeeze %dma_start3A_50 : memref<1x240x64xi32, #tpu.memory_space<hbm>> -> memref<240x64xi32, #tpu.memory_space<hbm>>
      tpu.enqueue_dma source(%dma_start3A_51 : memref<240x64xi32, #tpu.memory_space<hbm>>) target(%arg6 : memref<240x64xi32, #tpu.memory_space<vmem>>) target_semaphore(%run_scoped3A : memref<!tpu.dma_semaphore, #tpu.memory_space<semaphore_mem>>)
      %dma_wait3A = arith.constant 0 : i32
      %dma_wait3A_52 = arith.constant 0 : i32
      %dma_wait3A_53 = tpu.memref_slice %arg2[%add3A, %dma_wait3A, %dma_wait3A_52] : memref<32x240x64xi32, #tpu.memory_space<hbm>> -> memref<1x240x64xi32, #tpu.memory_space<hbm>>
      %dma_wait3A_54 = tpu.memref_squeeze %dma_wait3A_53 : memref<1x240x64xi32, #tpu.memory_space<hbm>> -> memref<240x64xi32, #tpu.memory_space<hbm>>
      %dma_wait3A_55 = arith.constant 0 : i32
      %dma_wait3A_56 = arith.constant 0 : i32
      %dma_wait3A_57 = tpu.memref_slice %arg2[%add3A, %dma_wait3A_55, %dma_wait3A_56] : memref<32x240x64xi32, #tpu.memory_space<hbm>> -> memref<1x240x64xi32, #tpu.memory_space<hbm>>
      %dma_wait3A_58 = tpu.memref_squeeze %dma_wait3A_57 : memref<1x240x64xi32, #tpu.memory_space<hbm>> -> memref<240x64xi32, #tpu.memory_space<hbm>>
      tpu.wait_dma2 semaphore(%run_scoped3A : memref<!tpu.dma_semaphore, #tpu.memory_space<semaphore_mem>>) src(%dma_wait3A_58 : memref<240x64xi32, #tpu.memory_space<hbm>>) dst(%arg6 : memref<240x64xi32, #tpu.memory_space<vmem>>)
      tpu.yield
    }) : () -> ()
    %barrier3A = arith.constant 0 : index
    tpu.barrier barrier_id(%barrier3A)
    %sub3A = arith.constant 0 : i32
    %sub3A_5 = arith.subi %select_n3A, %sub3A : i32
    %sub3A_6 = arith.constant 1 : i32
    %sub3A_7 = arith.constant 1 : i32
    %sub3A_8 = arith.subi %sub3A_6, %sub3A_7 : i32
    %add3A_9 = arith.addi %sub3A_5, %sub3A_8 : i32
    %div3A = arith.constant 1 : i32
    %div3A_10 = arith.divsi %add3A_9, %div3A : i32
    %while3A = arith.constant 1 : i32
    %while3A_11 = arith.constant 0 : i32
    %while3A_12 = arith.constant 0 : i32
    %while3A_13 = arith.subi %div3A_10, %while3A_12 : i32
    %while3A_14 = arith.addi %while3A_12, %while3A_13 : i32
    %while3A_15 = arith.constant 1 : i32
    %while3A_16 = arith.divsi %while3A_13, %while3A_15 : i32
    %while3A_17 = arith.muli %while3A_16, %while3A_15 : i32
    %while3A_18 = arith.addi %while3A_12, %while3A_17 : i32
    %while3A_19 = arith.constant 1 : i32
    scf.for %while3A_45 = %while3A_12 to %while3A_18 step %while3A_19  : i32 {
      %mul3A_46 = arith.muli %while3A_45, %while3A : i32
      %add3A_47 = arith.addi %while3A_11, %mul3A_46 : i32
      %dma_start3A = arith.constant 0 : i32
      %dma_start3A_48 = tpu.memref_slice %arg6[%add3A_47, %dma_start3A] : memref<240x64xi32, #tpu.memory_space<vmem>> -> memref<1x64xi32, #tpu.memory_space<vmem>>
      %dma_start3A_49 = tpu.memref_squeeze %dma_start3A_48 : memref<1x64xi32, #tpu.memory_space<vmem>> -> memref<64xi32, #tpu.memory_space<vmem>>
      %dma_start3A_50 = arith.constant 0 : i32
      %dma_start3A_51 = tpu.memref_slice %arg8[%dma_start3A_50] : memref<10240xf32, #tpu.memory_space<vmem_shared>> -> memref<10240xf32, #tpu.memory_space<vmem_shared>>
      tpu.enqueue_indirect_dma source(%arg7 : memref<64xf32, #tpu.memory_space<vmem>>) target(%dma_start3A_51 : memref<10240xf32, #tpu.memory_space<vmem_shared>>) offsets(%dma_start3A_49 : memref<64xi32, #tpu.memory_space<vmem>>) semaphore(%arg9 : memref<!tpu.dma_semaphore, #tpu.memory_space<semaphore_mem>>) {add = true}
    }
    %while3A_20 = arith.constant 1 : i32
    scf.for %while3A_45 = %while3A_18 to %while3A_14 step %while3A_20  : i32 {
      %mul3A_46 = arith.muli %while3A_45, %while3A : i32
      %add3A_47 = arith.addi %while3A_11, %mul3A_46 : i32
      %dma_start3A = arith.constant 0 : i32
      %dma_start3A_48 = tpu.memref_slice %arg6[%add3A_47, %dma_start3A] : memref<240x64xi32, #tpu.memory_space<vmem>> -> memref<1x64xi32, #tpu.memory_space<vmem>>
      %dma_start3A_49 = tpu.memref_squeeze %dma_start3A_48 : memref<1x64xi32, #tpu.memory_space<vmem>> -> memref<64xi32, #tpu.memory_space<vmem>>
      %dma_start3A_50 = arith.constant 0 : i32
      %dma_start3A_51 = tpu.memref_slice %arg8[%dma_start3A_50] : memref<10240xf32, #tpu.memory_space<vmem_shared>> -> memref<10240xf32, #tpu.memory_space<vmem_shared>>
      tpu.enqueue_indirect_dma source(%arg7 : memref<64xf32, #tpu.memory_space<vmem>>) target(%dma_start3A_51 : memref<10240xf32, #tpu.memory_space<vmem_shared>>) offsets(%dma_start3A_49 : memref<64xi32, #tpu.memory_space<vmem>>) semaphore(%arg9 : memref<!tpu.dma_semaphore, #tpu.memory_space<semaphore_mem>>) {add = true}
    }
    %sub3A_21 = arith.constant 0 : i32
    %sub3A_22 = arith.subi %select_n3A, %sub3A_21 : i32
    %sub3A_23 = arith.constant 1 : i32
    %sub3A_24 = arith.constant 1 : i32
    %sub3A_25 = arith.subi %sub3A_23, %sub3A_24 : i32
    %add3A_26 = arith.addi %sub3A_22, %sub3A_25 : i32
    %div3A_27 = arith.constant 1 : i32
    %div3A_28 = arith.divsi %add3A_26, %div3A_27 : i32
    %while3A_29 = arith.constant 1 : i32
    %while3A_30 = arith.constant 0 : i32
    %while3A_31 = arith.constant 0 : i32
    %while3A_32 = arith.subi %div3A_28, %while3A_31 : i32
    %while3A_33 = arith.addi %while3A_31, %while3A_32 : i32
    %while3A_34 = arith.constant 1 : i32
    %while3A_35 = arith.divsi %while3A_32, %while3A_34 : i32
    %while3A_36 = arith.muli %while3A_35, %while3A_34 : i32
    %while3A_37 = arith.addi %while3A_31, %while3A_36 : i32
    %while3A_38 = arith.constant 1 : i32
    scf.for %while3A_45 = %while3A_31 to %while3A_37 step %while3A_38  : i32 {
      %mul3A_46 = arith.muli %while3A_45, %while3A_29 : i32
      %add3A_47 = arith.addi %while3A_30, %mul3A_46 : i32
      %dma_wait3A = arith.constant 0 : i32
      %dma_wait3A_48 = arith.constant 0 : i32
      %dma_wait3A_49 = tpu.memref_slice %arg6[%dma_wait3A, %dma_wait3A_48] : memref<240x64xi32, #tpu.memory_space<vmem>> -> memref<1x64xi32, #tpu.memory_space<vmem>>
      %dma_wait3A_50 = tpu.memref_squeeze %dma_wait3A_49 : memref<1x64xi32, #tpu.memory_space<vmem>> -> memref<64xi32, #tpu.memory_space<vmem>>
      %dma_wait3A_51 = arith.constant 0 : i32
      %dma_wait3A_52 = tpu.memref_slice %arg8[%dma_wait3A_51] : memref<10240xf32, #tpu.memory_space<vmem_shared>> -> memref<10240xf32, #tpu.memory_space<vmem_shared>>
      tpu.wait_indirect_dma semaphore(%arg9 : memref<!tpu.dma_semaphore, #tpu.memory_space<semaphore_mem>>) src(%arg7 : memref<64xf32, #tpu.memory_space<vmem>>) dst(%dma_wait3A_52 : memref<10240xf32, #tpu.memory_space<vmem_shared>>)
    }
    %while3A_39 = arith.constant 1 : i32
    scf.for %while3A_45 = %while3A_37 to %while3A_33 step %while3A_39  : i32 {
      %mul3A_46 = arith.muli %while3A_45, %while3A_29 : i32
      %add3A_47 = arith.addi %while3A_30, %mul3A_46 : i32
      %dma_wait3A = arith.constant 0 : i32
      %dma_wait3A_48 = arith.constant 0 : i32
      %dma_wait3A_49 = tpu.memref_slice %arg6[%dma_wait3A, %dma_wait3A_48] : memref<240x64xi32, #tpu.memory_space<vmem>> -> memref<1x64xi32, #tpu.memory_space<vmem>>
      %dma_wait3A_50 = tpu.memref_squeeze %dma_wait3A_49 : memref<1x64xi32, #tpu.memory_space<vmem>> -> memref<64xi32, #tpu.memory_space<vmem>>
      %dma_wait3A_51 = arith.constant 0 : i32
      %dma_wait3A_52 = tpu.memref_slice %arg8[%dma_wait3A_51] : memref<10240xf32, #tpu.memory_space<vmem_shared>> -> memref<10240xf32, #tpu.memory_space<vmem_shared>>
      tpu.wait_indirect_dma semaphore(%arg9 : memref<!tpu.dma_semaphore, #tpu.memory_space<semaphore_mem>>) src(%arg7 : memref<64xf32, #tpu.memory_space<vmem>>) dst(%dma_wait3A_52 : memref<10240xf32, #tpu.memory_space<vmem_shared>>)
    }
    %barrier3A_40 = arith.constant 0 : index
    tpu.barrier barrier_id(%barrier3A_40)
    %mul3A_41 = arith.constant 640 : i32
    %mul3A_42 = arith.muli %arg1, %mul3A_41 : i32
    %mul3A_43 = arith.constant 640 : i32
    %mul3A_44 = arith.muli %arg1, %mul3A_43 : i32
    "tpu.region"() ({
      %run_scoped3A = tpu.sem_alloc : memref<!tpu.dma_semaphore, #tpu.memory_space<semaphore_mem>>
      %dma_start3A = arith.constant 0 : i32
      %dma_start3A_45 = tpu.memref_slice %arg5[%arg0, %dma_start3A] : memref<2x10240xf32, #tpu.memory_space<hbm>> -> memref<1x10240xf32, #tpu.memory_space<hbm>>
      %dma_start3A_46 = tpu.memref_squeeze %dma_start3A_45 : memref<1x10240xf32, #tpu.memory_space<hbm>> -> memref<10240xf32, #tpu.memory_space<hbm>>
      %dma_start3A_47 = tpu.memref_slice %dma_start3A_46[%mul3A_44] : memref<10240xf32, #tpu.memory_space<hbm>> -> memref<640xf32, #tpu.memory_space<hbm>>
      %dma_start3A_48 = tpu.memref_slice %arg8[%mul3A_42] : memref<10240xf32, #tpu.memory_space<vmem_shared>> -> memref<640xf32, #tpu.memory_space<vmem_shared>>
      tpu.enqueue_dma source(%dma_start3A_48 : memref<640xf32, #tpu.memory_space<vmem_shared>>) target(%dma_start3A_47 : memref<640xf32, #tpu.memory_space<hbm>>) target_semaphore(%run_scoped3A : memref<!tpu.dma_semaphore, #tpu.memory_space<semaphore_mem>>)
      %dma_wait3A = arith.constant 0 : i32
      %dma_wait3A_49 = tpu.memref_slice %arg5[%arg0, %dma_wait3A] : memref<2x10240xf32, #tpu.memory_space<hbm>> -> memref<1x10240xf32, #tpu.memory_space<hbm>>
      %dma_wait3A_50 = tpu.memref_squeeze %dma_wait3A_49 : memref<1x10240xf32, #tpu.memory_space<hbm>> -> memref<10240xf32, #tpu.memory_space<hbm>>
      %dma_wait3A_51 = tpu.memref_slice %dma_wait3A_50[%mul3A_44] : memref<10240xf32, #tpu.memory_space<hbm>> -> memref<640xf32, #tpu.memory_space<hbm>>
      %dma_wait3A_52 = tpu.memref_slice %arg8[%mul3A_42] : memref<10240xf32, #tpu.memory_space<vmem_shared>> -> memref<640xf32, #tpu.memory_space<vmem_shared>>
      tpu.wait_dma2 semaphore(%run_scoped3A : memref<!tpu.dma_semaphore, #tpu.memory_space<semaphore_mem>>) src(%dma_wait3A_52 : memref<640xf32, #tpu.memory_space<vmem_shared>>) dst(%dma_wait3A_51 : memref<640xf32, #tpu.memory_space<hbm>>)
      tpu.yield
    }) : () -> ()
    return
  }
}

#map = affine_map<(d0, d1) -> (0, 0, 0)>
#map1 = affine_map<(d0, d1) -> (0, 0)>
module attributes {stable_mosaic.version = 14 : i64} {
  func.func @agg_kernel(%arg0: i32, %arg1: i32, %arg2: memref<32x240x64xi32, #tpu.memory_space<hbm>>, %arg3: memref<32x240x64xi32, #tpu.memory_space<hbm>>, %arg4: memref<10240x128xf32, #tpu.memory_space<hbm>>, %arg5: memref<640x128xf32, #tpu.memory_space<hbm>>, %arg6: memref<2x10240x128xf32, #tpu.memory_space<hbm>>, %arg7: memref<40x64xi32, #tpu.memory_space<vmem>>, %arg8: memref<40x64xi32, #tpu.memory_space<vmem>>, %arg9: memref<4x64x128xf32, #tpu.memory_space<vmem>>, %arg10: memref<10240x128xf32, #tpu.memory_space<vmem_shared>>, %arg11: memref<4x!tpu.dma_semaphore, #tpu.memory_space<semaphore_mem>>, %arg12: memref<4x!tpu.dma_semaphore, #tpu.memory_space<semaphore_mem>>) attributes {dimension_semantics = [#tpu.dimension_semantics<core_parallel>, #tpu.dimension_semantics<subcore_parallel>], iteration_bounds = array<i64: 2, 16>, scalar_prefetch = 0 : i64, scratch_operands = 6 : i64, tpu.core_type = #tpu.core_type<sc_vector_subcore>, window_params = [{transform_indices = #map}, {transform_indices = #map}, {transform_indices = #map1}, {transform_indices = #map1}, {transform_indices = #map}]} {
    %mul3A = arith.constant 16 : i32
    %mul3A_0 = arith.muli %arg0, %mul3A : i32
    %add3A = arith.addi %mul3A_0, %arg1 : i32
    %eq3A = arith.constant 0 : i32
    %eq3A_1 = arith.cmpi eq, %arg0, %eq3A : i32
    %jit3A = arith.constant 6 : i32
    %jit3A_2 = arith.constant 2 : i32
    %select_n3A = arith.select %eq3A_1, %jit3A, %jit3A_2 : i32
    %mul3A_3 = arith.constant 640 : i32
    %mul3A_4 = arith.muli %arg1, %mul3A_3 : i32
    "tpu.region"() ({
      %run_scoped3A = tpu.sem_alloc : memref<!tpu.dma_semaphore, #tpu.memory_space<semaphore_mem>>
      %dma_start3A = arith.constant 0 : i32
      %dma_start3A_26 = tpu.memref_slice %arg10[%mul3A_4, %dma_start3A] : memref<10240x128xf32, #tpu.memory_space<vmem_shared>> -> memref<640x128xf32, #tpu.memory_space<vmem_shared>>
      tpu.enqueue_dma source(%arg5 : memref<640x128xf32, #tpu.memory_space<hbm>>) target(%dma_start3A_26 : memref<640x128xf32, #tpu.memory_space<vmem_shared>>) target_semaphore(%run_scoped3A : memref<!tpu.dma_semaphore, #tpu.memory_space<semaphore_mem>>)
      %dma_wait3A = arith.constant 0 : i32
      %dma_wait3A_27 = tpu.memref_slice %arg10[%mul3A_4, %dma_wait3A] : memref<10240x128xf32, #tpu.memory_space<vmem_shared>> -> memref<640x128xf32, #tpu.memory_space<vmem_shared>>
      tpu.wait_dma2 semaphore(%run_scoped3A : memref<!tpu.dma_semaphore, #tpu.memory_space<semaphore_mem>>) src(%arg5 : memref<640x128xf32, #tpu.memory_space<hbm>>) dst(%dma_wait3A_27 : memref<640x128xf32, #tpu.memory_space<vmem_shared>>)
      tpu.yield
    }) : () -> ()
    %barrier3A = arith.constant 0 : index
    tpu.barrier barrier_id(%barrier3A)
    %sub3A = arith.constant 0 : i32
    %sub3A_5 = arith.subi %select_n3A, %sub3A : i32
    %sub3A_6 = arith.constant 1 : i32
    %sub3A_7 = arith.constant 1 : i32
    %sub3A_8 = arith.subi %sub3A_6, %sub3A_7 : i32
    %add3A_9 = arith.addi %sub3A_5, %sub3A_8 : i32
    %div3A = arith.constant 1 : i32
    %div3A_10 = arith.divsi %add3A_9, %div3A : i32
    %while3A = arith.constant 1 : i32
    %while3A_11 = arith.constant 0 : i32
    %while3A_12 = arith.constant 0 : i32
    %while3A_13 = arith.subi %div3A_10, %while3A_12 : i32
    %while3A_14 = arith.addi %while3A_12, %while3A_13 : i32
    %while3A_15 = arith.constant 1 : i32
    %while3A_16 = arith.divsi %while3A_13, %while3A_15 : i32
    %while3A_17 = arith.muli %while3A_16, %while3A_15 : i32
    %while3A_18 = arith.addi %while3A_12, %while3A_17 : i32
    %while3A_19 = arith.constant 1 : i32
    scf.for %while3A_26 = %while3A_12 to %while3A_18 step %while3A_19  : i32 {
      %mul3A_27 = arith.muli %while3A_26, %while3A : i32
      %add3A_28 = arith.addi %while3A_11, %mul3A_27 : i32
      %mul3A_29 = arith.constant 40 : i32
      %mul3A_30 = arith.muli %add3A_28, %mul3A_29 : i32
      "tpu.region"() ({
        %run_scoped3A = tpu.sem_alloc : memref<!tpu.dma_semaphore, #tpu.memory_space<semaphore_mem>>
        %dma_start3A_215 = arith.constant 0 : i32
        %dma_start3A_216 = arith.constant 0 : i32
        %dma_start3A_217 = tpu.memref_slice %arg2[%add3A, %dma_start3A_215, %dma_start3A_216] : memref<32x240x64xi32, #tpu.memory_space<hbm>> -> memref<1x240x64xi32, #tpu.memory_space<hbm>>
        %dma_start3A_218 = tpu.memref_squeeze %dma_start3A_217 : memref<1x240x64xi32, #tpu.memory_space<hbm>> -> memref<240x64xi32, #tpu.memory_space<hbm>>
        %dma_start3A_219 = arith.constant 0 : i32
        %dma_start3A_220 = tpu.memref_slice %dma_start3A_218[%mul3A_30, %dma_start3A_219] : memref<240x64xi32, #tpu.memory_space<hbm>> -> memref<40x64xi32, #tpu.memory_space<hbm>>
        %dma_start3A_221 = arith.constant 0 : i32
        %dma_start3A_222 = arith.constant 0 : i32
        %dma_start3A_223 = tpu.memref_slice %arg2[%add3A, %dma_start3A_221, %dma_start3A_222] : memref<32x240x64xi32, #tpu.memory_space<hbm>> -> memref<1x240x64xi32, #tpu.memory_space<hbm>>
        %dma_start3A_224 = tpu.memref_squeeze %dma_start3A_223 : memref<1x240x64xi32, #tpu.memory_space<hbm>> -> memref<240x64xi32, #tpu.memory_space<hbm>>
        %dma_start3A_225 = arith.constant 0 : i32
        %dma_start3A_226 = tpu.memref_slice %dma_start3A_224[%mul3A_30, %dma_start3A_225] : memref<240x64xi32, #tpu.memory_space<hbm>> -> memref<40x64xi32, #tpu.memory_space<hbm>>
        tpu.enqueue_dma source(%dma_start3A_226 : memref<40x64xi32, #tpu.memory_space<hbm>>) target(%arg7 : memref<40x64xi32, #tpu.memory_space<vmem>>) target_semaphore(%run_scoped3A : memref<!tpu.dma_semaphore, #tpu.memory_space<semaphore_mem>>)
        %dma_wait3A_227 = arith.constant 0 : i32
        %dma_wait3A_228 = arith.constant 0 : i32
        %dma_wait3A_229 = tpu.memref_slice %arg2[%add3A, %dma_wait3A_227, %dma_wait3A_228] : memref<32x240x64xi32, #tpu.memory_space<hbm>> -> memref<1x240x64xi32, #tpu.memory_space<hbm>>
        %dma_wait3A_230 = tpu.memref_squeeze %dma_wait3A_229 : memref<1x240x64xi32, #tpu.memory_space<hbm>> -> memref<240x64xi32, #tpu.memory_space<hbm>>
        %dma_wait3A_231 = arith.constant 0 : i32
        %dma_wait3A_232 = tpu.memref_slice %dma_wait3A_230[%mul3A_30, %dma_wait3A_231] : memref<240x64xi32, #tpu.memory_space<hbm>> -> memref<40x64xi32, #tpu.memory_space<hbm>>
        %dma_wait3A_233 = arith.constant 0 : i32
        %dma_wait3A_234 = arith.constant 0 : i32
        %dma_wait3A_235 = tpu.memref_slice %arg2[%add3A, %dma_wait3A_233, %dma_wait3A_234] : memref<32x240x64xi32, #tpu.memory_space<hbm>> -> memref<1x240x64xi32, #tpu.memory_space<hbm>>
        %dma_wait3A_236 = tpu.memref_squeeze %dma_wait3A_235 : memref<1x240x64xi32, #tpu.memory_space<hbm>> -> memref<240x64xi32, #tpu.memory_space<hbm>>
        %dma_wait3A_237 = arith.constant 0 : i32
        %dma_wait3A_238 = tpu.memref_slice %dma_wait3A_236[%mul3A_30, %dma_wait3A_237] : memref<240x64xi32, #tpu.memory_space<hbm>> -> memref<40x64xi32, #tpu.memory_space<hbm>>
        tpu.wait_dma2 semaphore(%run_scoped3A : memref<!tpu.dma_semaphore, #tpu.memory_space<semaphore_mem>>) src(%dma_wait3A_238 : memref<40x64xi32, #tpu.memory_space<hbm>>) dst(%arg7 : memref<40x64xi32, #tpu.memory_space<vmem>>)
        tpu.yield
      }) : () -> ()
      %mul3A_31 = arith.constant 40 : i32
      %mul3A_32 = arith.muli %add3A_28, %mul3A_31 : i32
      "tpu.region"() ({
        %run_scoped3A = tpu.sem_alloc : memref<!tpu.dma_semaphore, #tpu.memory_space<semaphore_mem>>
        %dma_start3A_215 = arith.constant 0 : i32
        %dma_start3A_216 = arith.constant 0 : i32
        %dma_start3A_217 = tpu.memref_slice %arg3[%add3A, %dma_start3A_215, %dma_start3A_216] : memref<32x240x64xi32, #tpu.memory_space<hbm>> -> memref<1x240x64xi32, #tpu.memory_space<hbm>>
        %dma_start3A_218 = tpu.memref_squeeze %dma_start3A_217 : memref<1x240x64xi32, #tpu.memory_space<hbm>> -> memref<240x64xi32, #tpu.memory_space<hbm>>
        %dma_start3A_219 = arith.constant 0 : i32
        %dma_start3A_220 = tpu.memref_slice %dma_start3A_218[%mul3A_32, %dma_start3A_219] : memref<240x64xi32, #tpu.memory_space<hbm>> -> memref<40x64xi32, #tpu.memory_space<hbm>>
        %dma_start3A_221 = arith.constant 0 : i32
        %dma_start3A_222 = arith.constant 0 : i32
        %dma_start3A_223 = tpu.memref_slice %arg3[%add3A, %dma_start3A_221, %dma_start3A_222] : memref<32x240x64xi32, #tpu.memory_space<hbm>> -> memref<1x240x64xi32, #tpu.memory_space<hbm>>
        %dma_start3A_224 = tpu.memref_squeeze %dma_start3A_223 : memref<1x240x64xi32, #tpu.memory_space<hbm>> -> memref<240x64xi32, #tpu.memory_space<hbm>>
        %dma_start3A_225 = arith.constant 0 : i32
        %dma_start3A_226 = tpu.memref_slice %dma_start3A_224[%mul3A_32, %dma_start3A_225] : memref<240x64xi32, #tpu.memory_space<hbm>> -> memref<40x64xi32, #tpu.memory_space<hbm>>
        tpu.enqueue_dma source(%dma_start3A_226 : memref<40x64xi32, #tpu.memory_space<hbm>>) target(%arg8 : memref<40x64xi32, #tpu.memory_space<vmem>>) target_semaphore(%run_scoped3A : memref<!tpu.dma_semaphore, #tpu.memory_space<semaphore_mem>>)
        %dma_wait3A_227 = arith.constant 0 : i32
        %dma_wait3A_228 = arith.constant 0 : i32
        %dma_wait3A_229 = tpu.memref_slice %arg3[%add3A, %dma_wait3A_227, %dma_wait3A_228] : memref<32x240x64xi32, #tpu.memory_space<hbm>> -> memref<1x240x64xi32, #tpu.memory_space<hbm>>
        %dma_wait3A_230 = tpu.memref_squeeze %dma_wait3A_229 : memref<1x240x64xi32, #tpu.memory_space<hbm>> -> memref<240x64xi32, #tpu.memory_space<hbm>>
        %dma_wait3A_231 = arith.constant 0 : i32
        %dma_wait3A_232 = tpu.memref_slice %dma_wait3A_230[%mul3A_32, %dma_wait3A_231] : memref<240x64xi32, #tpu.memory_space<hbm>> -> memref<40x64xi32, #tpu.memory_space<hbm>>
        %dma_wait3A_233 = arith.constant 0 : i32
        %dma_wait3A_234 = arith.constant 0 : i32
        %dma_wait3A_235 = tpu.memref_slice %arg3[%add3A, %dma_wait3A_233, %dma_wait3A_234] : memref<32x240x64xi32, #tpu.memory_space<hbm>> -> memref<1x240x64xi32, #tpu.memory_space<hbm>>
        %dma_wait3A_236 = tpu.memref_squeeze %dma_wait3A_235 : memref<1x240x64xi32, #tpu.memory_space<hbm>> -> memref<240x64xi32, #tpu.memory_space<hbm>>
        %dma_wait3A_237 = arith.constant 0 : i32
        %dma_wait3A_238 = tpu.memref_slice %dma_wait3A_236[%mul3A_32, %dma_wait3A_237] : memref<240x64xi32, #tpu.memory_space<hbm>> -> memref<40x64xi32, #tpu.memory_space<hbm>>
        tpu.wait_dma2 semaphore(%run_scoped3A : memref<!tpu.dma_semaphore, #tpu.memory_space<semaphore_mem>>) src(%dma_wait3A_238 : memref<40x64xi32, #tpu.memory_space<hbm>>) dst(%arg8 : memref<40x64xi32, #tpu.memory_space<vmem>>)
        tpu.yield
      }) : () -> ()
      %dma_start3A = arith.constant 0 : i32
      %dma_start3A_33 = arith.constant 0 : i32
      %dma_start3A_34 = arith.constant 0 : i32
      %dma_start3A_35 = arith.constant 0 : i32
      %dma_start3A_36 = arith.constant 0 : i32
      %dma_start3A_37 = tpu.memref_slice %arg9[%dma_start3A_33, %dma_start3A_35, %dma_start3A_36] : memref<4x64x128xf32, #tpu.memory_space<vmem>> -> memref<1x64x128xf32, #tpu.memory_space<vmem>>
      %dma_start3A_38 = tpu.memref_squeeze %dma_start3A_37 : memref<1x64x128xf32, #tpu.memory_space<vmem>> -> memref<64x128xf32, #tpu.memory_space<vmem>>
      %dma_start3A_39 = arith.constant 0 : i32
      %dma_start3A_40 = tpu.memref_slice %arg7[%dma_start3A, %dma_start3A_39] : memref<40x64xi32, #tpu.memory_space<vmem>> -> memref<1x64xi32, #tpu.memory_space<vmem>>
      %dma_start3A_41 = tpu.memref_squeeze %dma_start3A_40 : memref<1x64xi32, #tpu.memory_space<vmem>> -> memref<64xi32, #tpu.memory_space<vmem>>
      %dma_start3A_42 = arith.constant 0 : i32
      %dma_start3A_43 = arith.constant 0 : i32
      %dma_start3A_44 = tpu.memref_slice %arg4[%dma_start3A_42, %dma_start3A_43] : memref<10240x128xf32, #tpu.memory_space<hbm>> -> memref<10240x128xf32, #tpu.memory_space<hbm>>
      %dma_start3A_45 = tpu.memref_slice %arg11[%dma_start3A_34] : memref<4x!tpu.dma_semaphore, #tpu.memory_space<semaphore_mem>> -> memref<1x!tpu.dma_semaphore, #tpu.memory_space<semaphore_mem>>
      %dma_start3A_46 = tpu.memref_squeeze %dma_start3A_45 : memref<1x!tpu.dma_semaphore, #tpu.memory_space<semaphore_mem>> -> memref<!tpu.dma_semaphore, #tpu.memory_space<semaphore_mem>>
      tpu.enqueue_indirect_dma source(%dma_start3A_44 : memref<10240x128xf32, #tpu.memory_space<hbm>>) target(%dma_start3A_38 : memref<64x128xf32, #tpu.memory_space<vmem>>) offsets(%dma_start3A_41 : memref<64xi32, #tpu.memory_space<vmem>>) semaphore(%dma_start3A_46 : memref<!tpu.dma_semaphore, #tpu.memory_space<semaphore_mem>>)
      %dma_start3A_47 = arith.constant 1 : i32
      %dma_start3A_48 = arith.constant 1 : i32
      %dma_start3A_49 = arith.constant 1 : i32
      %dma_start3A_50 = arith.constant 0 : i32
      %dma_start3A_51 = arith.constant 0 : i32
      %dma_start3A_52 = tpu.memref_slice %arg9[%dma_start3A_48, %dma_start3A_50, %dma_start3A_51] : memref<4x64x128xf32, #tpu.memory_space<vmem>> -> memref<1x64x128xf32, #tpu.memory_space<vmem>>
      %dma_start3A_53 = tpu.memref_squeeze %dma_start3A_52 : memref<1x64x128xf32, #tpu.memory_space<vmem>> -> memref<64x128xf32, #tpu.memory_space<vmem>>
      %dma_start3A_54 = arith.constant 0 : i32
      %dma_start3A_55 = tpu.memref_slice %arg7[%dma_start3A_47, %dma_start3A_54] : memref<40x64xi32, #tpu.memory_space<vmem>> -> memref<1x64xi32, #tpu.memory_space<vmem>>
      %dma_start3A_56 = tpu.memref_squeeze %dma_start3A_55 : memref<1x64xi32, #tpu.memory_space<vmem>> -> memref<64xi32, #tpu.memory_space<vmem>>
      %dma_start3A_57 = arith.constant 0 : i32
      %dma_start3A_58 = arith.constant 0 : i32
      %dma_start3A_59 = tpu.memref_slice %arg4[%dma_start3A_57, %dma_start3A_58] : memref<10240x128xf32, #tpu.memory_space<hbm>> -> memref<10240x128xf32, #tpu.memory_space<hbm>>
      %dma_start3A_60 = tpu.memref_slice %arg11[%dma_start3A_49] : memref<4x!tpu.dma_semaphore, #tpu.memory_space<semaphore_mem>> -> memref<1x!tpu.dma_semaphore, #tpu.memory_space<semaphore_mem>>
      %dma_start3A_61 = tpu.memref_squeeze %dma_start3A_60 : memref<1x!tpu.dma_semaphore, #tpu.memory_space<semaphore_mem>> -> memref<!tpu.dma_semaphore, #tpu.memory_space<semaphore_mem>>
      tpu.enqueue_indirect_dma source(%dma_start3A_59 : memref<10240x128xf32, #tpu.memory_space<hbm>>) target(%dma_start3A_53 : memref<64x128xf32, #tpu.memory_space<vmem>>) offsets(%dma_start3A_56 : memref<64xi32, #tpu.memory_space<vmem>>) semaphore(%dma_start3A_61 : memref<!tpu.dma_semaphore, #tpu.memory_space<semaphore_mem>>)
      %dma_wait3A = arith.constant 0 : i32
      %dma_wait3A_62 = arith.constant 0 : i32
      %dma_wait3A_63 = arith.constant 0 : i32
      %dma_wait3A_64 = arith.constant 0 : i32
      %dma_wait3A_65 = arith.constant 0 : i32
      %dma_wait3A_66 = tpu.memref_slice %arg9[%dma_wait3A_62, %dma_wait3A_64, %dma_wait3A_65] : memref<4x64x128xf32, #tpu.memory_space<vmem>> -> memref<1x64x128xf32, #tpu.memory_space<vmem>>
      %dma_wait3A_67 = tpu.memref_squeeze %dma_wait3A_66 : memref<1x64x128xf32, #tpu.memory_space<vmem>> -> memref<64x128xf32, #tpu.memory_space<vmem>>
      %dma_wait3A_68 = arith.constant 0 : i32
      %dma_wait3A_69 = tpu.memref_slice %arg7[%dma_wait3A, %dma_wait3A_68] : memref<40x64xi32, #tpu.memory_space<vmem>> -> memref<1x64xi32, #tpu.memory_space<vmem>>
      %dma_wait3A_70 = tpu.memref_squeeze %dma_wait3A_69 : memref<1x64xi32, #tpu.memory_space<vmem>> -> memref<64xi32, #tpu.memory_space<vmem>>
      %dma_wait3A_71 = arith.constant 0 : i32
      %dma_wait3A_72 = arith.constant 0 : i32
      %dma_wait3A_73 = tpu.memref_slice %arg4[%dma_wait3A_71, %dma_wait3A_72] : memref<10240x128xf32, #tpu.memory_space<hbm>> -> memref<10240x128xf32, #tpu.memory_space<hbm>>
      %dma_wait3A_74 = tpu.memref_slice %arg11[%dma_wait3A_63] : memref<4x!tpu.dma_semaphore, #tpu.memory_space<semaphore_mem>> -> memref<1x!tpu.dma_semaphore, #tpu.memory_space<semaphore_mem>>
      %dma_wait3A_75 = tpu.memref_squeeze %dma_wait3A_74 : memref<1x!tpu.dma_semaphore, #tpu.memory_space<semaphore_mem>> -> memref<!tpu.dma_semaphore, #tpu.memory_space<semaphore_mem>>
      tpu.wait_indirect_dma semaphore(%dma_wait3A_75 : memref<!tpu.dma_semaphore, #tpu.memory_space<semaphore_mem>>) src(%dma_wait3A_73 : memref<10240x128xf32, #tpu.memory_space<hbm>>) dst(%dma_wait3A_67 : memref<64x128xf32, #tpu.memory_space<vmem>>)
      %dma_start3A_76 = arith.constant 2 : i32
      %dma_start3A_77 = arith.constant 2 : i32
      %dma_start3A_78 = arith.constant 2 : i32
      %dma_start3A_79 = arith.constant 0 : i32
      %dma_start3A_80 = arith.constant 0 : i32
      %dma_start3A_81 = tpu.memref_slice %arg9[%dma_start3A_77, %dma_start3A_79, %dma_start3A_80] : memref<4x64x128xf32, #tpu.memory_space<vmem>> -> memref<1x64x128xf32, #tpu.memory_space<vmem>>
      %dma_start3A_82 = tpu.memref_squeeze %dma_start3A_81 : memref<1x64x128xf32, #tpu.memory_space<vmem>> -> memref<64x128xf32, #tpu.memory_space<vmem>>
      %dma_start3A_83 = arith.constant 0 : i32
      %dma_start3A_84 = tpu.memref_slice %arg7[%dma_start3A_76, %dma_start3A_83] : memref<40x64xi32, #tpu.memory_space<vmem>> -> memref<1x64xi32, #tpu.memory_space<vmem>>
      %dma_start3A_85 = tpu.memref_squeeze %dma_start3A_84 : memref<1x64xi32, #tpu.memory_space<vmem>> -> memref<64xi32, #tpu.memory_space<vmem>>
      %dma_start3A_86 = arith.constant 0 : i32
      %dma_start3A_87 = arith.constant 0 : i32
      %dma_start3A_88 = tpu.memref_slice %arg4[%dma_start3A_86, %dma_start3A_87] : memref<10240x128xf32, #tpu.memory_space<hbm>> -> memref<10240x128xf32, #tpu.memory_space<hbm>>
      %dma_start3A_89 = tpu.memref_slice %arg11[%dma_start3A_78] : memref<4x!tpu.dma_semaphore, #tpu.memory_space<semaphore_mem>> -> memref<1x!tpu.dma_semaphore, #tpu.memory_space<semaphore_mem>>
      %dma_start3A_90 = tpu.memref_squeeze %dma_start3A_89 : memref<1x!tpu.dma_semaphore, #tpu.memory_space<semaphore_mem>> -> memref<!tpu.dma_semaphore, #tpu.memory_space<semaphore_mem>>
      tpu.enqueue_indirect_dma source(%dma_start3A_88 : memref<10240x128xf32, #tpu.memory_space<hbm>>) target(%dma_start3A_82 : memref<64x128xf32, #tpu.memory_space<vmem>>) offsets(%dma_start3A_85 : memref<64xi32, #tpu.memory_space<vmem>>) semaphore(%dma_start3A_90 : memref<!tpu.dma_semaphore, #tpu.memory_space<semaphore_mem>>)
      %dma_start3A_91 = arith.constant 0 : i32
      %dma_start3A_92 = arith.constant 0 : i32
      %dma_start3A_93 = arith.constant 0 : i32
      %dma_start3A_94 = arith.constant 0 : i32
      %dma_start3A_95 = arith.constant 0 : i32
      %dma_start3A_96 = tpu.memref_slice %arg9[%dma_start3A_91, %dma_start3A_94, %dma_start3A_95] : memref<4x64x128xf32, #tpu.memory_space<vmem>> -> memref<1x64x128xf32, #tpu.memory_space<vmem>>
      %dma_start3A_97 = tpu.memref_squeeze %dma_start3A_96 : memref<1x64x128xf32, #tpu.memory_space<vmem>> -> memref<64x128xf32, #tpu.memory_space<vmem>>
      %dma_start3A_98 = arith.constant 0 : i32
      %dma_start3A_99 = tpu.memref_slice %arg8[%dma_start3A_92, %dma_start3A_98] : memref<40x64xi32, #tpu.memory_space<vmem>> -> memref<1x64xi32, #tpu.memory_space<vmem>>
      %dma_start3A_100 = tpu.memref_squeeze %dma_start3A_99 : memref<1x64xi32, #tpu.memory_space<vmem>> -> memref<64xi32, #tpu.memory_space<vmem>>
      %dma_start3A_101 = arith.constant 0 : i32
      %dma_start3A_102 = arith.constant 0 : i32
      %dma_start3A_103 = tpu.memref_slice %arg10[%dma_start3A_101, %dma_start3A_102] : memref<10240x128xf32, #tpu.memory_space<vmem_shared>> -> memref<10240x128xf32, #tpu.memory_space<vmem_shared>>
      %dma_start3A_104 = tpu.memref_slice %arg12[%dma_start3A_93] : memref<4x!tpu.dma_semaphore, #tpu.memory_space<semaphore_mem>> -> memref<1x!tpu.dma_semaphore, #tpu.memory_space<semaphore_mem>>
      %dma_start3A_105 = tpu.memref_squeeze %dma_start3A_104 : memref<1x!tpu.dma_semaphore, #tpu.memory_space<semaphore_mem>> -> memref<!tpu.dma_semaphore, #tpu.memory_space<semaphore_mem>>
      tpu.enqueue_indirect_dma source(%dma_start3A_97 : memref<64x128xf32, #tpu.memory_space<vmem>>) target(%dma_start3A_103 : memref<10240x128xf32, #tpu.memory_space<vmem_shared>>) offsets(%dma_start3A_100 : memref<64xi32, #tpu.memory_space<vmem>>) semaphore(%dma_start3A_105 : memref<!tpu.dma_semaphore, #tpu.memory_space<semaphore_mem>>) {add = true}
      %dma_wait3A_106 = arith.constant 0 : i32
      %dma_wait3A_107 = arith.constant 0 : i32
      %dma_wait3A_108 = arith.constant 1 : i32
      %dma_wait3A_109 = arith.constant 0 : i32
      %dma_wait3A_110 = arith.constant 0 : i32
      %dma_wait3A_111 = tpu.memref_slice %arg9[%dma_wait3A_107, %dma_wait3A_109, %dma_wait3A_110] : memref<4x64x128xf32, #tpu.memory_space<vmem>> -> memref<1x64x128xf32, #tpu.memory_space<vmem>>
      %dma_wait3A_112 = tpu.memref_squeeze %dma_wait3A_111 : memref<1x64x128xf32, #tpu.memory_space<vmem>> -> memref<64x128xf32, #tpu.memory_space<vmem>>
      %dma_wait3A_113 = arith.constant 0 : i32
      %dma_wait3A_114 = tpu.memref_slice %arg7[%dma_wait3A_106, %dma_wait3A_113] : memref<40x64xi32, #tpu.memory_space<vmem>> -> memref<1x64xi32, #tpu.memory_space<vmem>>
      %dma_wait3A_115 = tpu.memref_squeeze %dma_wait3A_114 : memref<1x64xi32, #tpu.memory_space<vmem>> -> memref<64xi32, #tpu.memory_space<vmem>>
      %dma_wait3A_116 = arith.constant 0 : i32
      %dma_wait3A_117 = arith.constant 0 : i32
      %dma_wait3A_118 = tpu.memref_slice %arg4[%dma_wait3A_116, %dma_wait3A_117] : memref<10240x128xf32, #tpu.memory_space<hbm>> -> memref<10240x128xf32, #tpu.memory_space<hbm>>
      %dma_wait3A_119 = tpu.memref_slice %arg11[%dma_wait3A_108] : memref<4x!tpu.dma_semaphore, #tpu.memory_space<semaphore_mem>> -> memref<1x!tpu.dma_semaphore, #tpu.memory_space<semaphore_mem>>
      %dma_wait3A_120 = tpu.memref_squeeze %dma_wait3A_119 : memref<1x!tpu.dma_semaphore, #tpu.memory_space<semaphore_mem>> -> memref<!tpu.dma_semaphore, #tpu.memory_space<semaphore_mem>>
      tpu.wait_indirect_dma semaphore(%dma_wait3A_120 : memref<!tpu.dma_semaphore, #tpu.memory_space<semaphore_mem>>) src(%dma_wait3A_118 : memref<10240x128xf32, #tpu.memory_space<hbm>>) dst(%dma_wait3A_112 : memref<64x128xf32, #tpu.memory_space<vmem>>)
      %dma_start3A_121 = arith.constant 3 : i32
      %dma_start3A_122 = arith.constant 3 : i32
      %dma_start3A_123 = arith.constant 3 : i32
      %dma_start3A_124 = arith.constant 0 : i32
      %dma_start3A_125 = arith.constant 0 : i32
      %dma_start3A_126 = tpu.memref_slice %arg9[%dma_start3A_122, %dma_start3A_124, %dma_start3A_125] : memref<4x64x128xf32, #tpu.memory_space<vmem>> -> memref<1x64x128xf32, #tpu.memory_space<vmem>>
      %dma_start3A_127 = tpu.memref_squeeze %dma_start3A_126 : memref<1x64x128xf32, #tpu.memory_space<vmem>> -> memref<64x128xf32, #tpu.memory_space<vmem>>
      %dma_start3A_128 = arith.constant 0 : i32
      %dma_start3A_129 = tpu.memref_slice %arg7[%dma_start3A_121, %dma_start3A_128] : memref<40x64xi32, #tpu.memory_space<vmem>> -> memref<1x64xi32, #tpu.memory_space<vmem>>
      %dma_start3A_130 = tpu.memref_squeeze %dma_start3A_129 : memref<1x64xi32, #tpu.memory_space<vmem>> -> memref<64xi32, #tpu.memory_space<vmem>>
      %dma_start3A_131 = arith.constant 0 : i32
      %dma_start3A_132 = arith.constant 0 : i32
      %dma_start3A_133 = tpu.memref_slice %arg4[%dma_start3A_131, %dma_start3A_132] : memref<10240x128xf32, #tpu.memory_space<hbm>> -> memref<10240x128xf32, #tpu.memory_space<hbm>>
      %dma_start3A_134 = tpu.memref_slice %arg11[%dma_start3A_123] : memref<4x!tpu.dma_semaphore, #tpu.memory_space<semaphore_mem>> -> memref<1x!tpu.dma_semaphore, #tpu.memory_space<semaphore_mem>>
      %dma_start3A_135 = tpu.memref_squeeze %dma_start3A_134 : memref<1x!tpu.dma_semaphore, #tpu.memory_space<semaphore_mem>> -> memref<!tpu.dma_semaphore, #tpu.memory_space<semaphore_mem>>
      tpu.enqueue_indirect_dma source(%dma_start3A_133 : memref<10240x128xf32, #tpu.memory_space<hbm>>) target(%dma_start3A_127 : memref<64x128xf32, #tpu.memory_space<vmem>>) offsets(%dma_start3A_130 : memref<64xi32, #tpu.memory_space<vmem>>) semaphore(%dma_start3A_135 : memref<!tpu.dma_semaphore, #tpu.memory_space<semaphore_mem>>)
      %dma_start3A_136 = arith.constant 1 : i32
      %dma_start3A_137 = arith.constant 1 : i32
      %dma_start3A_138 = arith.constant 1 : i32
      %dma_start3A_139 = arith.constant 0 : i32
      %dma_start3A_140 = arith.constant 0 : i32
      %dma_start3A_141 = tpu.memref_slice %arg9[%dma_start3A_136, %dma_start3A_139, %dma_start3A_140] : memref<4x64x128xf32, #tpu.memory_space<vmem>> -> memref<1x64x128xf32, #tpu.memory_space<vmem>>
      %dma_start3A_142 = tpu.memref_squeeze %dma_start3A_141 : memref<1x64x128xf32, #tpu.memory_space<vmem>> -> memref<64x128xf32, #tpu.memory_space<vmem>>
      %dma_start3A_143 = arith.constant 0 : i32
      %dma_start3A_144 = tpu.memref_slice %arg8[%dma_start3A_137, %dma_start3A_143] : memref<40x64xi32, #tpu.memory_space<vmem>> -> memref<1x64xi32, #tpu.memory_space<vmem>>
      %dma_start3A_145 = tpu.memref_squeeze %dma_start3A_144 : memref<1x64xi32, #tpu.memory_space<vmem>> -> memref<64xi32, #tpu.memory_space<vmem>>
      %dma_start3A_146 = arith.constant 0 : i32
      %dma_start3A_147 = arith.constant 0 : i32
      %dma_start3A_148 = tpu.memref_slice %arg10[%dma_start3A_146, %dma_start3A_147] : memref<10240x128xf32, #tpu.memory_space<vmem_shared>> -> memref<10240x128xf32, #tpu.memory_space<vmem_shared>>
      %dma_start3A_149 = tpu.memref_slice %arg12[%dma_start3A_138] : memref<4x!tpu.dma_semaphore, #tpu.memory_space<semaphore_mem>> -> memref<1x!tpu.dma_semaphore, #tpu.memory_space<semaphore_mem>>
      %dma_start3A_150 = tpu.memref_squeeze %dma_start3A_149 : memref<1x!tpu.dma_semaphore, #tpu.memory_space<semaphore_mem>> -> memref<!tpu.dma_semaphore, #tpu.memory_space<semaphore_mem>>
      tpu.enqueue_indirect_dma source(%dma_start3A_142 : memref<64x128xf32, #tpu.memory_space<vmem>>) target(%dma_start3A_148 : memref<10240x128xf32, #tpu.memory_space<vmem_shared>>) offsets(%dma_start3A_145 : memref<64xi32, #tpu.memory_space<vmem>>) semaphore(%dma_start3A_150 : memref<!tpu.dma_semaphore, #tpu.memory_space<semaphore_mem>>) {add = true}
      %scan3A = arith.constant 0 : i32
      %scan3A_151 = arith.constant 38 : i32
      %scan3A_152 = arith.addi %scan3A, %scan3A_151 : i32
      %scan3A_153 = arith.constant 1 : i32
      scf.for %scan3A_215 = %scan3A to %scan3A_152 step %scan3A_153  : i32 {
        %mul3A_216 = arith.constant 1 : i32
        %mul3A_217 = arith.muli %scan3A_215, %mul3A_216 : i32
        %add3A_218 = arith.constant 2 : i32
        %add3A_219 = arith.addi %add3A_218, %mul3A_217 : i32
        %rem3A = arith.constant 4 : i32
        %rem3A_220 = arith.remsi %add3A_219, %rem3A : i32
        %add3A_221 = arith.constant 2 : i32
        %add3A_222 = arith.addi %add3A_219, %add3A_221 : i32
        %rem3A_223 = arith.constant 4 : i32
        %rem3A_224 = arith.remsi %add3A_222, %rem3A_223 : i32
        %dma_wait3A_225 = arith.constant 0 : i32
        %dma_wait3A_226 = arith.constant 0 : i32
        %dma_wait3A_227 = arith.constant 0 : i32
        %dma_wait3A_228 = arith.constant 0 : i32
        %dma_wait3A_229 = tpu.memref_slice %arg9[%dma_wait3A_226, %dma_wait3A_227, %dma_wait3A_228] : memref<4x64x128xf32, #tpu.memory_space<vmem>> -> memref<1x64x128xf32, #tpu.memory_space<vmem>>
        %dma_wait3A_230 = tpu.memref_squeeze %dma_wait3A_229 : memref<1x64x128xf32, #tpu.memory_space<vmem>> -> memref<64x128xf32, #tpu.memory_space<vmem>>
        %dma_wait3A_231 = arith.constant 0 : i32
        %dma_wait3A_232 = tpu.memref_slice %arg7[%dma_wait3A_225, %dma_wait3A_231] : memref<40x64xi32, #tpu.memory_space<vmem>> -> memref<1x64xi32, #tpu.memory_space<vmem>>
        %dma_wait3A_233 = tpu.memref_squeeze %dma_wait3A_232 : memref<1x64xi32, #tpu.memory_space<vmem>> -> memref<64xi32, #tpu.memory_space<vmem>>
        %dma_wait3A_234 = arith.constant 0 : i32
        %dma_wait3A_235 = arith.constant 0 : i32
        %dma_wait3A_236 = tpu.memref_slice %arg4[%dma_wait3A_234, %dma_wait3A_235] : memref<10240x128xf32, #tpu.memory_space<hbm>> -> memref<10240x128xf32, #tpu.memory_space<hbm>>
        %dma_wait3A_237 = tpu.memref_slice %arg11[%rem3A_220] : memref<4x!tpu.dma_semaphore, #tpu.memory_space<semaphore_mem>> -> memref<1x!tpu.dma_semaphore, #tpu.memory_space<semaphore_mem>>
        %dma_wait3A_238 = tpu.memref_squeeze %dma_wait3A_237 : memref<1x!tpu.dma_semaphore, #tpu.memory_space<semaphore_mem>> -> memref<!tpu.dma_semaphore, #tpu.memory_space<semaphore_mem>>
        tpu.wait_indirect_dma semaphore(%dma_wait3A_238 : memref<!tpu.dma_semaphore, #tpu.memory_space<semaphore_mem>>) src(%dma_wait3A_236 : memref<10240x128xf32, #tpu.memory_space<hbm>>) dst(%dma_wait3A_230 : memref<64x128xf32, #tpu.memory_space<vmem>>)
        %dma_wait3A_239 = arith.constant 0 : i32
        %dma_wait3A_240 = arith.constant 0 : i32
        %dma_wait3A_241 = arith.constant 0 : i32
        %dma_wait3A_242 = arith.constant 0 : i32
        %dma_wait3A_243 = tpu.memref_slice %arg9[%dma_wait3A_239, %dma_wait3A_241, %dma_wait3A_242] : memref<4x64x128xf32, #tpu.memory_space<vmem>> -> memref<1x64x128xf32, #tpu.memory_space<vmem>>
        %dma_wait3A_244 = tpu.memref_squeeze %dma_wait3A_243 : memref<1x64x128xf32, #tpu.memory_space<vmem>> -> memref<64x128xf32, #tpu.memory_space<vmem>>
        %dma_wait3A_245 = arith.constant 0 : i32
        %dma_wait3A_246 = tpu.memref_slice %arg8[%dma_wait3A_240, %dma_wait3A_245] : memref<40x64xi32, #tpu.memory_space<vmem>> -> memref<1x64xi32, #tpu.memory_space<vmem>>
        %dma_wait3A_247 = tpu.memref_squeeze %dma_wait3A_246 : memref<1x64xi32, #tpu.memory_space<vmem>> -> memref<64xi32, #tpu.memory_space<vmem>>
        %dma_wait3A_248 = arith.constant 0 : i32
        %dma_wait3A_249 = arith.constant 0 : i32
        %dma_wait3A_250 = tpu.memref_slice %arg10[%dma_wait3A_248, %dma_wait3A_249] : memref<10240x128xf32, #tpu.memory_space<vmem_shared>> -> memref<10240x128xf32, #tpu.memory_space<vmem_shared>>
        %dma_wait3A_251 = tpu.memref_slice %arg12[%rem3A_224] : memref<4x!tpu.dma_semaphore, #tpu.memory_space<semaphore_mem>> -> memref<1x!tpu.dma_semaphore, #tpu.memory_space<semaphore_mem>>
        %dma_wait3A_252 = tpu.memref_squeeze %dma_wait3A_251 : memref<1x!tpu.dma_semaphore, #tpu.memory_space<semaphore_mem>> -> memref<!tpu.dma_semaphore, #tpu.memory_space<semaphore_mem>>
        tpu.wait_indirect_dma semaphore(%dma_wait3A_252 : memref<!tpu.dma_semaphore, #tpu.memory_space<semaphore_mem>>) src(%dma_wait3A_244 : memref<64x128xf32, #tpu.memory_space<vmem>>) dst(%dma_wait3A_250 : memref<10240x128xf32, #tpu.memory_space<vmem_shared>>)
        %add3A_253 = arith.constant 2 : i32
        %add3A_254 = arith.addi %add3A_219, %add3A_253 : i32
        %min3A = arith.constant 39 : i32
        %min3A_255 = arith.minsi %add3A_254, %min3A : i32
        %dma_start3A_256 = arith.constant 0 : i32
        %dma_start3A_257 = arith.constant 0 : i32
        %dma_start3A_258 = tpu.memref_slice %arg9[%rem3A_224, %dma_start3A_256, %dma_start3A_257] : memref<4x64x128xf32, #tpu.memory_space<vmem>> -> memref<1x64x128xf32, #tpu.memory_space<vmem>>
        %dma_start3A_259 = tpu.memref_squeeze %dma_start3A_258 : memref<1x64x128xf32, #tpu.memory_space<vmem>> -> memref<64x128xf32, #tpu.memory_space<vmem>>
        %dma_start3A_260 = arith.constant 0 : i32
        %dma_start3A_261 = tpu.memref_slice %arg7[%min3A_255, %dma_start3A_260] : memref<40x64xi32, #tpu.memory_space<vmem>> -> memref<1x64xi32, #tpu.memory_space<vmem>>
        %dma_start3A_262 = tpu.memref_squeeze %dma_start3A_261 : memref<1x64xi32, #tpu.memory_space<vmem>> -> memref<64xi32, #tpu.memory_space<vmem>>
        %dma_start3A_263 = arith.constant 0 : i32
        %dma_start3A_264 = arith.constant 0 : i32
        %dma_start3A_265 = tpu.memref_slice %arg4[%dma_start3A_263, %dma_start3A_264] : memref<10240x128xf32, #tpu.memory_space<hbm>> -> memref<10240x128xf32, #tpu.memory_space<hbm>>
        %dma_start3A_266 = tpu.memref_slice %arg11[%rem3A_224] : memref<4x!tpu.dma_semaphore, #tpu.memory_space<semaphore_mem>> -> memref<1x!tpu.dma_semaphore, #tpu.memory_space<semaphore_mem>>
        %dma_start3A_267 = tpu.memref_squeeze %dma_start3A_266 : memref<1x!tpu.dma_semaphore, #tpu.memory_space<semaphore_mem>> -> memref<!tpu.dma_semaphore, #tpu.memory_space<semaphore_mem>>
        tpu.enqueue_indirect_dma source(%dma_start3A_265 : memref<10240x128xf32, #tpu.memory_space<hbm>>) target(%dma_start3A_259 : memref<64x128xf32, #tpu.memory_space<vmem>>) offsets(%dma_start3A_262 : memref<64xi32, #tpu.memory_space<vmem>>) semaphore(%dma_start3A_267 : memref<!tpu.dma_semaphore, #tpu.memory_space<semaphore_mem>>)
        %dma_start3A_268 = arith.constant 0 : i32
        %dma_start3A_269 = arith.constant 0 : i32
        %dma_start3A_270 = tpu.memref_slice %arg9[%rem3A_220, %dma_start3A_268, %dma_start3A_269] : memref<4x64x128xf32, #tpu.memory_space<vmem>> -> memref<1x64x128xf32, #tpu.memory_space<vmem>>
        %dma_start3A_271 = tpu.memref_squeeze %dma_start3A_270 : memref<1x64x128xf32, #tpu.memory_space<vmem>> -> memref<64x128xf32, #tpu.memory_space<vmem>>
        %dma_start3A_272 = arith.constant 0 : i32
        %dma_start3A_273 = tpu.memref_slice %arg8[%add3A_219, %dma_start3A_272] : memref<40x64xi32, #tpu.memory_space<vmem>> -> memref<1x64xi32, #tpu.memory_space<vmem>>
        %dma_start3A_274 = tpu.memref_squeeze %dma_start3A_273 : memref<1x64xi32, #tpu.memory_space<vmem>> -> memref<64xi32, #tpu.memory_space<vmem>>
        %dma_start3A_275 = arith.constant 0 : i32
        %dma_start3A_276 = arith.constant 0 : i32
        %dma_start3A_277 = tpu.memref_slice %arg10[%dma_start3A_275, %dma_start3A_276] : memref<10240x128xf32, #tpu.memory_space<vmem_shared>> -> memref<10240x128xf32, #tpu.memory_space<vmem_shared>>
        %dma_start3A_278 = tpu.memref_slice %arg12[%rem3A_220] : memref<4x!tpu.dma_semaphore, #tpu.memory_space<semaphore_mem>> -> memref<1x!tpu.dma_semaphore, #tpu.memory_space<semaphore_mem>>
        %dma_start3A_279 = tpu.memref_squeeze %dma_start3A_278 : memref<1x!tpu.dma_semaphore, #tpu.memory_space<semaphore_mem>> -> memref<!tpu.dma_semaphore, #tpu.memory_space<semaphore_mem>>
        tpu.enqueue_indirect_dma source(%dma_start3A_271 : memref<64x128xf32, #tpu.memory_space<vmem>>) target(%dma_start3A_277 : memref<10240x128xf32, #tpu.memory_space<vmem_shared>>) offsets(%dma_start3A_274 : memref<64xi32, #tpu.memory_space<vmem>>) semaphore(%dma_start3A_279 : memref<!tpu.dma_semaphore, #tpu.memory_space<semaphore_mem>>) {add = true}
      }
      %scan3A_154 = arith.constant 38 : i32
      %dma_wait3A_155 = arith.constant 0 : i32
      %dma_wait3A_156 = arith.constant 0 : i32
      %dma_wait3A_157 = arith.constant 0 : i32
      %dma_wait3A_158 = arith.constant 0 : i32
      %dma_wait3A_159 = arith.constant 0 : i32
      %dma_wait3A_160 = tpu.memref_slice %arg9[%dma_wait3A_156, %dma_wait3A_158, %dma_wait3A_159] : memref<4x64x128xf32, #tpu.memory_space<vmem>> -> memref<1x64x128xf32, #tpu.memory_space<vmem>>
      %dma_wait3A_161 = tpu.memref_squeeze %dma_wait3A_160 : memref<1x64x128xf32, #tpu.memory_space<vmem>> -> memref<64x128xf32, #tpu.memory_space<vmem>>
      %dma_wait3A_162 = arith.constant 0 : i32
      %dma_wait3A_163 = tpu.memref_slice %arg7[%dma_wait3A_155, %dma_wait3A_162] : memref<40x64xi32, #tpu.memory_space<vmem>> -> memref<1x64xi32, #tpu.memory_space<vmem>>
      %dma_wait3A_164 = tpu.memref_squeeze %dma_wait3A_163 : memref<1x64xi32, #tpu.memory_space<vmem>> -> memref<64xi32, #tpu.memory_space<vmem>>
      %dma_wait3A_165 = arith.constant 0 : i32
      %dma_wait3A_166 = arith.constant 0 : i32
      %dma_wait3A_167 = tpu.memref_slice %arg4[%dma_wait3A_165, %dma_wait3A_166] : memref<10240x128xf32, #tpu.memory_space<hbm>> -> memref<10240x128xf32, #tpu.memory_space<hbm>>
      %dma_wait3A_168 = tpu.memref_slice %arg11[%dma_wait3A_157] : memref<4x!tpu.dma_semaphore, #tpu.memory_space<semaphore_mem>> -> memref<1x!tpu.dma_semaphore, #tpu.memory_space<semaphore_mem>>
      %dma_wait3A_169 = tpu.memref_squeeze %dma_wait3A_168 : memref<1x!tpu.dma_semaphore, #tpu.memory_space<semaphore_mem>> -> memref<!tpu.dma_semaphore, #tpu.memory_space<semaphore_mem>>
      tpu.wait_indirect_dma semaphore(%dma_wait3A_169 : memref<!tpu.dma_semaphore, #tpu.memory_space<semaphore_mem>>) src(%dma_wait3A_167 : memref<10240x128xf32, #tpu.memory_space<hbm>>) dst(%dma_wait3A_161 : memref<64x128xf32, #tpu.memory_space<vmem>>)
      %dma_wait3A_170 = arith.constant 0 : i32
      %dma_wait3A_171 = arith.constant 0 : i32
      %dma_wait3A_172 = arith.constant 1 : i32
      %dma_wait3A_173 = arith.constant 0 : i32
      %dma_wait3A_174 = arith.constant 0 : i32
      %dma_wait3A_175 = tpu.memref_slice %arg9[%dma_wait3A_171, %dma_wait3A_173, %dma_wait3A_174] : memref<4x64x128xf32, #tpu.memory_space<vmem>> -> memref<1x64x128xf32, #tpu.memory_space<vmem>>
      %dma_wait3A_176 = tpu.memref_squeeze %dma_wait3A_175 : memref<1x64x128xf32, #tpu.memory_space<vmem>> -> memref<64x128xf32, #tpu.memory_space<vmem>>
      %dma_wait3A_177 = arith.constant 0 : i32
      %dma_wait3A_178 = tpu.memref_slice %arg7[%dma_wait3A_170, %dma_wait3A_177] : memref<40x64xi32, #tpu.memory_space<vmem>> -> memref<1x64xi32, #tpu.memory_space<vmem>>
      %dma_wait3A_179 = tpu.memref_squeeze %dma_wait3A_178 : memref<1x64xi32, #tpu.memory_space<vmem>> -> memref<64xi32, #tpu.memory_space<vmem>>
      %dma_wait3A_180 = arith.constant 0 : i32
      %dma_wait3A_181 = arith.constant 0 : i32
      %dma_wait3A_182 = tpu.memref_slice %arg4[%dma_wait3A_180, %dma_wait3A_181] : memref<10240x128xf32, #tpu.memory_space<hbm>> -> memref<10240x128xf32, #tpu.memory_space<hbm>>
      %dma_wait3A_183 = tpu.memref_slice %arg11[%dma_wait3A_172] : memref<4x!tpu.dma_semaphore, #tpu.memory_space<semaphore_mem>> -> memref<1x!tpu.dma_semaphore, #tpu.memory_space<semaphore_mem>>
      %dma_wait3A_184 = tpu.memref_squeeze %dma_wait3A_183 : memref<1x!tpu.dma_semaphore, #tpu.memory_space<semaphore_mem>> -> memref<!tpu.dma_semaphore, #tpu.memory_space<semaphore_mem>>
      tpu.wait_indirect_dma semaphore(%dma_wait3A_184 : memref<!tpu.dma_semaphore, #tpu.memory_space<semaphore_mem>>) src(%dma_wait3A_182 : memref<10240x128xf32, #tpu.memory_space<hbm>>) dst(%dma_wait3A_176 : memref<64x128xf32, #tpu.memory_space<vmem>>)
      %dma_wait3A_185 = arith.constant 0 : i32
      %dma_wait3A_186 = arith.constant 0 : i32
      %dma_wait3A_187 = arith.constant 2 : i32
      %dma_wait3A_188 = arith.constant 0 : i32
      %dma_wait3A_189 = arith.constant 0 : i32
      %dma_wait3A_190 = tpu.memref_slice %arg9[%dma_wait3A_185, %dma_wait3A_188, %dma_wait3A_189] : memref<4x64x128xf32, #tpu.memory_space<vmem>> -> memref<1x64x128xf32, #tpu.memory_space<vmem>>
      %dma_wait3A_191 = tpu.memref_squeeze %dma_wait3A_190 : memref<1x64x128xf32, #tpu.memory_space<vmem>> -> memref<64x128xf32, #tpu.memory_space<vmem>>
      %dma_wait3A_192 = arith.constant 0 : i32
      %dma_wait3A_193 = tpu.memref_slice %arg8[%dma_wait3A_186, %dma_wait3A_192] : memref<40x64xi32, #tpu.memory_space<vmem>> -> memref<1x64xi32, #tpu.memory_space<vmem>>
      %dma_wait3A_194 = tpu.memref_squeeze %dma_wait3A_193 : memref<1x64xi32, #tpu.memory_space<vmem>> -> memref<64xi32, #tpu.memory_space<vmem>>
      %dma_wait3A_195 = arith.constant 0 : i32
      %dma_wait3A_196 = arith.constant 0 : i32
      %dma_wait3A_197 = tpu.memref_slice %arg10[%dma_wait3A_195, %dma_wait3A_196] : memref<10240x128xf32, #tpu.memory_space<vmem_shared>> -> memref<10240x128xf32, #tpu.memory_space<vmem_shared>>
      %dma_wait3A_198 = tpu.memref_slice %arg12[%dma_wait3A_187] : memref<4x!tpu.dma_semaphore, #tpu.memory_space<semaphore_mem>> -> memref<1x!tpu.dma_semaphore, #tpu.memory_space<semaphore_mem>>
      %dma_wait3A_199 = tpu.memref_squeeze %dma_wait3A_198 : memref<1x!tpu.dma_semaphore, #tpu.memory_space<semaphore_mem>> -> memref<!tpu.dma_semaphore, #tpu.memory_space<semaphore_mem>>
      tpu.wait_indirect_dma semaphore(%dma_wait3A_199 : memref<!tpu.dma_semaphore, #tpu.memory_space<semaphore_mem>>) src(%dma_wait3A_191 : memref<64x128xf32, #tpu.memory_space<vmem>>) dst(%dma_wait3A_197 : memref<10240x128xf32, #tpu.memory_space<vmem_shared>>)
      %dma_wait3A_200 = arith.constant 0 : i32
      %dma_wait3A_201 = arith.constant 0 : i32
      %dma_wait3A_202 = arith.constant 3 : i32
      %dma_wait3A_203 = arith.constant 0 : i32
      %dma_wait3A_204 = arith.constant 0 : i32
      %dma_wait3A_205 = tpu.memref_slice %arg9[%dma_wait3A_200, %dma_wait3A_203, %dma_wait3A_204] : memref<4x64x128xf32, #tpu.memory_space<vmem>> -> memref<1x64x128xf32, #tpu.memory_space<vmem>>
      %dma_wait3A_206 = tpu.memref_squeeze %dma_wait3A_205 : memref<1x64x128xf32, #tpu.memory_space<vmem>> -> memref<64x128xf32, #tpu.memory_space<vmem>>
      %dma_wait3A_207 = arith.constant 0 : i32
      %dma_wait3A_208 = tpu.memref_slice %arg8[%dma_wait3A_201, %dma_wait3A_207] : memref<40x64xi32, #tpu.memory_space<vmem>> -> memref<1x64xi32, #tpu.memory_space<vmem>>
      %dma_wait3A_209 = tpu.memref_squeeze %dma_wait3A_208 : memref<1x64xi32, #tpu.memory_space<vmem>> -> memref<64xi32, #tpu.memory_space<vmem>>
      %dma_wait3A_210 = arith.constant 0 : i32
      %dma_wait3A_211 = arith.constant 0 : i32
      %dma_wait3A_212 = tpu.memref_slice %arg10[%dma_wait3A_210, %dma_wait3A_211] : memref<10240x128xf32, #tpu.memory_space<vmem_shared>> -> memref<10240x128xf32, #tpu.memory_space<vmem_shared>>
      %dma_wait3A_213 = tpu.memref_slice %arg12[%dma_wait3A_202] : memref<4x!tpu.dma_semaphore, #tpu.memory_space<semaphore_mem>> -> memref<1x!tpu.dma_semaphore, #tpu.memory_space<semaphore_mem>>
      %dma_wait3A_214 = tpu.memref_squeeze %dma_wait3A_213 : memref<1x!tpu.dma_semaphore, #tpu.memory_space<semaphore_mem>> -> memref<!tpu.dma_semaphore, #tpu.memory_space<semaphore_mem>>
      tpu.wait_indirect_dma semaphore(%dma_wait3A_214 : memref<!tpu.dma_semaphore, #tpu.memory_space<semaphore_mem>>) src(%dma_wait3A_206 : memref<64x128xf32, #tpu.memory_space<vmem>>) dst(%dma_wait3A_212 : memref<10240x128xf32, #tpu.memory_space<vmem_shared>>)
    }
    %while3A_20 = arith.constant 1 : i32
    scf.for %while3A_26 = %while3A_18 to %while3A_14 step %while3A_20  : i32 {
      %mul3A_27 = arith.muli %while3A_26, %while3A : i32
      %add3A_28 = arith.addi %while3A_11, %mul3A_27 : i32
      %mul3A_29 = arith.constant 40 : i32
      %mul3A_30 = arith.muli %add3A_28, %mul3A_29 : i32
      "tpu.region"() ({
        %run_scoped3A = tpu.sem_alloc : memref<!tpu.dma_semaphore, #tpu.memory_space<semaphore_mem>>
        %dma_start3A_215 = arith.constant 0 : i32
        %dma_start3A_216 = arith.constant 0 : i32
        %dma_start3A_217 = tpu.memref_slice %arg2[%add3A, %dma_start3A_215, %dma_start3A_216] : memref<32x240x64xi32, #tpu.memory_space<hbm>> -> memref<1x240x64xi32, #tpu.memory_space<hbm>>
        %dma_start3A_218 = tpu.memref_squeeze %dma_start3A_217 : memref<1x240x64xi32, #tpu.memory_space<hbm>> -> memref<240x64xi32, #tpu.memory_space<hbm>>
        %dma_start3A_219 = arith.constant 0 : i32
        %dma_start3A_220 = tpu.memref_slice %dma_start3A_218[%mul3A_30, %dma_start3A_219] : memref<240x64xi32, #tpu.memory_space<hbm>> -> memref<40x64xi32, #tpu.memory_space<hbm>>
        %dma_start3A_221 = arith.constant 0 : i32
        %dma_start3A_222 = arith.constant 0 : i32
        %dma_start3A_223 = tpu.memref_slice %arg2[%add3A, %dma_start3A_221, %dma_start3A_222] : memref<32x240x64xi32, #tpu.memory_space<hbm>> -> memref<1x240x64xi32, #tpu.memory_space<hbm>>
        %dma_start3A_224 = tpu.memref_squeeze %dma_start3A_223 : memref<1x240x64xi32, #tpu.memory_space<hbm>> -> memref<240x64xi32, #tpu.memory_space<hbm>>
        %dma_start3A_225 = arith.constant 0 : i32
        %dma_start3A_226 = tpu.memref_slice %dma_start3A_224[%mul3A_30, %dma_start3A_225] : memref<240x64xi32, #tpu.memory_space<hbm>> -> memref<40x64xi32, #tpu.memory_space<hbm>>
        tpu.enqueue_dma source(%dma_start3A_226 : memref<40x64xi32, #tpu.memory_space<hbm>>) target(%arg7 : memref<40x64xi32, #tpu.memory_space<vmem>>) target_semaphore(%run_scoped3A : memref<!tpu.dma_semaphore, #tpu.memory_space<semaphore_mem>>)
        %dma_wait3A_227 = arith.constant 0 : i32
        %dma_wait3A_228 = arith.constant 0 : i32
        %dma_wait3A_229 = tpu.memref_slice %arg2[%add3A, %dma_wait3A_227, %dma_wait3A_228] : memref<32x240x64xi32, #tpu.memory_space<hbm>> -> memref<1x240x64xi32, #tpu.memory_space<hbm>>
        %dma_wait3A_230 = tpu.memref_squeeze %dma_wait3A_229 : memref<1x240x64xi32, #tpu.memory_space<hbm>> -> memref<240x64xi32, #tpu.memory_space<hbm>>
        %dma_wait3A_231 = arith.constant 0 : i32
        %dma_wait3A_232 = tpu.memref_slice %dma_wait3A_230[%mul3A_30, %dma_wait3A_231] : memref<240x64xi32, #tpu.memory_space<hbm>> -> memref<40x64xi32, #tpu.memory_space<hbm>>
        %dma_wait3A_233 = arith.constant 0 : i32
        %dma_wait3A_234 = arith.constant 0 : i32
        %dma_wait3A_235 = tpu.memref_slice %arg2[%add3A, %dma_wait3A_233, %dma_wait3A_234] : memref<32x240x64xi32, #tpu.memory_space<hbm>> -> memref<1x240x64xi32, #tpu.memory_space<hbm>>
        %dma_wait3A_236 = tpu.memref_squeeze %dma_wait3A_235 : memref<1x240x64xi32, #tpu.memory_space<hbm>> -> memref<240x64xi32, #tpu.memory_space<hbm>>
        %dma_wait3A_237 = arith.constant 0 : i32
        %dma_wait3A_238 = tpu.memref_slice %dma_wait3A_236[%mul3A_30, %dma_wait3A_237] : memref<240x64xi32, #tpu.memory_space<hbm>> -> memref<40x64xi32, #tpu.memory_space<hbm>>
        tpu.wait_dma2 semaphore(%run_scoped3A : memref<!tpu.dma_semaphore, #tpu.memory_space<semaphore_mem>>) src(%dma_wait3A_238 : memref<40x64xi32, #tpu.memory_space<hbm>>) dst(%arg7 : memref<40x64xi32, #tpu.memory_space<vmem>>)
        tpu.yield
      }) : () -> ()
      %mul3A_31 = arith.constant 40 : i32
      %mul3A_32 = arith.muli %add3A_28, %mul3A_31 : i32
      "tpu.region"() ({
        %run_scoped3A = tpu.sem_alloc : memref<!tpu.dma_semaphore, #tpu.memory_space<semaphore_mem>>
        %dma_start3A_215 = arith.constant 0 : i32
        %dma_start3A_216 = arith.constant 0 : i32
        %dma_start3A_217 = tpu.memref_slice %arg3[%add3A, %dma_start3A_215, %dma_start3A_216] : memref<32x240x64xi32, #tpu.memory_space<hbm>> -> memref<1x240x64xi32, #tpu.memory_space<hbm>>
        %dma_start3A_218 = tpu.memref_squeeze %dma_start3A_217 : memref<1x240x64xi32, #tpu.memory_space<hbm>> -> memref<240x64xi32, #tpu.memory_space<hbm>>
        %dma_start3A_219 = arith.constant 0 : i32
        %dma_start3A_220 = tpu.memref_slice %dma_start3A_218[%mul3A_32, %dma_start3A_219] : memref<240x64xi32, #tpu.memory_space<hbm>> -> memref<40x64xi32, #tpu.memory_space<hbm>>
        %dma_start3A_221 = arith.constant 0 : i32
        %dma_start3A_222 = arith.constant 0 : i32
        %dma_start3A_223 = tpu.memref_slice %arg3[%add3A, %dma_start3A_221, %dma_start3A_222] : memref<32x240x64xi32, #tpu.memory_space<hbm>> -> memref<1x240x64xi32, #tpu.memory_space<hbm>>
        %dma_start3A_224 = tpu.memref_squeeze %dma_start3A_223 : memref<1x240x64xi32, #tpu.memory_space<hbm>> -> memref<240x64xi32, #tpu.memory_space<hbm>>
        %dma_start3A_225 = arith.constant 0 : i32
        %dma_start3A_226 = tpu.memref_slice %dma_start3A_224[%mul3A_32, %dma_start3A_225] : memref<240x64xi32, #tpu.memory_space<hbm>> -> memref<40x64xi32, #tpu.memory_space<hbm>>
        tpu.enqueue_dma source(%dma_start3A_226 : memref<40x64xi32, #tpu.memory_space<hbm>>) target(%arg8 : memref<40x64xi32, #tpu.memory_space<vmem>>) target_semaphore(%run_scoped3A : memref<!tpu.dma_semaphore, #tpu.memory_space<semaphore_mem>>)
        %dma_wait3A_227 = arith.constant 0 : i32
        %dma_wait3A_228 = arith.constant 0 : i32
        %dma_wait3A_229 = tpu.memref_slice %arg3[%add3A, %dma_wait3A_227, %dma_wait3A_228] : memref<32x240x64xi32, #tpu.memory_space<hbm>> -> memref<1x240x64xi32, #tpu.memory_space<hbm>>
        %dma_wait3A_230 = tpu.memref_squeeze %dma_wait3A_229 : memref<1x240x64xi32, #tpu.memory_space<hbm>> -> memref<240x64xi32, #tpu.memory_space<hbm>>
        %dma_wait3A_231 = arith.constant 0 : i32
        %dma_wait3A_232 = tpu.memref_slice %dma_wait3A_230[%mul3A_32, %dma_wait3A_231] : memref<240x64xi32, #tpu.memory_space<hbm>> -> memref<40x64xi32, #tpu.memory_space<hbm>>
        %dma_wait3A_233 = arith.constant 0 : i32
        %dma_wait3A_234 = arith.constant 0 : i32
        %dma_wait3A_235 = tpu.memref_slice %arg3[%add3A, %dma_wait3A_233, %dma_wait3A_234] : memref<32x240x64xi32, #tpu.memory_space<hbm>> -> memref<1x240x64xi32, #tpu.memory_space<hbm>>
        %dma_wait3A_236 = tpu.memref_squeeze %dma_wait3A_235 : memref<1x240x64xi32, #tpu.memory_space<hbm>> -> memref<240x64xi32, #tpu.memory_space<hbm>>
        %dma_wait3A_237 = arith.constant 0 : i32
        %dma_wait3A_238 = tpu.memref_slice %dma_wait3A_236[%mul3A_32, %dma_wait3A_237] : memref<240x64xi32, #tpu.memory_space<hbm>> -> memref<40x64xi32, #tpu.memory_space<hbm>>
        tpu.wait_dma2 semaphore(%run_scoped3A : memref<!tpu.dma_semaphore, #tpu.memory_space<semaphore_mem>>) src(%dma_wait3A_238 : memref<40x64xi32, #tpu.memory_space<hbm>>) dst(%arg8 : memref<40x64xi32, #tpu.memory_space<vmem>>)
        tpu.yield
      }) : () -> ()
      %dma_start3A = arith.constant 0 : i32
      %dma_start3A_33 = arith.constant 0 : i32
      %dma_start3A_34 = arith.constant 0 : i32
      %dma_start3A_35 = arith.constant 0 : i32
      %dma_start3A_36 = arith.constant 0 : i32
      %dma_start3A_37 = tpu.memref_slice %arg9[%dma_start3A_33, %dma_start3A_35, %dma_start3A_36] : memref<4x64x128xf32, #tpu.memory_space<vmem>> -> memref<1x64x128xf32, #tpu.memory_space<vmem>>
      %dma_start3A_38 = tpu.memref_squeeze %dma_start3A_37 : memref<1x64x128xf32, #tpu.memory_space<vmem>> -> memref<64x128xf32, #tpu.memory_space<vmem>>
      %dma_start3A_39 = arith.constant 0 : i32
      %dma_start3A_40 = tpu.memref_slice %arg7[%dma_start3A, %dma_start3A_39] : memref<40x64xi32, #tpu.memory_space<vmem>> -> memref<1x64xi32, #tpu.memory_space<vmem>>
      %dma_start3A_41 = tpu.memref_squeeze %dma_start3A_40 : memref<1x64xi32, #tpu.memory_space<vmem>> -> memref<64xi32, #tpu.memory_space<vmem>>
      %dma_start3A_42 = arith.constant 0 : i32
      %dma_start3A_43 = arith.constant 0 : i32
      %dma_start3A_44 = tpu.memref_slice %arg4[%dma_start3A_42, %dma_start3A_43] : memref<10240x128xf32, #tpu.memory_space<hbm>> -> memref<10240x128xf32, #tpu.memory_space<hbm>>
      %dma_start3A_45 = tpu.memref_slice %arg11[%dma_start3A_34] : memref<4x!tpu.dma_semaphore, #tpu.memory_space<semaphore_mem>> -> memref<1x!tpu.dma_semaphore, #tpu.memory_space<semaphore_mem>>
      %dma_start3A_46 = tpu.memref_squeeze %dma_start3A_45 : memref<1x!tpu.dma_semaphore, #tpu.memory_space<semaphore_mem>> -> memref<!tpu.dma_semaphore, #tpu.memory_space<semaphore_mem>>
      tpu.enqueue_indirect_dma source(%dma_start3A_44 : memref<10240x128xf32, #tpu.memory_space<hbm>>) target(%dma_start3A_38 : memref<64x128xf32, #tpu.memory_space<vmem>>) offsets(%dma_start3A_41 : memref<64xi32, #tpu.memory_space<vmem>>) semaphore(%dma_start3A_46 : memref<!tpu.dma_semaphore, #tpu.memory_space<semaphore_mem>>)
      %dma_start3A_47 = arith.constant 1 : i32
      %dma_start3A_48 = arith.constant 1 : i32
      %dma_start3A_49 = arith.constant 1 : i32
      %dma_start3A_50 = arith.constant 0 : i32
      %dma_start3A_51 = arith.constant 0 : i32
      %dma_start3A_52 = tpu.memref_slice %arg9[%dma_start3A_48, %dma_start3A_50, %dma_start3A_51] : memref<4x64x128xf32, #tpu.memory_space<vmem>> -> memref<1x64x128xf32, #tpu.memory_space<vmem>>
      %dma_start3A_53 = tpu.memref_squeeze %dma_start3A_52 : memref<1x64x128xf32, #tpu.memory_space<vmem>> -> memref<64x128xf32, #tpu.memory_space<vmem>>
      %dma_start3A_54 = arith.constant 0 : i32
      %dma_start3A_55 = tpu.memref_slice %arg7[%dma_start3A_47, %dma_start3A_54] : memref<40x64xi32, #tpu.memory_space<vmem>> -> memref<1x64xi32, #tpu.memory_space<vmem>>
      %dma_start3A_56 = tpu.memref_squeeze %dma_start3A_55 : memref<1x64xi32, #tpu.memory_space<vmem>> -> memref<64xi32, #tpu.memory_space<vmem>>
      %dma_start3A_57 = arith.constant 0 : i32
      %dma_start3A_58 = arith.constant 0 : i32
      %dma_start3A_59 = tpu.memref_slice %arg4[%dma_start3A_57, %dma_start3A_58] : memref<10240x128xf32, #tpu.memory_space<hbm>> -> memref<10240x128xf32, #tpu.memory_space<hbm>>
      %dma_start3A_60 = tpu.memref_slice %arg11[%dma_start3A_49] : memref<4x!tpu.dma_semaphore, #tpu.memory_space<semaphore_mem>> -> memref<1x!tpu.dma_semaphore, #tpu.memory_space<semaphore_mem>>
      %dma_start3A_61 = tpu.memref_squeeze %dma_start3A_60 : memref<1x!tpu.dma_semaphore, #tpu.memory_space<semaphore_mem>> -> memref<!tpu.dma_semaphore, #tpu.memory_space<semaphore_mem>>
      tpu.enqueue_indirect_dma source(%dma_start3A_59 : memref<10240x128xf32, #tpu.memory_space<hbm>>) target(%dma_start3A_53 : memref<64x128xf32, #tpu.memory_space<vmem>>) offsets(%dma_start3A_56 : memref<64xi32, #tpu.memory_space<vmem>>) semaphore(%dma_start3A_61 : memref<!tpu.dma_semaphore, #tpu.memory_space<semaphore_mem>>)
      %dma_wait3A = arith.constant 0 : i32
      %dma_wait3A_62 = arith.constant 0 : i32
      %dma_wait3A_63 = arith.constant 0 : i32
      %dma_wait3A_64 = arith.constant 0 : i32
      %dma_wait3A_65 = arith.constant 0 : i32
      %dma_wait3A_66 = tpu.memref_slice %arg9[%dma_wait3A_62, %dma_wait3A_64, %dma_wait3A_65] : memref<4x64x128xf32, #tpu.memory_space<vmem>> -> memref<1x64x128xf32, #tpu.memory_space<vmem>>
      %dma_wait3A_67 = tpu.memref_squeeze %dma_wait3A_66 : memref<1x64x128xf32, #tpu.memory_space<vmem>> -> memref<64x128xf32, #tpu.memory_space<vmem>>
      %dma_wait3A_68 = arith.constant 0 : i32
      %dma_wait3A_69 = tpu.memref_slice %arg7[%dma_wait3A, %dma_wait3A_68] : memref<40x64xi32, #tpu.memory_space<vmem>> -> memref<1x64xi32, #tpu.memory_space<vmem>>
      %dma_wait3A_70 = tpu.memref_squeeze %dma_wait3A_69 : memref<1x64xi32, #tpu.memory_space<vmem>> -> memref<64xi32, #tpu.memory_space<vmem>>
      %dma_wait3A_71 = arith.constant 0 : i32
      %dma_wait3A_72 = arith.constant 0 : i32
      %dma_wait3A_73 = tpu.memref_slice %arg4[%dma_wait3A_71, %dma_wait3A_72] : memref<10240x128xf32, #tpu.memory_space<hbm>> -> memref<10240x128xf32, #tpu.memory_space<hbm>>
      %dma_wait3A_74 = tpu.memref_slice %arg11[%dma_wait3A_63] : memref<4x!tpu.dma_semaphore, #tpu.memory_space<semaphore_mem>> -> memref<1x!tpu.dma_semaphore, #tpu.memory_space<semaphore_mem>>
      %dma_wait3A_75 = tpu.memref_squeeze %dma_wait3A_74 : memref<1x!tpu.dma_semaphore, #tpu.memory_space<semaphore_mem>> -> memref<!tpu.dma_semaphore, #tpu.memory_space<semaphore_mem>>
      tpu.wait_indirect_dma semaphore(%dma_wait3A_75 : memref<!tpu.dma_semaphore, #tpu.memory_space<semaphore_mem>>) src(%dma_wait3A_73 : memref<10240x128xf32, #tpu.memory_space<hbm>>) dst(%dma_wait3A_67 : memref<64x128xf32, #tpu.memory_space<vmem>>)
      %dma_start3A_76 = arith.constant 2 : i32
      %dma_start3A_77 = arith.constant 2 : i32
      %dma_start3A_78 = arith.constant 2 : i32
      %dma_start3A_79 = arith.constant 0 : i32
      %dma_start3A_80 = arith.constant 0 : i32
      %dma_start3A_81 = tpu.memref_slice %arg9[%dma_start3A_77, %dma_start3A_79, %dma_start3A_80] : memref<4x64x128xf32, #tpu.memory_space<vmem>> -> memref<1x64x128xf32, #tpu.memory_space<vmem>>
      %dma_start3A_82 = tpu.memref_squeeze %dma_start3A_81 : memref<1x64x128xf32, #tpu.memory_space<vmem>> -> memref<64x128xf32, #tpu.memory_space<vmem>>
      %dma_start3A_83 = arith.constant 0 : i32
      %dma_start3A_84 = tpu.memref_slice %arg7[%dma_start3A_76, %dma_start3A_83] : memref<40x64xi32, #tpu.memory_space<vmem>> -> memref<1x64xi32, #tpu.memory_space<vmem>>
      %dma_start3A_85 = tpu.memref_squeeze %dma_start3A_84 : memref<1x64xi32, #tpu.memory_space<vmem>> -> memref<64xi32, #tpu.memory_space<vmem>>
      %dma_start3A_86 = arith.constant 0 : i32
      %dma_start3A_87 = arith.constant 0 : i32
      %dma_start3A_88 = tpu.memref_slice %arg4[%dma_start3A_86, %dma_start3A_87] : memref<10240x128xf32, #tpu.memory_space<hbm>> -> memref<10240x128xf32, #tpu.memory_space<hbm>>
      %dma_start3A_89 = tpu.memref_slice %arg11[%dma_start3A_78] : memref<4x!tpu.dma_semaphore, #tpu.memory_space<semaphore_mem>> -> memref<1x!tpu.dma_semaphore, #tpu.memory_space<semaphore_mem>>
      %dma_start3A_90 = tpu.memref_squeeze %dma_start3A_89 : memref<1x!tpu.dma_semaphore, #tpu.memory_space<semaphore_mem>> -> memref<!tpu.dma_semaphore, #tpu.memory_space<semaphore_mem>>
      tpu.enqueue_indirect_dma source(%dma_start3A_88 : memref<10240x128xf32, #tpu.memory_space<hbm>>) target(%dma_start3A_82 : memref<64x128xf32, #tpu.memory_space<vmem>>) offsets(%dma_start3A_85 : memref<64xi32, #tpu.memory_space<vmem>>) semaphore(%dma_start3A_90 : memref<!tpu.dma_semaphore, #tpu.memory_space<semaphore_mem>>)
      %dma_start3A_91 = arith.constant 0 : i32
      %dma_start3A_92 = arith.constant 0 : i32
      %dma_start3A_93 = arith.constant 0 : i32
      %dma_start3A_94 = arith.constant 0 : i32
      %dma_start3A_95 = arith.constant 0 : i32
      %dma_start3A_96 = tpu.memref_slice %arg9[%dma_start3A_91, %dma_start3A_94, %dma_start3A_95] : memref<4x64x128xf32, #tpu.memory_space<vmem>> -> memref<1x64x128xf32, #tpu.memory_space<vmem>>
      %dma_start3A_97 = tpu.memref_squeeze %dma_start3A_96 : memref<1x64x128xf32, #tpu.memory_space<vmem>> -> memref<64x128xf32, #tpu.memory_space<vmem>>
      %dma_start3A_98 = arith.constant 0 : i32
      %dma_start3A_99 = tpu.memref_slice %arg8[%dma_start3A_92, %dma_start3A_98] : memref<40x64xi32, #tpu.memory_space<vmem>> -> memref<1x64xi32, #tpu.memory_space<vmem>>
      %dma_start3A_100 = tpu.memref_squeeze %dma_start3A_99 : memref<1x64xi32, #tpu.memory_space<vmem>> -> memref<64xi32, #tpu.memory_space<vmem>>
      %dma_start3A_101 = arith.constant 0 : i32
      %dma_start3A_102 = arith.constant 0 : i32
      %dma_start3A_103 = tpu.memref_slice %arg10[%dma_start3A_101, %dma_start3A_102] : memref<10240x128xf32, #tpu.memory_space<vmem_shared>> -> memref<10240x128xf32, #tpu.memory_space<vmem_shared>>
      %dma_start3A_104 = tpu.memref_slice %arg12[%dma_start3A_93] : memref<4x!tpu.dma_semaphore, #tpu.memory_space<semaphore_mem>> -> memref<1x!tpu.dma_semaphore, #tpu.memory_space<semaphore_mem>>
      %dma_start3A_105 = tpu.memref_squeeze %dma_start3A_104 : memref<1x!tpu.dma_semaphore, #tpu.memory_space<semaphore_mem>> -> memref<!tpu.dma_semaphore, #tpu.memory_space<semaphore_mem>>
      tpu.enqueue_indirect_dma source(%dma_start3A_97 : memref<64x128xf32, #tpu.memory_space<vmem>>) target(%dma_start3A_103 : memref<10240x128xf32, #tpu.memory_space<vmem_shared>>) offsets(%dma_start3A_100 : memref<64xi32, #tpu.memory_space<vmem>>) semaphore(%dma_start3A_105 : memref<!tpu.dma_semaphore, #tpu.memory_space<semaphore_mem>>) {add = true}
      %dma_wait3A_106 = arith.constant 0 : i32
      %dma_wait3A_107 = arith.constant 0 : i32
      %dma_wait3A_108 = arith.constant 1 : i32
      %dma_wait3A_109 = arith.constant 0 : i32
      %dma_wait3A_110 = arith.constant 0 : i32
      %dma_wait3A_111 = tpu.memref_slice %arg9[%dma_wait3A_107, %dma_wait3A_109, %dma_wait3A_110] : memref<4x64x128xf32, #tpu.memory_space<vmem>> -> memref<1x64x128xf32, #tpu.memory_space<vmem>>
      %dma_wait3A_112 = tpu.memref_squeeze %dma_wait3A_111 : memref<1x64x128xf32, #tpu.memory_space<vmem>> -> memref<64x128xf32, #tpu.memory_space<vmem>>
      %dma_wait3A_113 = arith.constant 0 : i32
      %dma_wait3A_114 = tpu.memref_slice %arg7[%dma_wait3A_106, %dma_wait3A_113] : memref<40x64xi32, #tpu.memory_space<vmem>> -> memref<1x64xi32, #tpu.memory_space<vmem>>
      %dma_wait3A_115 = tpu.memref_squeeze %dma_wait3A_114 : memref<1x64xi32, #tpu.memory_space<vmem>> -> memref<64xi32, #tpu.memory_space<vmem>>
      %dma_wait3A_116 = arith.constant 0 : i32
      %dma_wait3A_117 = arith.constant 0 : i32
      %dma_wait3A_118 = tpu.memref_slice %arg4[%dma_wait3A_116, %dma_wait3A_117] : memref<10240x128xf32, #tpu.memory_space<hbm>> -> memref<10240x128xf32, #tpu.memory_space<hbm>>
      %dma_wait3A_119 = tpu.memref_slice %arg11[%dma_wait3A_108] : memref<4x!tpu.dma_semaphore, #tpu.memory_space<semaphore_mem>> -> memref<1x!tpu.dma_semaphore, #tpu.memory_space<semaphore_mem>>
      %dma_wait3A_120 = tpu.memref_squeeze %dma_wait3A_119 : memref<1x!tpu.dma_semaphore, #tpu.memory_space<semaphore_mem>> -> memref<!tpu.dma_semaphore, #tpu.memory_space<semaphore_mem>>
      tpu.wait_indirect_dma semaphore(%dma_wait3A_120 : memref<!tpu.dma_semaphore, #tpu.memory_space<semaphore_mem>>) src(%dma_wait3A_118 : memref<10240x128xf32, #tpu.memory_space<hbm>>) dst(%dma_wait3A_112 : memref<64x128xf32, #tpu.memory_space<vmem>>)
      %dma_start3A_121 = arith.constant 3 : i32
      %dma_start3A_122 = arith.constant 3 : i32
      %dma_start3A_123 = arith.constant 3 : i32
      %dma_start3A_124 = arith.constant 0 : i32
      %dma_start3A_125 = arith.constant 0 : i32
      %dma_start3A_126 = tpu.memref_slice %arg9[%dma_start3A_122, %dma_start3A_124, %dma_start3A_125] : memref<4x64x128xf32, #tpu.memory_space<vmem>> -> memref<1x64x128xf32, #tpu.memory_space<vmem>>
      %dma_start3A_127 = tpu.memref_squeeze %dma_start3A_126 : memref<1x64x128xf32, #tpu.memory_space<vmem>> -> memref<64x128xf32, #tpu.memory_space<vmem>>
      %dma_start3A_128 = arith.constant 0 : i32
      %dma_start3A_129 = tpu.memref_slice %arg7[%dma_start3A_121, %dma_start3A_128] : memref<40x64xi32, #tpu.memory_space<vmem>> -> memref<1x64xi32, #tpu.memory_space<vmem>>
      %dma_start3A_130 = tpu.memref_squeeze %dma_start3A_129 : memref<1x64xi32, #tpu.memory_space<vmem>> -> memref<64xi32, #tpu.memory_space<vmem>>
      %dma_start3A_131 = arith.constant 0 : i32
      %dma_start3A_132 = arith.constant 0 : i32
      %dma_start3A_133 = tpu.memref_slice %arg4[%dma_start3A_131, %dma_start3A_132] : memref<10240x128xf32, #tpu.memory_space<hbm>> -> memref<10240x128xf32, #tpu.memory_space<hbm>>
      %dma_start3A_134 = tpu.memref_slice %arg11[%dma_start3A_123] : memref<4x!tpu.dma_semaphore, #tpu.memory_space<semaphore_mem>> -> memref<1x!tpu.dma_semaphore, #tpu.memory_space<semaphore_mem>>
      %dma_start3A_135 = tpu.memref_squeeze %dma_start3A_134 : memref<1x!tpu.dma_semaphore, #tpu.memory_space<semaphore_mem>> -> memref<!tpu.dma_semaphore, #tpu.memory_space<semaphore_mem>>
      tpu.enqueue_indirect_dma source(%dma_start3A_133 : memref<10240x128xf32, #tpu.memory_space<hbm>>) target(%dma_start3A_127 : memref<64x128xf32, #tpu.memory_space<vmem>>) offsets(%dma_start3A_130 : memref<64xi32, #tpu.memory_space<vmem>>) semaphore(%dma_start3A_135 : memref<!tpu.dma_semaphore, #tpu.memory_space<semaphore_mem>>)
      %dma_start3A_136 = arith.constant 1 : i32
      %dma_start3A_137 = arith.constant 1 : i32
      %dma_start3A_138 = arith.constant 1 : i32
      %dma_start3A_139 = arith.constant 0 : i32
      %dma_start3A_140 = arith.constant 0 : i32
      %dma_start3A_141 = tpu.memref_slice %arg9[%dma_start3A_136, %dma_start3A_139, %dma_start3A_140] : memref<4x64x128xf32, #tpu.memory_space<vmem>> -> memref<1x64x128xf32, #tpu.memory_space<vmem>>
      %dma_start3A_142 = tpu.memref_squeeze %dma_start3A_141 : memref<1x64x128xf32, #tpu.memory_space<vmem>> -> memref<64x128xf32, #tpu.memory_space<vmem>>
      %dma_start3A_143 = arith.constant 0 : i32
      %dma_start3A_144 = tpu.memref_slice %arg8[%dma_start3A_137, %dma_start3A_143] : memref<40x64xi32, #tpu.memory_space<vmem>> -> memref<1x64xi32, #tpu.memory_space<vmem>>
      %dma_start3A_145 = tpu.memref_squeeze %dma_start3A_144 : memref<1x64xi32, #tpu.memory_space<vmem>> -> memref<64xi32, #tpu.memory_space<vmem>>
      %dma_start3A_146 = arith.constant 0 : i32
      %dma_start3A_147 = arith.constant 0 : i32
      %dma_start3A_148 = tpu.memref_slice %arg10[%dma_start3A_146, %dma_start3A_147] : memref<10240x128xf32, #tpu.memory_space<vmem_shared>> -> memref<10240x128xf32, #tpu.memory_space<vmem_shared>>
      %dma_start3A_149 = tpu.memref_slice %arg12[%dma_start3A_138] : memref<4x!tpu.dma_semaphore, #tpu.memory_space<semaphore_mem>> -> memref<1x!tpu.dma_semaphore, #tpu.memory_space<semaphore_mem>>
      %dma_start3A_150 = tpu.memref_squeeze %dma_start3A_149 : memref<1x!tpu.dma_semaphore, #tpu.memory_space<semaphore_mem>> -> memref<!tpu.dma_semaphore, #tpu.memory_space<semaphore_mem>>
      tpu.enqueue_indirect_dma source(%dma_start3A_142 : memref<64x128xf32, #tpu.memory_space<vmem>>) target(%dma_start3A_148 : memref<10240x128xf32, #tpu.memory_space<vmem_shared>>) offsets(%dma_start3A_145 : memref<64xi32, #tpu.memory_space<vmem>>) semaphore(%dma_start3A_150 : memref<!tpu.dma_semaphore, #tpu.memory_space<semaphore_mem>>) {add = true}
      %scan3A = arith.constant 0 : i32
      %scan3A_151 = arith.constant 38 : i32
      %scan3A_152 = arith.addi %scan3A, %scan3A_151 : i32
      %scan3A_153 = arith.constant 1 : i32
      scf.for %scan3A_215 = %scan3A to %scan3A_152 step %scan3A_153  : i32 {
        %mul3A_216 = arith.constant 1 : i32
        %mul3A_217 = arith.muli %scan3A_215, %mul3A_216 : i32
        %add3A_218 = arith.constant 2 : i32
        %add3A_219 = arith.addi %add3A_218, %mul3A_217 : i32
        %rem3A = arith.constant 4 : i32
        %rem3A_220 = arith.remsi %add3A_219, %rem3A : i32
        %add3A_221 = arith.constant 2 : i32
        %add3A_222 = arith.addi %add3A_219, %add3A_221 : i32
        %rem3A_223 = arith.constant 4 : i32
        %rem3A_224 = arith.remsi %add3A_222, %rem3A_223 : i32
        %dma_wait3A_225 = arith.constant 0 : i32
        %dma_wait3A_226 = arith.constant 0 : i32
        %dma_wait3A_227 = arith.constant 0 : i32
        %dma_wait3A_228 = arith.constant 0 : i32
        %dma_wait3A_229 = tpu.memref_slice %arg9[%dma_wait3A_226, %dma_wait3A_227, %dma_wait3A_228] : memref<4x64x128xf32, #tpu.memory_space<vmem>> -> memref<1x64x128xf32, #tpu.memory_space<vmem>>
        %dma_wait3A_230 = tpu.memref_squeeze %dma_wait3A_229 : memref<1x64x128xf32, #tpu.memory_space<vmem>> -> memref<64x128xf32, #tpu.memory_space<vmem>>
        %dma_wait3A_231 = arith.constant 0 : i32
        %dma_wait3A_232 = tpu.memref_slice %arg7[%dma_wait3A_225, %dma_wait3A_231] : memref<40x64xi32, #tpu.memory_space<vmem>> -> memref<1x64xi32, #tpu.memory_space<vmem>>
        %dma_wait3A_233 = tpu.memref_squeeze %dma_wait3A_232 : memref<1x64xi32, #tpu.memory_space<vmem>> -> memref<64xi32, #tpu.memory_space<vmem>>
        %dma_wait3A_234 = arith.constant 0 : i32
        %dma_wait3A_235 = arith.constant 0 : i32
        %dma_wait3A_236 = tpu.memref_slice %arg4[%dma_wait3A_234, %dma_wait3A_235] : memref<10240x128xf32, #tpu.memory_space<hbm>> -> memref<10240x128xf32, #tpu.memory_space<hbm>>
        %dma_wait3A_237 = tpu.memref_slice %arg11[%rem3A_220] : memref<4x!tpu.dma_semaphore, #tpu.memory_space<semaphore_mem>> -> memref<1x!tpu.dma_semaphore, #tpu.memory_space<semaphore_mem>>
        %dma_wait3A_238 = tpu.memref_squeeze %dma_wait3A_237 : memref<1x!tpu.dma_semaphore, #tpu.memory_space<semaphore_mem>> -> memref<!tpu.dma_semaphore, #tpu.memory_space<semaphore_mem>>
        tpu.wait_indirect_dma semaphore(%dma_wait3A_238 : memref<!tpu.dma_semaphore, #tpu.memory_space<semaphore_mem>>) src(%dma_wait3A_236 : memref<10240x128xf32, #tpu.memory_space<hbm>>) dst(%dma_wait3A_230 : memref<64x128xf32, #tpu.memory_space<vmem>>)
        %dma_wait3A_239 = arith.constant 0 : i32
        %dma_wait3A_240 = arith.constant 0 : i32
        %dma_wait3A_241 = arith.constant 0 : i32
        %dma_wait3A_242 = arith.constant 0 : i32
        %dma_wait3A_243 = tpu.memref_slice %arg9[%dma_wait3A_239, %dma_wait3A_241, %dma_wait3A_242] : memref<4x64x128xf32, #tpu.memory_space<vmem>> -> memref<1x64x128xf32, #tpu.memory_space<vmem>>
        %dma_wait3A_244 = tpu.memref_squeeze %dma_wait3A_243 : memref<1x64x128xf32, #tpu.memory_space<vmem>> -> memref<64x128xf32, #tpu.memory_space<vmem>>
        %dma_wait3A_245 = arith.constant 0 : i32
        %dma_wait3A_246 = tpu.memref_slice %arg8[%dma_wait3A_240, %dma_wait3A_245] : memref<40x64xi32, #tpu.memory_space<vmem>> -> memref<1x64xi32, #tpu.memory_space<vmem>>
        %dma_wait3A_247 = tpu.memref_squeeze %dma_wait3A_246 : memref<1x64xi32, #tpu.memory_space<vmem>> -> memref<64xi32, #tpu.memory_space<vmem>>
        %dma_wait3A_248 = arith.constant 0 : i32
        %dma_wait3A_249 = arith.constant 0 : i32
        %dma_wait3A_250 = tpu.memref_slice %arg10[%dma_wait3A_248, %dma_wait3A_249] : memref<10240x128xf32, #tpu.memory_space<vmem_shared>> -> memref<10240x128xf32, #tpu.memory_space<vmem_shared>>
        %dma_wait3A_251 = tpu.memref_slice %arg12[%rem3A_224] : memref<4x!tpu.dma_semaphore, #tpu.memory_space<semaphore_mem>> -> memref<1x!tpu.dma_semaphore, #tpu.memory_space<semaphore_mem>>
        %dma_wait3A_252 = tpu.memref_squeeze %dma_wait3A_251 : memref<1x!tpu.dma_semaphore, #tpu.memory_space<semaphore_mem>> -> memref<!tpu.dma_semaphore, #tpu.memory_space<semaphore_mem>>
        tpu.wait_indirect_dma semaphore(%dma_wait3A_252 : memref<!tpu.dma_semaphore, #tpu.memory_space<semaphore_mem>>) src(%dma_wait3A_244 : memref<64x128xf32, #tpu.memory_space<vmem>>) dst(%dma_wait3A_250 : memref<10240x128xf32, #tpu.memory_space<vmem_shared>>)
        %add3A_253 = arith.constant 2 : i32
        %add3A_254 = arith.addi %add3A_219, %add3A_253 : i32
        %min3A = arith.constant 39 : i32
        %min3A_255 = arith.minsi %add3A_254, %min3A : i32
        %dma_start3A_256 = arith.constant 0 : i32
        %dma_start3A_257 = arith.constant 0 : i32
        %dma_start3A_258 = tpu.memref_slice %arg9[%rem3A_224, %dma_start3A_256, %dma_start3A_257] : memref<4x64x128xf32, #tpu.memory_space<vmem>> -> memref<1x64x128xf32, #tpu.memory_space<vmem>>
        %dma_start3A_259 = tpu.memref_squeeze %dma_start3A_258 : memref<1x64x128xf32, #tpu.memory_space<vmem>> -> memref<64x128xf32, #tpu.memory_space<vmem>>
        %dma_start3A_260 = arith.constant 0 : i32
        %dma_start3A_261 = tpu.memref_slice %arg7[%min3A_255, %dma_start3A_260] : memref<40x64xi32, #tpu.memory_space<vmem>> -> memref<1x64xi32, #tpu.memory_space<vmem>>
        %dma_start3A_262 = tpu.memref_squeeze %dma_start3A_261 : memref<1x64xi32, #tpu.memory_space<vmem>> -> memref<64xi32, #tpu.memory_space<vmem>>
        %dma_start3A_263 = arith.constant 0 : i32
        %dma_start3A_264 = arith.constant 0 : i32
        %dma_start3A_265 = tpu.memref_slice %arg4[%dma_start3A_263, %dma_start3A_264] : memref<10240x128xf32, #tpu.memory_space<hbm>> -> memref<10240x128xf32, #tpu.memory_space<hbm>>
        %dma_start3A_266 = tpu.memref_slice %arg11[%rem3A_224] : memref<4x!tpu.dma_semaphore, #tpu.memory_space<semaphore_mem>> -> memref<1x!tpu.dma_semaphore, #tpu.memory_space<semaphore_mem>>
        %dma_start3A_267 = tpu.memref_squeeze %dma_start3A_266 : memref<1x!tpu.dma_semaphore, #tpu.memory_space<semaphore_mem>> -> memref<!tpu.dma_semaphore, #tpu.memory_space<semaphore_mem>>
        tpu.enqueue_indirect_dma source(%dma_start3A_265 : memref<10240x128xf32, #tpu.memory_space<hbm>>) target(%dma_start3A_259 : memref<64x128xf32, #tpu.memory_space<vmem>>) offsets(%dma_start3A_262 : memref<64xi32, #tpu.memory_space<vmem>>) semaphore(%dma_start3A_267 : memref<!tpu.dma_semaphore, #tpu.memory_space<semaphore_mem>>)
        %dma_start3A_268 = arith.constant 0 : i32
        %dma_start3A_269 = arith.constant 0 : i32
        %dma_start3A_270 = tpu.memref_slice %arg9[%rem3A_220, %dma_start3A_268, %dma_start3A_269] : memref<4x64x128xf32, #tpu.memory_space<vmem>> -> memref<1x64x128xf32, #tpu.memory_space<vmem>>
        %dma_start3A_271 = tpu.memref_squeeze %dma_start3A_270 : memref<1x64x128xf32, #tpu.memory_space<vmem>> -> memref<64x128xf32, #tpu.memory_space<vmem>>
        %dma_start3A_272 = arith.constant 0 : i32
        %dma_start3A_273 = tpu.memref_slice %arg8[%add3A_219, %dma_start3A_272] : memref<40x64xi32, #tpu.memory_space<vmem>> -> memref<1x64xi32, #tpu.memory_space<vmem>>
        %dma_start3A_274 = tpu.memref_squeeze %dma_start3A_273 : memref<1x64xi32, #tpu.memory_space<vmem>> -> memref<64xi32, #tpu.memory_space<vmem>>
        %dma_start3A_275 = arith.constant 0 : i32
        %dma_start3A_276 = arith.constant 0 : i32
        %dma_start3A_277 = tpu.memref_slice %arg10[%dma_start3A_275, %dma_start3A_276] : memref<10240x128xf32, #tpu.memory_space<vmem_shared>> -> memref<10240x128xf32, #tpu.memory_space<vmem_shared>>
        %dma_start3A_278 = tpu.memref_slice %arg12[%rem3A_220] : memref<4x!tpu.dma_semaphore, #tpu.memory_space<semaphore_mem>> -> memref<1x!tpu.dma_semaphore, #tpu.memory_space<semaphore_mem>>
        %dma_start3A_279 = tpu.memref_squeeze %dma_start3A_278 : memref<1x!tpu.dma_semaphore, #tpu.memory_space<semaphore_mem>> -> memref<!tpu.dma_semaphore, #tpu.memory_space<semaphore_mem>>
        tpu.enqueue_indirect_dma source(%dma_start3A_271 : memref<64x128xf32, #tpu.memory_space<vmem>>) target(%dma_start3A_277 : memref<10240x128xf32, #tpu.memory_space<vmem_shared>>) offsets(%dma_start3A_274 : memref<64xi32, #tpu.memory_space<vmem>>) semaphore(%dma_start3A_279 : memref<!tpu.dma_semaphore, #tpu.memory_space<semaphore_mem>>) {add = true}
      }
      %scan3A_154 = arith.constant 38 : i32
      %dma_wait3A_155 = arith.constant 0 : i32
      %dma_wait3A_156 = arith.constant 0 : i32
      %dma_wait3A_157 = arith.constant 0 : i32
      %dma_wait3A_158 = arith.constant 0 : i32
      %dma_wait3A_159 = arith.constant 0 : i32
      %dma_wait3A_160 = tpu.memref_slice %arg9[%dma_wait3A_156, %dma_wait3A_158, %dma_wait3A_159] : memref<4x64x128xf32, #tpu.memory_space<vmem>> -> memref<1x64x128xf32, #tpu.memory_space<vmem>>
      %dma_wait3A_161 = tpu.memref_squeeze %dma_wait3A_160 : memref<1x64x128xf32, #tpu.memory_space<vmem>> -> memref<64x128xf32, #tpu.memory_space<vmem>>
      %dma_wait3A_162 = arith.constant 0 : i32
      %dma_wait3A_163 = tpu.memref_slice %arg7[%dma_wait3A_155, %dma_wait3A_162] : memref<40x64xi32, #tpu.memory_space<vmem>> -> memref<1x64xi32, #tpu.memory_space<vmem>>
      %dma_wait3A_164 = tpu.memref_squeeze %dma_wait3A_163 : memref<1x64xi32, #tpu.memory_space<vmem>> -> memref<64xi32, #tpu.memory_space<vmem>>
      %dma_wait3A_165 = arith.constant 0 : i32
      %dma_wait3A_166 = arith.constant 0 : i32
      %dma_wait3A_167 = tpu.memref_slice %arg4[%dma_wait3A_165, %dma_wait3A_166] : memref<10240x128xf32, #tpu.memory_space<hbm>> -> memref<10240x128xf32, #tpu.memory_space<hbm>>
      %dma_wait3A_168 = tpu.memref_slice %arg11[%dma_wait3A_157] : memref<4x!tpu.dma_semaphore, #tpu.memory_space<semaphore_mem>> -> memref<1x!tpu.dma_semaphore, #tpu.memory_space<semaphore_mem>>
      %dma_wait3A_169 = tpu.memref_squeeze %dma_wait3A_168 : memref<1x!tpu.dma_semaphore, #tpu.memory_space<semaphore_mem>> -> memref<!tpu.dma_semaphore, #tpu.memory_space<semaphore_mem>>
      tpu.wait_indirect_dma semaphore(%dma_wait3A_169 : memref<!tpu.dma_semaphore, #tpu.memory_space<semaphore_mem>>) src(%dma_wait3A_167 : memref<10240x128xf32, #tpu.memory_space<hbm>>) dst(%dma_wait3A_161 : memref<64x128xf32, #tpu.memory_space<vmem>>)
      %dma_wait3A_170 = arith.constant 0 : i32
      %dma_wait3A_171 = arith.constant 0 : i32
      %dma_wait3A_172 = arith.constant 1 : i32
      %dma_wait3A_173 = arith.constant 0 : i32
      %dma_wait3A_174 = arith.constant 0 : i32
      %dma_wait3A_175 = tpu.memref_slice %arg9[%dma_wait3A_171, %dma_wait3A_173, %dma_wait3A_174] : memref<4x64x128xf32, #tpu.memory_space<vmem>> -> memref<1x64x128xf32, #tpu.memory_space<vmem>>
      %dma_wait3A_176 = tpu.memref_squeeze %dma_wait3A_175 : memref<1x64x128xf32, #tpu.memory_space<vmem>> -> memref<64x128xf32, #tpu.memory_space<vmem>>
      %dma_wait3A_177 = arith.constant 0 : i32
      %dma_wait3A_178 = tpu.memref_slice %arg7[%dma_wait3A_170, %dma_wait3A_177] : memref<40x64xi32, #tpu.memory_space<vmem>> -> memref<1x64xi32, #tpu.memory_space<vmem>>
      %dma_wait3A_179 = tpu.memref_squeeze %dma_wait3A_178 : memref<1x64xi32, #tpu.memory_space<vmem>> -> memref<64xi32, #tpu.memory_space<vmem>>
      %dma_wait3A_180 = arith.constant 0 : i32
      %dma_wait3A_181 = arith.constant 0 : i32
      %dma_wait3A_182 = tpu.memref_slice %arg4[%dma_wait3A_180, %dma_wait3A_181] : memref<10240x128xf32, #tpu.memory_space<hbm>> -> memref<10240x128xf32, #tpu.memory_space<hbm>>
      %dma_wait3A_183 = tpu.memref_slice %arg11[%dma_wait3A_172] : memref<4x!tpu.dma_semaphore, #tpu.memory_space<semaphore_mem>> -> memref<1x!tpu.dma_semaphore, #tpu.memory_space<semaphore_mem>>
      %dma_wait3A_184 = tpu.memref_squeeze %dma_wait3A_183 : memref<1x!tpu.dma_semaphore, #tpu.memory_space<semaphore_mem>> -> memref<!tpu.dma_semaphore, #tpu.memory_space<semaphore_mem>>
      tpu.wait_indirect_dma semaphore(%dma_wait3A_184 : memref<!tpu.dma_semaphore, #tpu.memory_space<semaphore_mem>>) src(%dma_wait3A_182 : memref<10240x128xf32, #tpu.memory_space<hbm>>) dst(%dma_wait3A_176 : memref<64x128xf32, #tpu.memory_space<vmem>>)
      %dma_wait3A_185 = arith.constant 0 : i32
      %dma_wait3A_186 = arith.constant 0 : i32
      %dma_wait3A_187 = arith.constant 2 : i32
      %dma_wait3A_188 = arith.constant 0 : i32
      %dma_wait3A_189 = arith.constant 0 : i32
      %dma_wait3A_190 = tpu.memref_slice %arg9[%dma_wait3A_185, %dma_wait3A_188, %dma_wait3A_189] : memref<4x64x128xf32, #tpu.memory_space<vmem>> -> memref<1x64x128xf32, #tpu.memory_space<vmem>>
      %dma_wait3A_191 = tpu.memref_squeeze %dma_wait3A_190 : memref<1x64x128xf32, #tpu.memory_space<vmem>> -> memref<64x128xf32, #tpu.memory_space<vmem>>
      %dma_wait3A_192 = arith.constant 0 : i32
      %dma_wait3A_193 = tpu.memref_slice %arg8[%dma_wait3A_186, %dma_wait3A_192] : memref<40x64xi32, #tpu.memory_space<vmem>> -> memref<1x64xi32, #tpu.memory_space<vmem>>
      %dma_wait3A_194 = tpu.memref_squeeze %dma_wait3A_193 : memref<1x64xi32, #tpu.memory_space<vmem>> -> memref<64xi32, #tpu.memory_space<vmem>>
      %dma_wait3A_195 = arith.constant 0 : i32
      %dma_wait3A_196 = arith.constant 0 : i32
      %dma_wait3A_197 = tpu.memref_slice %arg10[%dma_wait3A_195, %dma_wait3A_196] : memref<10240x128xf32, #tpu.memory_space<vmem_shared>> -> memref<10240x128xf32, #tpu.memory_space<vmem_shared>>
      %dma_wait3A_198 = tpu.memref_slice %arg12[%dma_wait3A_187] : memref<4x!tpu.dma_semaphore, #tpu.memory_space<semaphore_mem>> -> memref<1x!tpu.dma_semaphore, #tpu.memory_space<semaphore_mem>>
      %dma_wait3A_199 = tpu.memref_squeeze %dma_wait3A_198 : memref<1x!tpu.dma_semaphore, #tpu.memory_space<semaphore_mem>> -> memref<!tpu.dma_semaphore, #tpu.memory_space<semaphore_mem>>
      tpu.wait_indirect_dma semaphore(%dma_wait3A_199 : memref<!tpu.dma_semaphore, #tpu.memory_space<semaphore_mem>>) src(%dma_wait3A_191 : memref<64x128xf32, #tpu.memory_space<vmem>>) dst(%dma_wait3A_197 : memref<10240x128xf32, #tpu.memory_space<vmem_shared>>)
      %dma_wait3A_200 = arith.constant 0 : i32
      %dma_wait3A_201 = arith.constant 0 : i32
      %dma_wait3A_202 = arith.constant 3 : i32
      %dma_wait3A_203 = arith.constant 0 : i32
      %dma_wait3A_204 = arith.constant 0 : i32
      %dma_wait3A_205 = tpu.memref_slice %arg9[%dma_wait3A_200, %dma_wait3A_203, %dma_wait3A_204] : memref<4x64x128xf32, #tpu.memory_space<vmem>> -> memref<1x64x128xf32, #tpu.memory_space<vmem>>
      %dma_wait3A_206 = tpu.memref_squeeze %dma_wait3A_205 : memref<1x64x128xf32, #tpu.memory_space<vmem>> -> memref<64x128xf32, #tpu.memory_space<vmem>>
      %dma_wait3A_207 = arith.constant 0 : i32
      %dma_wait3A_208 = tpu.memref_slice %arg8[%dma_wait3A_201, %dma_wait3A_207] : memref<40x64xi32, #tpu.memory_space<vmem>> -> memref<1x64xi32, #tpu.memory_space<vmem>>
      %dma_wait3A_209 = tpu.memref_squeeze %dma_wait3A_208 : memref<1x64xi32, #tpu.memory_space<vmem>> -> memref<64xi32, #tpu.memory_space<vmem>>
      %dma_wait3A_210 = arith.constant 0 : i32
      %dma_wait3A_211 = arith.constant 0 : i32
      %dma_wait3A_212 = tpu.memref_slice %arg10[%dma_wait3A_210, %dma_wait3A_211] : memref<10240x128xf32, #tpu.memory_space<vmem_shared>> -> memref<10240x128xf32, #tpu.memory_space<vmem_shared>>
      %dma_wait3A_213 = tpu.memref_slice %arg12[%dma_wait3A_202] : memref<4x!tpu.dma_semaphore, #tpu.memory_space<semaphore_mem>> -> memref<1x!tpu.dma_semaphore, #tpu.memory_space<semaphore_mem>>
      %dma_wait3A_214 = tpu.memref_squeeze %dma_wait3A_213 : memref<1x!tpu.dma_semaphore, #tpu.memory_space<semaphore_mem>> -> memref<!tpu.dma_semaphore, #tpu.memory_space<semaphore_mem>>
      tpu.wait_indirect_dma semaphore(%dma_wait3A_214 : memref<!tpu.dma_semaphore, #tpu.memory_space<semaphore_mem>>) src(%dma_wait3A_206 : memref<64x128xf32, #tpu.memory_space<vmem>>) dst(%dma_wait3A_212 : memref<10240x128xf32, #tpu.memory_space<vmem_shared>>)
    }
    %barrier3A_21 = arith.constant 0 : index
    tpu.barrier barrier_id(%barrier3A_21)
    %mul3A_22 = arith.constant 640 : i32
    %mul3A_23 = arith.muli %arg1, %mul3A_22 : i32
    %mul3A_24 = arith.constant 640 : i32
    %mul3A_25 = arith.muli %arg1, %mul3A_24 : i32
    "tpu.region"() ({
      %run_scoped3A = tpu.sem_alloc : memref<!tpu.dma_semaphore, #tpu.memory_space<semaphore_mem>>
      %dma_start3A = arith.constant 0 : i32
      %dma_start3A_26 = arith.constant 0 : i32
      %dma_start3A_27 = tpu.memref_slice %arg6[%arg0, %dma_start3A, %dma_start3A_26] : memref<2x10240x128xf32, #tpu.memory_space<hbm>> -> memref<1x10240x128xf32, #tpu.memory_space<hbm>>
      %dma_start3A_28 = tpu.memref_squeeze %dma_start3A_27 : memref<1x10240x128xf32, #tpu.memory_space<hbm>> -> memref<10240x128xf32, #tpu.memory_space<hbm>>
      %dma_start3A_29 = arith.constant 0 : i32
      %dma_start3A_30 = tpu.memref_slice %dma_start3A_28[%mul3A_25, %dma_start3A_29] : memref<10240x128xf32, #tpu.memory_space<hbm>> -> memref<640x128xf32, #tpu.memory_space<hbm>>
      %dma_start3A_31 = arith.constant 0 : i32
      %dma_start3A_32 = tpu.memref_slice %arg10[%mul3A_23, %dma_start3A_31] : memref<10240x128xf32, #tpu.memory_space<vmem_shared>> -> memref<640x128xf32, #tpu.memory_space<vmem_shared>>
      tpu.enqueue_dma source(%dma_start3A_32 : memref<640x128xf32, #tpu.memory_space<vmem_shared>>) target(%dma_start3A_30 : memref<640x128xf32, #tpu.memory_space<hbm>>) target_semaphore(%run_scoped3A : memref<!tpu.dma_semaphore, #tpu.memory_space<semaphore_mem>>)
      %dma_wait3A = arith.constant 0 : i32
      %dma_wait3A_33 = arith.constant 0 : i32
      %dma_wait3A_34 = tpu.memref_slice %arg6[%arg0, %dma_wait3A, %dma_wait3A_33] : memref<2x10240x128xf32, #tpu.memory_space<hbm>> -> memref<1x10240x128xf32, #tpu.memory_space<hbm>>
      %dma_wait3A_35 = tpu.memref_squeeze %dma_wait3A_34 : memref<1x10240x128xf32, #tpu.memory_space<hbm>> -> memref<10240x128xf32, #tpu.memory_space<hbm>>
      %dma_wait3A_36 = arith.constant 0 : i32
      %dma_wait3A_37 = tpu.memref_slice %dma_wait3A_35[%mul3A_25, %dma_wait3A_36] : memref<10240x128xf32, #tpu.memory_space<hbm>> -> memref<640x128xf32, #tpu.memory_space<hbm>>
      %dma_wait3A_38 = arith.constant 0 : i32
      %dma_wait3A_39 = tpu.memref_slice %arg10[%mul3A_23, %dma_wait3A_38] : memref<10240x128xf32, #tpu.memory_space<vmem_shared>> -> memref<640x128xf32, #tpu.memory_space<vmem_shared>>
      tpu.wait_dma2 semaphore(%run_scoped3A : memref<!tpu.dma_semaphore, #tpu.memory_space<semaphore_mem>>) src(%dma_wait3A_39 : memref<640x128xf32, #tpu.memory_space<vmem_shared>>) dst(%dma_wait3A_37 : memref<640x128xf32, #tpu.memory_space<hbm>>)
      tpu.yield
    }) : () -> ()
    return
  }
}

#map = affine_map<(d0, d1) -> (0, 0, 0)>
#map1 = affine_map<(d0, d1) -> (0, 0)>
module attributes {stable_mosaic.version = 14 : i64} {
  func.func @agg_kernel(%arg0: i32, %arg1: i32, %arg2: memref<32x240x64xi32, #tpu.memory_space<hbm>>, %arg3: memref<32x240x64xi32, #tpu.memory_space<hbm>>, %arg4: memref<10240x64xf32, #tpu.memory_space<hbm>>, %arg5: memref<640x64xf32, #tpu.memory_space<hbm>>, %arg6: memref<2x10240x64xf32, #tpu.memory_space<hbm>>, %arg7: memref<40x64xi32, #tpu.memory_space<vmem>>, %arg8: memref<40x64xi32, #tpu.memory_space<vmem>>, %arg9: memref<4x64x64xf32, #tpu.memory_space<vmem>>, %arg10: memref<10240x64xf32, #tpu.memory_space<vmem_shared>>, %arg11: memref<4x!tpu.dma_semaphore, #tpu.memory_space<semaphore_mem>>, %arg12: memref<4x!tpu.dma_semaphore, #tpu.memory_space<semaphore_mem>>) attributes {dimension_semantics = [#tpu.dimension_semantics<core_parallel>, #tpu.dimension_semantics<subcore_parallel>], iteration_bounds = array<i64: 2, 16>, scalar_prefetch = 0 : i64, scratch_operands = 6 : i64, tpu.core_type = #tpu.core_type<sc_vector_subcore>, window_params = [{transform_indices = #map}, {transform_indices = #map}, {transform_indices = #map1}, {transform_indices = #map1}, {transform_indices = #map}]} {
    %mul3A = arith.constant 16 : i32
    %mul3A_0 = arith.muli %arg0, %mul3A : i32
    %add3A = arith.addi %mul3A_0, %arg1 : i32
    %eq3A = arith.constant 0 : i32
    %eq3A_1 = arith.cmpi eq, %arg0, %eq3A : i32
    %jit3A = arith.constant 6 : i32
    %jit3A_2 = arith.constant 2 : i32
    %select_n3A = arith.select %eq3A_1, %jit3A, %jit3A_2 : i32
    %mul3A_3 = arith.constant 640 : i32
    %mul3A_4 = arith.muli %arg1, %mul3A_3 : i32
    "tpu.region"() ({
      %run_scoped3A = tpu.sem_alloc : memref<!tpu.dma_semaphore, #tpu.memory_space<semaphore_mem>>
      %dma_start3A = arith.constant 0 : i32
      %dma_start3A_26 = tpu.memref_slice %arg10[%mul3A_4, %dma_start3A] : memref<10240x64xf32, #tpu.memory_space<vmem_shared>> -> memref<640x64xf32, #tpu.memory_space<vmem_shared>>
      tpu.enqueue_dma source(%arg5 : memref<640x64xf32, #tpu.memory_space<hbm>>) target(%dma_start3A_26 : memref<640x64xf32, #tpu.memory_space<vmem_shared>>) target_semaphore(%run_scoped3A : memref<!tpu.dma_semaphore, #tpu.memory_space<semaphore_mem>>)
      %dma_wait3A = arith.constant 0 : i32
      %dma_wait3A_27 = tpu.memref_slice %arg10[%mul3A_4, %dma_wait3A] : memref<10240x64xf32, #tpu.memory_space<vmem_shared>> -> memref<640x64xf32, #tpu.memory_space<vmem_shared>>
      tpu.wait_dma2 semaphore(%run_scoped3A : memref<!tpu.dma_semaphore, #tpu.memory_space<semaphore_mem>>) src(%arg5 : memref<640x64xf32, #tpu.memory_space<hbm>>) dst(%dma_wait3A_27 : memref<640x64xf32, #tpu.memory_space<vmem_shared>>)
      tpu.yield
    }) : () -> ()
    %barrier3A = arith.constant 0 : index
    tpu.barrier barrier_id(%barrier3A)
    %sub3A = arith.constant 0 : i32
    %sub3A_5 = arith.subi %select_n3A, %sub3A : i32
    %sub3A_6 = arith.constant 1 : i32
    %sub3A_7 = arith.constant 1 : i32
    %sub3A_8 = arith.subi %sub3A_6, %sub3A_7 : i32
    %add3A_9 = arith.addi %sub3A_5, %sub3A_8 : i32
    %div3A = arith.constant 1 : i32
    %div3A_10 = arith.divsi %add3A_9, %div3A : i32
    %while3A = arith.constant 1 : i32
    %while3A_11 = arith.constant 0 : i32
    %while3A_12 = arith.constant 0 : i32
    %while3A_13 = arith.subi %div3A_10, %while3A_12 : i32
    %while3A_14 = arith.addi %while3A_12, %while3A_13 : i32
    %while3A_15 = arith.constant 1 : i32
    %while3A_16 = arith.divsi %while3A_13, %while3A_15 : i32
    %while3A_17 = arith.muli %while3A_16, %while3A_15 : i32
    %while3A_18 = arith.addi %while3A_12, %while3A_17 : i32
    %while3A_19 = arith.constant 1 : i32
    scf.for %while3A_26 = %while3A_12 to %while3A_18 step %while3A_19  : i32 {
      %mul3A_27 = arith.muli %while3A_26, %while3A : i32
      %add3A_28 = arith.addi %while3A_11, %mul3A_27 : i32
      %mul3A_29 = arith.constant 40 : i32
      %mul3A_30 = arith.muli %add3A_28, %mul3A_29 : i32
      "tpu.region"() ({
        %run_scoped3A = tpu.sem_alloc : memref<!tpu.dma_semaphore, #tpu.memory_space<semaphore_mem>>
        %dma_start3A_215 = arith.constant 0 : i32
        %dma_start3A_216 = arith.constant 0 : i32
        %dma_start3A_217 = tpu.memref_slice %arg2[%add3A, %dma_start3A_215, %dma_start3A_216] : memref<32x240x64xi32, #tpu.memory_space<hbm>> -> memref<1x240x64xi32, #tpu.memory_space<hbm>>
        %dma_start3A_218 = tpu.memref_squeeze %dma_start3A_217 : memref<1x240x64xi32, #tpu.memory_space<hbm>> -> memref<240x64xi32, #tpu.memory_space<hbm>>
        %dma_start3A_219 = arith.constant 0 : i32
        %dma_start3A_220 = tpu.memref_slice %dma_start3A_218[%mul3A_30, %dma_start3A_219] : memref<240x64xi32, #tpu.memory_space<hbm>> -> memref<40x64xi32, #tpu.memory_space<hbm>>
        %dma_start3A_221 = arith.constant 0 : i32
        %dma_start3A_222 = arith.constant 0 : i32
        %dma_start3A_223 = tpu.memref_slice %arg2[%add3A, %dma_start3A_221, %dma_start3A_222] : memref<32x240x64xi32, #tpu.memory_space<hbm>> -> memref<1x240x64xi32, #tpu.memory_space<hbm>>
        %dma_start3A_224 = tpu.memref_squeeze %dma_start3A_223 : memref<1x240x64xi32, #tpu.memory_space<hbm>> -> memref<240x64xi32, #tpu.memory_space<hbm>>
        %dma_start3A_225 = arith.constant 0 : i32
        %dma_start3A_226 = tpu.memref_slice %dma_start3A_224[%mul3A_30, %dma_start3A_225] : memref<240x64xi32, #tpu.memory_space<hbm>> -> memref<40x64xi32, #tpu.memory_space<hbm>>
        tpu.enqueue_dma source(%dma_start3A_226 : memref<40x64xi32, #tpu.memory_space<hbm>>) target(%arg7 : memref<40x64xi32, #tpu.memory_space<vmem>>) target_semaphore(%run_scoped3A : memref<!tpu.dma_semaphore, #tpu.memory_space<semaphore_mem>>)
        %dma_wait3A_227 = arith.constant 0 : i32
        %dma_wait3A_228 = arith.constant 0 : i32
        %dma_wait3A_229 = tpu.memref_slice %arg2[%add3A, %dma_wait3A_227, %dma_wait3A_228] : memref<32x240x64xi32, #tpu.memory_space<hbm>> -> memref<1x240x64xi32, #tpu.memory_space<hbm>>
        %dma_wait3A_230 = tpu.memref_squeeze %dma_wait3A_229 : memref<1x240x64xi32, #tpu.memory_space<hbm>> -> memref<240x64xi32, #tpu.memory_space<hbm>>
        %dma_wait3A_231 = arith.constant 0 : i32
        %dma_wait3A_232 = tpu.memref_slice %dma_wait3A_230[%mul3A_30, %dma_wait3A_231] : memref<240x64xi32, #tpu.memory_space<hbm>> -> memref<40x64xi32, #tpu.memory_space<hbm>>
        %dma_wait3A_233 = arith.constant 0 : i32
        %dma_wait3A_234 = arith.constant 0 : i32
        %dma_wait3A_235 = tpu.memref_slice %arg2[%add3A, %dma_wait3A_233, %dma_wait3A_234] : memref<32x240x64xi32, #tpu.memory_space<hbm>> -> memref<1x240x64xi32, #tpu.memory_space<hbm>>
        %dma_wait3A_236 = tpu.memref_squeeze %dma_wait3A_235 : memref<1x240x64xi32, #tpu.memory_space<hbm>> -> memref<240x64xi32, #tpu.memory_space<hbm>>
        %dma_wait3A_237 = arith.constant 0 : i32
        %dma_wait3A_238 = tpu.memref_slice %dma_wait3A_236[%mul3A_30, %dma_wait3A_237] : memref<240x64xi32, #tpu.memory_space<hbm>> -> memref<40x64xi32, #tpu.memory_space<hbm>>
        tpu.wait_dma2 semaphore(%run_scoped3A : memref<!tpu.dma_semaphore, #tpu.memory_space<semaphore_mem>>) src(%dma_wait3A_238 : memref<40x64xi32, #tpu.memory_space<hbm>>) dst(%arg7 : memref<40x64xi32, #tpu.memory_space<vmem>>)
        tpu.yield
      }) : () -> ()
      %mul3A_31 = arith.constant 40 : i32
      %mul3A_32 = arith.muli %add3A_28, %mul3A_31 : i32
      "tpu.region"() ({
        %run_scoped3A = tpu.sem_alloc : memref<!tpu.dma_semaphore, #tpu.memory_space<semaphore_mem>>
        %dma_start3A_215 = arith.constant 0 : i32
        %dma_start3A_216 = arith.constant 0 : i32
        %dma_start3A_217 = tpu.memref_slice %arg3[%add3A, %dma_start3A_215, %dma_start3A_216] : memref<32x240x64xi32, #tpu.memory_space<hbm>> -> memref<1x240x64xi32, #tpu.memory_space<hbm>>
        %dma_start3A_218 = tpu.memref_squeeze %dma_start3A_217 : memref<1x240x64xi32, #tpu.memory_space<hbm>> -> memref<240x64xi32, #tpu.memory_space<hbm>>
        %dma_start3A_219 = arith.constant 0 : i32
        %dma_start3A_220 = tpu.memref_slice %dma_start3A_218[%mul3A_32, %dma_start3A_219] : memref<240x64xi32, #tpu.memory_space<hbm>> -> memref<40x64xi32, #tpu.memory_space<hbm>>
        %dma_start3A_221 = arith.constant 0 : i32
        %dma_start3A_222 = arith.constant 0 : i32
        %dma_start3A_223 = tpu.memref_slice %arg3[%add3A, %dma_start3A_221, %dma_start3A_222] : memref<32x240x64xi32, #tpu.memory_space<hbm>> -> memref<1x240x64xi32, #tpu.memory_space<hbm>>
        %dma_start3A_224 = tpu.memref_squeeze %dma_start3A_223 : memref<1x240x64xi32, #tpu.memory_space<hbm>> -> memref<240x64xi32, #tpu.memory_space<hbm>>
        %dma_start3A_225 = arith.constant 0 : i32
        %dma_start3A_226 = tpu.memref_slice %dma_start3A_224[%mul3A_32, %dma_start3A_225] : memref<240x64xi32, #tpu.memory_space<hbm>> -> memref<40x64xi32, #tpu.memory_space<hbm>>
        tpu.enqueue_dma source(%dma_start3A_226 : memref<40x64xi32, #tpu.memory_space<hbm>>) target(%arg8 : memref<40x64xi32, #tpu.memory_space<vmem>>) target_semaphore(%run_scoped3A : memref<!tpu.dma_semaphore, #tpu.memory_space<semaphore_mem>>)
        %dma_wait3A_227 = arith.constant 0 : i32
        %dma_wait3A_228 = arith.constant 0 : i32
        %dma_wait3A_229 = tpu.memref_slice %arg3[%add3A, %dma_wait3A_227, %dma_wait3A_228] : memref<32x240x64xi32, #tpu.memory_space<hbm>> -> memref<1x240x64xi32, #tpu.memory_space<hbm>>
        %dma_wait3A_230 = tpu.memref_squeeze %dma_wait3A_229 : memref<1x240x64xi32, #tpu.memory_space<hbm>> -> memref<240x64xi32, #tpu.memory_space<hbm>>
        %dma_wait3A_231 = arith.constant 0 : i32
        %dma_wait3A_232 = tpu.memref_slice %dma_wait3A_230[%mul3A_32, %dma_wait3A_231] : memref<240x64xi32, #tpu.memory_space<hbm>> -> memref<40x64xi32, #tpu.memory_space<hbm>>
        %dma_wait3A_233 = arith.constant 0 : i32
        %dma_wait3A_234 = arith.constant 0 : i32
        %dma_wait3A_235 = tpu.memref_slice %arg3[%add3A, %dma_wait3A_233, %dma_wait3A_234] : memref<32x240x64xi32, #tpu.memory_space<hbm>> -> memref<1x240x64xi32, #tpu.memory_space<hbm>>
        %dma_wait3A_236 = tpu.memref_squeeze %dma_wait3A_235 : memref<1x240x64xi32, #tpu.memory_space<hbm>> -> memref<240x64xi32, #tpu.memory_space<hbm>>
        %dma_wait3A_237 = arith.constant 0 : i32
        %dma_wait3A_238 = tpu.memref_slice %dma_wait3A_236[%mul3A_32, %dma_wait3A_237] : memref<240x64xi32, #tpu.memory_space<hbm>> -> memref<40x64xi32, #tpu.memory_space<hbm>>
        tpu.wait_dma2 semaphore(%run_scoped3A : memref<!tpu.dma_semaphore, #tpu.memory_space<semaphore_mem>>) src(%dma_wait3A_238 : memref<40x64xi32, #tpu.memory_space<hbm>>) dst(%arg8 : memref<40x64xi32, #tpu.memory_space<vmem>>)
        tpu.yield
      }) : () -> ()
      %dma_start3A = arith.constant 0 : i32
      %dma_start3A_33 = arith.constant 0 : i32
      %dma_start3A_34 = arith.constant 0 : i32
      %dma_start3A_35 = arith.constant 0 : i32
      %dma_start3A_36 = arith.constant 0 : i32
      %dma_start3A_37 = tpu.memref_slice %arg9[%dma_start3A_33, %dma_start3A_35, %dma_start3A_36] : memref<4x64x64xf32, #tpu.memory_space<vmem>> -> memref<1x64x64xf32, #tpu.memory_space<vmem>>
      %dma_start3A_38 = tpu.memref_squeeze %dma_start3A_37 : memref<1x64x64xf32, #tpu.memory_space<vmem>> -> memref<64x64xf32, #tpu.memory_space<vmem>>
      %dma_start3A_39 = arith.constant 0 : i32
      %dma_start3A_40 = tpu.memref_slice %arg7[%dma_start3A, %dma_start3A_39] : memref<40x64xi32, #tpu.memory_space<vmem>> -> memref<1x64xi32, #tpu.memory_space<vmem>>
      %dma_start3A_41 = tpu.memref_squeeze %dma_start3A_40 : memref<1x64xi32, #tpu.memory_space<vmem>> -> memref<64xi32, #tpu.memory_space<vmem>>
      %dma_start3A_42 = arith.constant 0 : i32
      %dma_start3A_43 = arith.constant 0 : i32
      %dma_start3A_44 = tpu.memref_slice %arg4[%dma_start3A_42, %dma_start3A_43] : memref<10240x64xf32, #tpu.memory_space<hbm>> -> memref<10240x64xf32, #tpu.memory_space<hbm>>
      %dma_start3A_45 = tpu.memref_slice %arg11[%dma_start3A_34] : memref<4x!tpu.dma_semaphore, #tpu.memory_space<semaphore_mem>> -> memref<1x!tpu.dma_semaphore, #tpu.memory_space<semaphore_mem>>
      %dma_start3A_46 = tpu.memref_squeeze %dma_start3A_45 : memref<1x!tpu.dma_semaphore, #tpu.memory_space<semaphore_mem>> -> memref<!tpu.dma_semaphore, #tpu.memory_space<semaphore_mem>>
      tpu.enqueue_indirect_dma source(%dma_start3A_44 : memref<10240x64xf32, #tpu.memory_space<hbm>>) target(%dma_start3A_38 : memref<64x64xf32, #tpu.memory_space<vmem>>) offsets(%dma_start3A_41 : memref<64xi32, #tpu.memory_space<vmem>>) semaphore(%dma_start3A_46 : memref<!tpu.dma_semaphore, #tpu.memory_space<semaphore_mem>>)
      %dma_start3A_47 = arith.constant 1 : i32
      %dma_start3A_48 = arith.constant 1 : i32
      %dma_start3A_49 = arith.constant 1 : i32
      %dma_start3A_50 = arith.constant 0 : i32
      %dma_start3A_51 = arith.constant 0 : i32
      %dma_start3A_52 = tpu.memref_slice %arg9[%dma_start3A_48, %dma_start3A_50, %dma_start3A_51] : memref<4x64x64xf32, #tpu.memory_space<vmem>> -> memref<1x64x64xf32, #tpu.memory_space<vmem>>
      %dma_start3A_53 = tpu.memref_squeeze %dma_start3A_52 : memref<1x64x64xf32, #tpu.memory_space<vmem>> -> memref<64x64xf32, #tpu.memory_space<vmem>>
      %dma_start3A_54 = arith.constant 0 : i32
      %dma_start3A_55 = tpu.memref_slice %arg7[%dma_start3A_47, %dma_start3A_54] : memref<40x64xi32, #tpu.memory_space<vmem>> -> memref<1x64xi32, #tpu.memory_space<vmem>>
      %dma_start3A_56 = tpu.memref_squeeze %dma_start3A_55 : memref<1x64xi32, #tpu.memory_space<vmem>> -> memref<64xi32, #tpu.memory_space<vmem>>
      %dma_start3A_57 = arith.constant 0 : i32
      %dma_start3A_58 = arith.constant 0 : i32
      %dma_start3A_59 = tpu.memref_slice %arg4[%dma_start3A_57, %dma_start3A_58] : memref<10240x64xf32, #tpu.memory_space<hbm>> -> memref<10240x64xf32, #tpu.memory_space<hbm>>
      %dma_start3A_60 = tpu.memref_slice %arg11[%dma_start3A_49] : memref<4x!tpu.dma_semaphore, #tpu.memory_space<semaphore_mem>> -> memref<1x!tpu.dma_semaphore, #tpu.memory_space<semaphore_mem>>
      %dma_start3A_61 = tpu.memref_squeeze %dma_start3A_60 : memref<1x!tpu.dma_semaphore, #tpu.memory_space<semaphore_mem>> -> memref<!tpu.dma_semaphore, #tpu.memory_space<semaphore_mem>>
      tpu.enqueue_indirect_dma source(%dma_start3A_59 : memref<10240x64xf32, #tpu.memory_space<hbm>>) target(%dma_start3A_53 : memref<64x64xf32, #tpu.memory_space<vmem>>) offsets(%dma_start3A_56 : memref<64xi32, #tpu.memory_space<vmem>>) semaphore(%dma_start3A_61 : memref<!tpu.dma_semaphore, #tpu.memory_space<semaphore_mem>>)
      %dma_wait3A = arith.constant 0 : i32
      %dma_wait3A_62 = arith.constant 0 : i32
      %dma_wait3A_63 = arith.constant 0 : i32
      %dma_wait3A_64 = arith.constant 0 : i32
      %dma_wait3A_65 = arith.constant 0 : i32
      %dma_wait3A_66 = tpu.memref_slice %arg9[%dma_wait3A_62, %dma_wait3A_64, %dma_wait3A_65] : memref<4x64x64xf32, #tpu.memory_space<vmem>> -> memref<1x64x64xf32, #tpu.memory_space<vmem>>
      %dma_wait3A_67 = tpu.memref_squeeze %dma_wait3A_66 : memref<1x64x64xf32, #tpu.memory_space<vmem>> -> memref<64x64xf32, #tpu.memory_space<vmem>>
      %dma_wait3A_68 = arith.constant 0 : i32
      %dma_wait3A_69 = tpu.memref_slice %arg7[%dma_wait3A, %dma_wait3A_68] : memref<40x64xi32, #tpu.memory_space<vmem>> -> memref<1x64xi32, #tpu.memory_space<vmem>>
      %dma_wait3A_70 = tpu.memref_squeeze %dma_wait3A_69 : memref<1x64xi32, #tpu.memory_space<vmem>> -> memref<64xi32, #tpu.memory_space<vmem>>
      %dma_wait3A_71 = arith.constant 0 : i32
      %dma_wait3A_72 = arith.constant 0 : i32
      %dma_wait3A_73 = tpu.memref_slice %arg4[%dma_wait3A_71, %dma_wait3A_72] : memref<10240x64xf32, #tpu.memory_space<hbm>> -> memref<10240x64xf32, #tpu.memory_space<hbm>>
      %dma_wait3A_74 = tpu.memref_slice %arg11[%dma_wait3A_63] : memref<4x!tpu.dma_semaphore, #tpu.memory_space<semaphore_mem>> -> memref<1x!tpu.dma_semaphore, #tpu.memory_space<semaphore_mem>>
      %dma_wait3A_75 = tpu.memref_squeeze %dma_wait3A_74 : memref<1x!tpu.dma_semaphore, #tpu.memory_space<semaphore_mem>> -> memref<!tpu.dma_semaphore, #tpu.memory_space<semaphore_mem>>
      tpu.wait_indirect_dma semaphore(%dma_wait3A_75 : memref<!tpu.dma_semaphore, #tpu.memory_space<semaphore_mem>>) src(%dma_wait3A_73 : memref<10240x64xf32, #tpu.memory_space<hbm>>) dst(%dma_wait3A_67 : memref<64x64xf32, #tpu.memory_space<vmem>>)
      %dma_start3A_76 = arith.constant 2 : i32
      %dma_start3A_77 = arith.constant 2 : i32
      %dma_start3A_78 = arith.constant 2 : i32
      %dma_start3A_79 = arith.constant 0 : i32
      %dma_start3A_80 = arith.constant 0 : i32
      %dma_start3A_81 = tpu.memref_slice %arg9[%dma_start3A_77, %dma_start3A_79, %dma_start3A_80] : memref<4x64x64xf32, #tpu.memory_space<vmem>> -> memref<1x64x64xf32, #tpu.memory_space<vmem>>
      %dma_start3A_82 = tpu.memref_squeeze %dma_start3A_81 : memref<1x64x64xf32, #tpu.memory_space<vmem>> -> memref<64x64xf32, #tpu.memory_space<vmem>>
      %dma_start3A_83 = arith.constant 0 : i32
      %dma_start3A_84 = tpu.memref_slice %arg7[%dma_start3A_76, %dma_start3A_83] : memref<40x64xi32, #tpu.memory_space<vmem>> -> memref<1x64xi32, #tpu.memory_space<vmem>>
      %dma_start3A_85 = tpu.memref_squeeze %dma_start3A_84 : memref<1x64xi32, #tpu.memory_space<vmem>> -> memref<64xi32, #tpu.memory_space<vmem>>
      %dma_start3A_86 = arith.constant 0 : i32
      %dma_start3A_87 = arith.constant 0 : i32
      %dma_start3A_88 = tpu.memref_slice %arg4[%dma_start3A_86, %dma_start3A_87] : memref<10240x64xf32, #tpu.memory_space<hbm>> -> memref<10240x64xf32, #tpu.memory_space<hbm>>
      %dma_start3A_89 = tpu.memref_slice %arg11[%dma_start3A_78] : memref<4x!tpu.dma_semaphore, #tpu.memory_space<semaphore_mem>> -> memref<1x!tpu.dma_semaphore, #tpu.memory_space<semaphore_mem>>
      %dma_start3A_90 = tpu.memref_squeeze %dma_start3A_89 : memref<1x!tpu.dma_semaphore, #tpu.memory_space<semaphore_mem>> -> memref<!tpu.dma_semaphore, #tpu.memory_space<semaphore_mem>>
      tpu.enqueue_indirect_dma source(%dma_start3A_88 : memref<10240x64xf32, #tpu.memory_space<hbm>>) target(%dma_start3A_82 : memref<64x64xf32, #tpu.memory_space<vmem>>) offsets(%dma_start3A_85 : memref<64xi32, #tpu.memory_space<vmem>>) semaphore(%dma_start3A_90 : memref<!tpu.dma_semaphore, #tpu.memory_space<semaphore_mem>>)
      %dma_start3A_91 = arith.constant 0 : i32
      %dma_start3A_92 = arith.constant 0 : i32
      %dma_start3A_93 = arith.constant 0 : i32
      %dma_start3A_94 = arith.constant 0 : i32
      %dma_start3A_95 = arith.constant 0 : i32
      %dma_start3A_96 = tpu.memref_slice %arg9[%dma_start3A_91, %dma_start3A_94, %dma_start3A_95] : memref<4x64x64xf32, #tpu.memory_space<vmem>> -> memref<1x64x64xf32, #tpu.memory_space<vmem>>
      %dma_start3A_97 = tpu.memref_squeeze %dma_start3A_96 : memref<1x64x64xf32, #tpu.memory_space<vmem>> -> memref<64x64xf32, #tpu.memory_space<vmem>>
      %dma_start3A_98 = arith.constant 0 : i32
      %dma_start3A_99 = tpu.memref_slice %arg8[%dma_start3A_92, %dma_start3A_98] : memref<40x64xi32, #tpu.memory_space<vmem>> -> memref<1x64xi32, #tpu.memory_space<vmem>>
      %dma_start3A_100 = tpu.memref_squeeze %dma_start3A_99 : memref<1x64xi32, #tpu.memory_space<vmem>> -> memref<64xi32, #tpu.memory_space<vmem>>
      %dma_start3A_101 = arith.constant 0 : i32
      %dma_start3A_102 = arith.constant 0 : i32
      %dma_start3A_103 = tpu.memref_slice %arg10[%dma_start3A_101, %dma_start3A_102] : memref<10240x64xf32, #tpu.memory_space<vmem_shared>> -> memref<10240x64xf32, #tpu.memory_space<vmem_shared>>
      %dma_start3A_104 = tpu.memref_slice %arg12[%dma_start3A_93] : memref<4x!tpu.dma_semaphore, #tpu.memory_space<semaphore_mem>> -> memref<1x!tpu.dma_semaphore, #tpu.memory_space<semaphore_mem>>
      %dma_start3A_105 = tpu.memref_squeeze %dma_start3A_104 : memref<1x!tpu.dma_semaphore, #tpu.memory_space<semaphore_mem>> -> memref<!tpu.dma_semaphore, #tpu.memory_space<semaphore_mem>>
      tpu.enqueue_indirect_dma source(%dma_start3A_97 : memref<64x64xf32, #tpu.memory_space<vmem>>) target(%dma_start3A_103 : memref<10240x64xf32, #tpu.memory_space<vmem_shared>>) offsets(%dma_start3A_100 : memref<64xi32, #tpu.memory_space<vmem>>) semaphore(%dma_start3A_105 : memref<!tpu.dma_semaphore, #tpu.memory_space<semaphore_mem>>) {add = true}
      %dma_wait3A_106 = arith.constant 0 : i32
      %dma_wait3A_107 = arith.constant 0 : i32
      %dma_wait3A_108 = arith.constant 1 : i32
      %dma_wait3A_109 = arith.constant 0 : i32
      %dma_wait3A_110 = arith.constant 0 : i32
      %dma_wait3A_111 = tpu.memref_slice %arg9[%dma_wait3A_107, %dma_wait3A_109, %dma_wait3A_110] : memref<4x64x64xf32, #tpu.memory_space<vmem>> -> memref<1x64x64xf32, #tpu.memory_space<vmem>>
      %dma_wait3A_112 = tpu.memref_squeeze %dma_wait3A_111 : memref<1x64x64xf32, #tpu.memory_space<vmem>> -> memref<64x64xf32, #tpu.memory_space<vmem>>
      %dma_wait3A_113 = arith.constant 0 : i32
      %dma_wait3A_114 = tpu.memref_slice %arg7[%dma_wait3A_106, %dma_wait3A_113] : memref<40x64xi32, #tpu.memory_space<vmem>> -> memref<1x64xi32, #tpu.memory_space<vmem>>
      %dma_wait3A_115 = tpu.memref_squeeze %dma_wait3A_114 : memref<1x64xi32, #tpu.memory_space<vmem>> -> memref<64xi32, #tpu.memory_space<vmem>>
      %dma_wait3A_116 = arith.constant 0 : i32
      %dma_wait3A_117 = arith.constant 0 : i32
      %dma_wait3A_118 = tpu.memref_slice %arg4[%dma_wait3A_116, %dma_wait3A_117] : memref<10240x64xf32, #tpu.memory_space<hbm>> -> memref<10240x64xf32, #tpu.memory_space<hbm>>
      %dma_wait3A_119 = tpu.memref_slice %arg11[%dma_wait3A_108] : memref<4x!tpu.dma_semaphore, #tpu.memory_space<semaphore_mem>> -> memref<1x!tpu.dma_semaphore, #tpu.memory_space<semaphore_mem>>
      %dma_wait3A_120 = tpu.memref_squeeze %dma_wait3A_119 : memref<1x!tpu.dma_semaphore, #tpu.memory_space<semaphore_mem>> -> memref<!tpu.dma_semaphore, #tpu.memory_space<semaphore_mem>>
      tpu.wait_indirect_dma semaphore(%dma_wait3A_120 : memref<!tpu.dma_semaphore, #tpu.memory_space<semaphore_mem>>) src(%dma_wait3A_118 : memref<10240x64xf32, #tpu.memory_space<hbm>>) dst(%dma_wait3A_112 : memref<64x64xf32, #tpu.memory_space<vmem>>)
      %dma_start3A_121 = arith.constant 3 : i32
      %dma_start3A_122 = arith.constant 3 : i32
      %dma_start3A_123 = arith.constant 3 : i32
      %dma_start3A_124 = arith.constant 0 : i32
      %dma_start3A_125 = arith.constant 0 : i32
      %dma_start3A_126 = tpu.memref_slice %arg9[%dma_start3A_122, %dma_start3A_124, %dma_start3A_125] : memref<4x64x64xf32, #tpu.memory_space<vmem>> -> memref<1x64x64xf32, #tpu.memory_space<vmem>>
      %dma_start3A_127 = tpu.memref_squeeze %dma_start3A_126 : memref<1x64x64xf32, #tpu.memory_space<vmem>> -> memref<64x64xf32, #tpu.memory_space<vmem>>
      %dma_start3A_128 = arith.constant 0 : i32
      %dma_start3A_129 = tpu.memref_slice %arg7[%dma_start3A_121, %dma_start3A_128] : memref<40x64xi32, #tpu.memory_space<vmem>> -> memref<1x64xi32, #tpu.memory_space<vmem>>
      %dma_start3A_130 = tpu.memref_squeeze %dma_start3A_129 : memref<1x64xi32, #tpu.memory_space<vmem>> -> memref<64xi32, #tpu.memory_space<vmem>>
      %dma_start3A_131 = arith.constant 0 : i32
      %dma_start3A_132 = arith.constant 0 : i32
      %dma_start3A_133 = tpu.memref_slice %arg4[%dma_start3A_131, %dma_start3A_132] : memref<10240x64xf32, #tpu.memory_space<hbm>> -> memref<10240x64xf32, #tpu.memory_space<hbm>>
      %dma_start3A_134 = tpu.memref_slice %arg11[%dma_start3A_123] : memref<4x!tpu.dma_semaphore, #tpu.memory_space<semaphore_mem>> -> memref<1x!tpu.dma_semaphore, #tpu.memory_space<semaphore_mem>>
      %dma_start3A_135 = tpu.memref_squeeze %dma_start3A_134 : memref<1x!tpu.dma_semaphore, #tpu.memory_space<semaphore_mem>> -> memref<!tpu.dma_semaphore, #tpu.memory_space<semaphore_mem>>
      tpu.enqueue_indirect_dma source(%dma_start3A_133 : memref<10240x64xf32, #tpu.memory_space<hbm>>) target(%dma_start3A_127 : memref<64x64xf32, #tpu.memory_space<vmem>>) offsets(%dma_start3A_130 : memref<64xi32, #tpu.memory_space<vmem>>) semaphore(%dma_start3A_135 : memref<!tpu.dma_semaphore, #tpu.memory_space<semaphore_mem>>)
      %dma_start3A_136 = arith.constant 1 : i32
      %dma_start3A_137 = arith.constant 1 : i32
      %dma_start3A_138 = arith.constant 1 : i32
      %dma_start3A_139 = arith.constant 0 : i32
      %dma_start3A_140 = arith.constant 0 : i32
      %dma_start3A_141 = tpu.memref_slice %arg9[%dma_start3A_136, %dma_start3A_139, %dma_start3A_140] : memref<4x64x64xf32, #tpu.memory_space<vmem>> -> memref<1x64x64xf32, #tpu.memory_space<vmem>>
      %dma_start3A_142 = tpu.memref_squeeze %dma_start3A_141 : memref<1x64x64xf32, #tpu.memory_space<vmem>> -> memref<64x64xf32, #tpu.memory_space<vmem>>
      %dma_start3A_143 = arith.constant 0 : i32
      %dma_start3A_144 = tpu.memref_slice %arg8[%dma_start3A_137, %dma_start3A_143] : memref<40x64xi32, #tpu.memory_space<vmem>> -> memref<1x64xi32, #tpu.memory_space<vmem>>
      %dma_start3A_145 = tpu.memref_squeeze %dma_start3A_144 : memref<1x64xi32, #tpu.memory_space<vmem>> -> memref<64xi32, #tpu.memory_space<vmem>>
      %dma_start3A_146 = arith.constant 0 : i32
      %dma_start3A_147 = arith.constant 0 : i32
      %dma_start3A_148 = tpu.memref_slice %arg10[%dma_start3A_146, %dma_start3A_147] : memref<10240x64xf32, #tpu.memory_space<vmem_shared>> -> memref<10240x64xf32, #tpu.memory_space<vmem_shared>>
      %dma_start3A_149 = tpu.memref_slice %arg12[%dma_start3A_138] : memref<4x!tpu.dma_semaphore, #tpu.memory_space<semaphore_mem>> -> memref<1x!tpu.dma_semaphore, #tpu.memory_space<semaphore_mem>>
      %dma_start3A_150 = tpu.memref_squeeze %dma_start3A_149 : memref<1x!tpu.dma_semaphore, #tpu.memory_space<semaphore_mem>> -> memref<!tpu.dma_semaphore, #tpu.memory_space<semaphore_mem>>
      tpu.enqueue_indirect_dma source(%dma_start3A_142 : memref<64x64xf32, #tpu.memory_space<vmem>>) target(%dma_start3A_148 : memref<10240x64xf32, #tpu.memory_space<vmem_shared>>) offsets(%dma_start3A_145 : memref<64xi32, #tpu.memory_space<vmem>>) semaphore(%dma_start3A_150 : memref<!tpu.dma_semaphore, #tpu.memory_space<semaphore_mem>>) {add = true}
      %scan3A = arith.constant 0 : i32
      %scan3A_151 = arith.constant 38 : i32
      %scan3A_152 = arith.addi %scan3A, %scan3A_151 : i32
      %scan3A_153 = arith.constant 1 : i32
      scf.for %scan3A_215 = %scan3A to %scan3A_152 step %scan3A_153  : i32 {
        %mul3A_216 = arith.constant 1 : i32
        %mul3A_217 = arith.muli %scan3A_215, %mul3A_216 : i32
        %add3A_218 = arith.constant 2 : i32
        %add3A_219 = arith.addi %add3A_218, %mul3A_217 : i32
        %rem3A = arith.constant 4 : i32
        %rem3A_220 = arith.remsi %add3A_219, %rem3A : i32
        %add3A_221 = arith.constant 2 : i32
        %add3A_222 = arith.addi %add3A_219, %add3A_221 : i32
        %rem3A_223 = arith.constant 4 : i32
        %rem3A_224 = arith.remsi %add3A_222, %rem3A_223 : i32
        %dma_wait3A_225 = arith.constant 0 : i32
        %dma_wait3A_226 = arith.constant 0 : i32
        %dma_wait3A_227 = arith.constant 0 : i32
        %dma_wait3A_228 = arith.constant 0 : i32
        %dma_wait3A_229 = tpu.memref_slice %arg9[%dma_wait3A_226, %dma_wait3A_227, %dma_wait3A_228] : memref<4x64x64xf32, #tpu.memory_space<vmem>> -> memref<1x64x64xf32, #tpu.memory_space<vmem>>
        %dma_wait3A_230 = tpu.memref_squeeze %dma_wait3A_229 : memref<1x64x64xf32, #tpu.memory_space<vmem>> -> memref<64x64xf32, #tpu.memory_space<vmem>>
        %dma_wait3A_231 = arith.constant 0 : i32
        %dma_wait3A_232 = tpu.memref_slice %arg7[%dma_wait3A_225, %dma_wait3A_231] : memref<40x64xi32, #tpu.memory_space<vmem>> -> memref<1x64xi32, #tpu.memory_space<vmem>>
        %dma_wait3A_233 = tpu.memref_squeeze %dma_wait3A_232 : memref<1x64xi32, #tpu.memory_space<vmem>> -> memref<64xi32, #tpu.memory_space<vmem>>
        %dma_wait3A_234 = arith.constant 0 : i32
        %dma_wait3A_235 = arith.constant 0 : i32
        %dma_wait3A_236 = tpu.memref_slice %arg4[%dma_wait3A_234, %dma_wait3A_235] : memref<10240x64xf32, #tpu.memory_space<hbm>> -> memref<10240x64xf32, #tpu.memory_space<hbm>>
        %dma_wait3A_237 = tpu.memref_slice %arg11[%rem3A_220] : memref<4x!tpu.dma_semaphore, #tpu.memory_space<semaphore_mem>> -> memref<1x!tpu.dma_semaphore, #tpu.memory_space<semaphore_mem>>
        %dma_wait3A_238 = tpu.memref_squeeze %dma_wait3A_237 : memref<1x!tpu.dma_semaphore, #tpu.memory_space<semaphore_mem>> -> memref<!tpu.dma_semaphore, #tpu.memory_space<semaphore_mem>>
        tpu.wait_indirect_dma semaphore(%dma_wait3A_238 : memref<!tpu.dma_semaphore, #tpu.memory_space<semaphore_mem>>) src(%dma_wait3A_236 : memref<10240x64xf32, #tpu.memory_space<hbm>>) dst(%dma_wait3A_230 : memref<64x64xf32, #tpu.memory_space<vmem>>)
        %dma_wait3A_239 = arith.constant 0 : i32
        %dma_wait3A_240 = arith.constant 0 : i32
        %dma_wait3A_241 = arith.constant 0 : i32
        %dma_wait3A_242 = arith.constant 0 : i32
        %dma_wait3A_243 = tpu.memref_slice %arg9[%dma_wait3A_239, %dma_wait3A_241, %dma_wait3A_242] : memref<4x64x64xf32, #tpu.memory_space<vmem>> -> memref<1x64x64xf32, #tpu.memory_space<vmem>>
        %dma_wait3A_244 = tpu.memref_squeeze %dma_wait3A_243 : memref<1x64x64xf32, #tpu.memory_space<vmem>> -> memref<64x64xf32, #tpu.memory_space<vmem>>
        %dma_wait3A_245 = arith.constant 0 : i32
        %dma_wait3A_246 = tpu.memref_slice %arg8[%dma_wait3A_240, %dma_wait3A_245] : memref<40x64xi32, #tpu.memory_space<vmem>> -> memref<1x64xi32, #tpu.memory_space<vmem>>
        %dma_wait3A_247 = tpu.memref_squeeze %dma_wait3A_246 : memref<1x64xi32, #tpu.memory_space<vmem>> -> memref<64xi32, #tpu.memory_space<vmem>>
        %dma_wait3A_248 = arith.constant 0 : i32
        %dma_wait3A_249 = arith.constant 0 : i32
        %dma_wait3A_250 = tpu.memref_slice %arg10[%dma_wait3A_248, %dma_wait3A_249] : memref<10240x64xf32, #tpu.memory_space<vmem_shared>> -> memref<10240x64xf32, #tpu.memory_space<vmem_shared>>
        %dma_wait3A_251 = tpu.memref_slice %arg12[%rem3A_224] : memref<4x!tpu.dma_semaphore, #tpu.memory_space<semaphore_mem>> -> memref<1x!tpu.dma_semaphore, #tpu.memory_space<semaphore_mem>>
        %dma_wait3A_252 = tpu.memref_squeeze %dma_wait3A_251 : memref<1x!tpu.dma_semaphore, #tpu.memory_space<semaphore_mem>> -> memref<!tpu.dma_semaphore, #tpu.memory_space<semaphore_mem>>
        tpu.wait_indirect_dma semaphore(%dma_wait3A_252 : memref<!tpu.dma_semaphore, #tpu.memory_space<semaphore_mem>>) src(%dma_wait3A_244 : memref<64x64xf32, #tpu.memory_space<vmem>>) dst(%dma_wait3A_250 : memref<10240x64xf32, #tpu.memory_space<vmem_shared>>)
        %add3A_253 = arith.constant 2 : i32
        %add3A_254 = arith.addi %add3A_219, %add3A_253 : i32
        %min3A = arith.constant 39 : i32
        %min3A_255 = arith.minsi %add3A_254, %min3A : i32
        %dma_start3A_256 = arith.constant 0 : i32
        %dma_start3A_257 = arith.constant 0 : i32
        %dma_start3A_258 = tpu.memref_slice %arg9[%rem3A_224, %dma_start3A_256, %dma_start3A_257] : memref<4x64x64xf32, #tpu.memory_space<vmem>> -> memref<1x64x64xf32, #tpu.memory_space<vmem>>
        %dma_start3A_259 = tpu.memref_squeeze %dma_start3A_258 : memref<1x64x64xf32, #tpu.memory_space<vmem>> -> memref<64x64xf32, #tpu.memory_space<vmem>>
        %dma_start3A_260 = arith.constant 0 : i32
        %dma_start3A_261 = tpu.memref_slice %arg7[%min3A_255, %dma_start3A_260] : memref<40x64xi32, #tpu.memory_space<vmem>> -> memref<1x64xi32, #tpu.memory_space<vmem>>
        %dma_start3A_262 = tpu.memref_squeeze %dma_start3A_261 : memref<1x64xi32, #tpu.memory_space<vmem>> -> memref<64xi32, #tpu.memory_space<vmem>>
        %dma_start3A_263 = arith.constant 0 : i32
        %dma_start3A_264 = arith.constant 0 : i32
        %dma_start3A_265 = tpu.memref_slice %arg4[%dma_start3A_263, %dma_start3A_264] : memref<10240x64xf32, #tpu.memory_space<hbm>> -> memref<10240x64xf32, #tpu.memory_space<hbm>>
        %dma_start3A_266 = tpu.memref_slice %arg11[%rem3A_224] : memref<4x!tpu.dma_semaphore, #tpu.memory_space<semaphore_mem>> -> memref<1x!tpu.dma_semaphore, #tpu.memory_space<semaphore_mem>>
        %dma_start3A_267 = tpu.memref_squeeze %dma_start3A_266 : memref<1x!tpu.dma_semaphore, #tpu.memory_space<semaphore_mem>> -> memref<!tpu.dma_semaphore, #tpu.memory_space<semaphore_mem>>
        tpu.enqueue_indirect_dma source(%dma_start3A_265 : memref<10240x64xf32, #tpu.memory_space<hbm>>) target(%dma_start3A_259 : memref<64x64xf32, #tpu.memory_space<vmem>>) offsets(%dma_start3A_262 : memref<64xi32, #tpu.memory_space<vmem>>) semaphore(%dma_start3A_267 : memref<!tpu.dma_semaphore, #tpu.memory_space<semaphore_mem>>)
        %dma_start3A_268 = arith.constant 0 : i32
        %dma_start3A_269 = arith.constant 0 : i32
        %dma_start3A_270 = tpu.memref_slice %arg9[%rem3A_220, %dma_start3A_268, %dma_start3A_269] : memref<4x64x64xf32, #tpu.memory_space<vmem>> -> memref<1x64x64xf32, #tpu.memory_space<vmem>>
        %dma_start3A_271 = tpu.memref_squeeze %dma_start3A_270 : memref<1x64x64xf32, #tpu.memory_space<vmem>> -> memref<64x64xf32, #tpu.memory_space<vmem>>
        %dma_start3A_272 = arith.constant 0 : i32
        %dma_start3A_273 = tpu.memref_slice %arg8[%add3A_219, %dma_start3A_272] : memref<40x64xi32, #tpu.memory_space<vmem>> -> memref<1x64xi32, #tpu.memory_space<vmem>>
        %dma_start3A_274 = tpu.memref_squeeze %dma_start3A_273 : memref<1x64xi32, #tpu.memory_space<vmem>> -> memref<64xi32, #tpu.memory_space<vmem>>
        %dma_start3A_275 = arith.constant 0 : i32
        %dma_start3A_276 = arith.constant 0 : i32
        %dma_start3A_277 = tpu.memref_slice %arg10[%dma_start3A_275, %dma_start3A_276] : memref<10240x64xf32, #tpu.memory_space<vmem_shared>> -> memref<10240x64xf32, #tpu.memory_space<vmem_shared>>
        %dma_start3A_278 = tpu.memref_slice %arg12[%rem3A_220] : memref<4x!tpu.dma_semaphore, #tpu.memory_space<semaphore_mem>> -> memref<1x!tpu.dma_semaphore, #tpu.memory_space<semaphore_mem>>
        %dma_start3A_279 = tpu.memref_squeeze %dma_start3A_278 : memref<1x!tpu.dma_semaphore, #tpu.memory_space<semaphore_mem>> -> memref<!tpu.dma_semaphore, #tpu.memory_space<semaphore_mem>>
        tpu.enqueue_indirect_dma source(%dma_start3A_271 : memref<64x64xf32, #tpu.memory_space<vmem>>) target(%dma_start3A_277 : memref<10240x64xf32, #tpu.memory_space<vmem_shared>>) offsets(%dma_start3A_274 : memref<64xi32, #tpu.memory_space<vmem>>) semaphore(%dma_start3A_279 : memref<!tpu.dma_semaphore, #tpu.memory_space<semaphore_mem>>) {add = true}
      }
      %scan3A_154 = arith.constant 38 : i32
      %dma_wait3A_155 = arith.constant 0 : i32
      %dma_wait3A_156 = arith.constant 0 : i32
      %dma_wait3A_157 = arith.constant 0 : i32
      %dma_wait3A_158 = arith.constant 0 : i32
      %dma_wait3A_159 = arith.constant 0 : i32
      %dma_wait3A_160 = tpu.memref_slice %arg9[%dma_wait3A_156, %dma_wait3A_158, %dma_wait3A_159] : memref<4x64x64xf32, #tpu.memory_space<vmem>> -> memref<1x64x64xf32, #tpu.memory_space<vmem>>
      %dma_wait3A_161 = tpu.memref_squeeze %dma_wait3A_160 : memref<1x64x64xf32, #tpu.memory_space<vmem>> -> memref<64x64xf32, #tpu.memory_space<vmem>>
      %dma_wait3A_162 = arith.constant 0 : i32
      %dma_wait3A_163 = tpu.memref_slice %arg7[%dma_wait3A_155, %dma_wait3A_162] : memref<40x64xi32, #tpu.memory_space<vmem>> -> memref<1x64xi32, #tpu.memory_space<vmem>>
      %dma_wait3A_164 = tpu.memref_squeeze %dma_wait3A_163 : memref<1x64xi32, #tpu.memory_space<vmem>> -> memref<64xi32, #tpu.memory_space<vmem>>
      %dma_wait3A_165 = arith.constant 0 : i32
      %dma_wait3A_166 = arith.constant 0 : i32
      %dma_wait3A_167 = tpu.memref_slice %arg4[%dma_wait3A_165, %dma_wait3A_166] : memref<10240x64xf32, #tpu.memory_space<hbm>> -> memref<10240x64xf32, #tpu.memory_space<hbm>>
      %dma_wait3A_168 = tpu.memref_slice %arg11[%dma_wait3A_157] : memref<4x!tpu.dma_semaphore, #tpu.memory_space<semaphore_mem>> -> memref<1x!tpu.dma_semaphore, #tpu.memory_space<semaphore_mem>>
      %dma_wait3A_169 = tpu.memref_squeeze %dma_wait3A_168 : memref<1x!tpu.dma_semaphore, #tpu.memory_space<semaphore_mem>> -> memref<!tpu.dma_semaphore, #tpu.memory_space<semaphore_mem>>
      tpu.wait_indirect_dma semaphore(%dma_wait3A_169 : memref<!tpu.dma_semaphore, #tpu.memory_space<semaphore_mem>>) src(%dma_wait3A_167 : memref<10240x64xf32, #tpu.memory_space<hbm>>) dst(%dma_wait3A_161 : memref<64x64xf32, #tpu.memory_space<vmem>>)
      %dma_wait3A_170 = arith.constant 0 : i32
      %dma_wait3A_171 = arith.constant 0 : i32
      %dma_wait3A_172 = arith.constant 1 : i32
      %dma_wait3A_173 = arith.constant 0 : i32
      %dma_wait3A_174 = arith.constant 0 : i32
      %dma_wait3A_175 = tpu.memref_slice %arg9[%dma_wait3A_171, %dma_wait3A_173, %dma_wait3A_174] : memref<4x64x64xf32, #tpu.memory_space<vmem>> -> memref<1x64x64xf32, #tpu.memory_space<vmem>>
      %dma_wait3A_176 = tpu.memref_squeeze %dma_wait3A_175 : memref<1x64x64xf32, #tpu.memory_space<vmem>> -> memref<64x64xf32, #tpu.memory_space<vmem>>
      %dma_wait3A_177 = arith.constant 0 : i32
      %dma_wait3A_178 = tpu.memref_slice %arg7[%dma_wait3A_170, %dma_wait3A_177] : memref<40x64xi32, #tpu.memory_space<vmem>> -> memref<1x64xi32, #tpu.memory_space<vmem>>
      %dma_wait3A_179 = tpu.memref_squeeze %dma_wait3A_178 : memref<1x64xi32, #tpu.memory_space<vmem>> -> memref<64xi32, #tpu.memory_space<vmem>>
      %dma_wait3A_180 = arith.constant 0 : i32
      %dma_wait3A_181 = arith.constant 0 : i32
      %dma_wait3A_182 = tpu.memref_slice %arg4[%dma_wait3A_180, %dma_wait3A_181] : memref<10240x64xf32, #tpu.memory_space<hbm>> -> memref<10240x64xf32, #tpu.memory_space<hbm>>
      %dma_wait3A_183 = tpu.memref_slice %arg11[%dma_wait3A_172] : memref<4x!tpu.dma_semaphore, #tpu.memory_space<semaphore_mem>> -> memref<1x!tpu.dma_semaphore, #tpu.memory_space<semaphore_mem>>
      %dma_wait3A_184 = tpu.memref_squeeze %dma_wait3A_183 : memref<1x!tpu.dma_semaphore, #tpu.memory_space<semaphore_mem>> -> memref<!tpu.dma_semaphore, #tpu.memory_space<semaphore_mem>>
      tpu.wait_indirect_dma semaphore(%dma_wait3A_184 : memref<!tpu.dma_semaphore, #tpu.memory_space<semaphore_mem>>) src(%dma_wait3A_182 : memref<10240x64xf32, #tpu.memory_space<hbm>>) dst(%dma_wait3A_176 : memref<64x64xf32, #tpu.memory_space<vmem>>)
      %dma_wait3A_185 = arith.constant 0 : i32
      %dma_wait3A_186 = arith.constant 0 : i32
      %dma_wait3A_187 = arith.constant 2 : i32
      %dma_wait3A_188 = arith.constant 0 : i32
      %dma_wait3A_189 = arith.constant 0 : i32
      %dma_wait3A_190 = tpu.memref_slice %arg9[%dma_wait3A_185, %dma_wait3A_188, %dma_wait3A_189] : memref<4x64x64xf32, #tpu.memory_space<vmem>> -> memref<1x64x64xf32, #tpu.memory_space<vmem>>
      %dma_wait3A_191 = tpu.memref_squeeze %dma_wait3A_190 : memref<1x64x64xf32, #tpu.memory_space<vmem>> -> memref<64x64xf32, #tpu.memory_space<vmem>>
      %dma_wait3A_192 = arith.constant 0 : i32
      %dma_wait3A_193 = tpu.memref_slice %arg8[%dma_wait3A_186, %dma_wait3A_192] : memref<40x64xi32, #tpu.memory_space<vmem>> -> memref<1x64xi32, #tpu.memory_space<vmem>>
      %dma_wait3A_194 = tpu.memref_squeeze %dma_wait3A_193 : memref<1x64xi32, #tpu.memory_space<vmem>> -> memref<64xi32, #tpu.memory_space<vmem>>
      %dma_wait3A_195 = arith.constant 0 : i32
      %dma_wait3A_196 = arith.constant 0 : i32
      %dma_wait3A_197 = tpu.memref_slice %arg10[%dma_wait3A_195, %dma_wait3A_196] : memref<10240x64xf32, #tpu.memory_space<vmem_shared>> -> memref<10240x64xf32, #tpu.memory_space<vmem_shared>>
      %dma_wait3A_198 = tpu.memref_slice %arg12[%dma_wait3A_187] : memref<4x!tpu.dma_semaphore, #tpu.memory_space<semaphore_mem>> -> memref<1x!tpu.dma_semaphore, #tpu.memory_space<semaphore_mem>>
      %dma_wait3A_199 = tpu.memref_squeeze %dma_wait3A_198 : memref<1x!tpu.dma_semaphore, #tpu.memory_space<semaphore_mem>> -> memref<!tpu.dma_semaphore, #tpu.memory_space<semaphore_mem>>
      tpu.wait_indirect_dma semaphore(%dma_wait3A_199 : memref<!tpu.dma_semaphore, #tpu.memory_space<semaphore_mem>>) src(%dma_wait3A_191 : memref<64x64xf32, #tpu.memory_space<vmem>>) dst(%dma_wait3A_197 : memref<10240x64xf32, #tpu.memory_space<vmem_shared>>)
      %dma_wait3A_200 = arith.constant 0 : i32
      %dma_wait3A_201 = arith.constant 0 : i32
      %dma_wait3A_202 = arith.constant 3 : i32
      %dma_wait3A_203 = arith.constant 0 : i32
      %dma_wait3A_204 = arith.constant 0 : i32
      %dma_wait3A_205 = tpu.memref_slice %arg9[%dma_wait3A_200, %dma_wait3A_203, %dma_wait3A_204] : memref<4x64x64xf32, #tpu.memory_space<vmem>> -> memref<1x64x64xf32, #tpu.memory_space<vmem>>
      %dma_wait3A_206 = tpu.memref_squeeze %dma_wait3A_205 : memref<1x64x64xf32, #tpu.memory_space<vmem>> -> memref<64x64xf32, #tpu.memory_space<vmem>>
      %dma_wait3A_207 = arith.constant 0 : i32
      %dma_wait3A_208 = tpu.memref_slice %arg8[%dma_wait3A_201, %dma_wait3A_207] : memref<40x64xi32, #tpu.memory_space<vmem>> -> memref<1x64xi32, #tpu.memory_space<vmem>>
      %dma_wait3A_209 = tpu.memref_squeeze %dma_wait3A_208 : memref<1x64xi32, #tpu.memory_space<vmem>> -> memref<64xi32, #tpu.memory_space<vmem>>
      %dma_wait3A_210 = arith.constant 0 : i32
      %dma_wait3A_211 = arith.constant 0 : i32
      %dma_wait3A_212 = tpu.memref_slice %arg10[%dma_wait3A_210, %dma_wait3A_211] : memref<10240x64xf32, #tpu.memory_space<vmem_shared>> -> memref<10240x64xf32, #tpu.memory_space<vmem_shared>>
      %dma_wait3A_213 = tpu.memref_slice %arg12[%dma_wait3A_202] : memref<4x!tpu.dma_semaphore, #tpu.memory_space<semaphore_mem>> -> memref<1x!tpu.dma_semaphore, #tpu.memory_space<semaphore_mem>>
      %dma_wait3A_214 = tpu.memref_squeeze %dma_wait3A_213 : memref<1x!tpu.dma_semaphore, #tpu.memory_space<semaphore_mem>> -> memref<!tpu.dma_semaphore, #tpu.memory_space<semaphore_mem>>
      tpu.wait_indirect_dma semaphore(%dma_wait3A_214 : memref<!tpu.dma_semaphore, #tpu.memory_space<semaphore_mem>>) src(%dma_wait3A_206 : memref<64x64xf32, #tpu.memory_space<vmem>>) dst(%dma_wait3A_212 : memref<10240x64xf32, #tpu.memory_space<vmem_shared>>)
    }
    %while3A_20 = arith.constant 1 : i32
    scf.for %while3A_26 = %while3A_18 to %while3A_14 step %while3A_20  : i32 {
      %mul3A_27 = arith.muli %while3A_26, %while3A : i32
      %add3A_28 = arith.addi %while3A_11, %mul3A_27 : i32
      %mul3A_29 = arith.constant 40 : i32
      %mul3A_30 = arith.muli %add3A_28, %mul3A_29 : i32
      "tpu.region"() ({
        %run_scoped3A = tpu.sem_alloc : memref<!tpu.dma_semaphore, #tpu.memory_space<semaphore_mem>>
        %dma_start3A_215 = arith.constant 0 : i32
        %dma_start3A_216 = arith.constant 0 : i32
        %dma_start3A_217 = tpu.memref_slice %arg2[%add3A, %dma_start3A_215, %dma_start3A_216] : memref<32x240x64xi32, #tpu.memory_space<hbm>> -> memref<1x240x64xi32, #tpu.memory_space<hbm>>
        %dma_start3A_218 = tpu.memref_squeeze %dma_start3A_217 : memref<1x240x64xi32, #tpu.memory_space<hbm>> -> memref<240x64xi32, #tpu.memory_space<hbm>>
        %dma_start3A_219 = arith.constant 0 : i32
        %dma_start3A_220 = tpu.memref_slice %dma_start3A_218[%mul3A_30, %dma_start3A_219] : memref<240x64xi32, #tpu.memory_space<hbm>> -> memref<40x64xi32, #tpu.memory_space<hbm>>
        %dma_start3A_221 = arith.constant 0 : i32
        %dma_start3A_222 = arith.constant 0 : i32
        %dma_start3A_223 = tpu.memref_slice %arg2[%add3A, %dma_start3A_221, %dma_start3A_222] : memref<32x240x64xi32, #tpu.memory_space<hbm>> -> memref<1x240x64xi32, #tpu.memory_space<hbm>>
        %dma_start3A_224 = tpu.memref_squeeze %dma_start3A_223 : memref<1x240x64xi32, #tpu.memory_space<hbm>> -> memref<240x64xi32, #tpu.memory_space<hbm>>
        %dma_start3A_225 = arith.constant 0 : i32
        %dma_start3A_226 = tpu.memref_slice %dma_start3A_224[%mul3A_30, %dma_start3A_225] : memref<240x64xi32, #tpu.memory_space<hbm>> -> memref<40x64xi32, #tpu.memory_space<hbm>>
        tpu.enqueue_dma source(%dma_start3A_226 : memref<40x64xi32, #tpu.memory_space<hbm>>) target(%arg7 : memref<40x64xi32, #tpu.memory_space<vmem>>) target_semaphore(%run_scoped3A : memref<!tpu.dma_semaphore, #tpu.memory_space<semaphore_mem>>)
        %dma_wait3A_227 = arith.constant 0 : i32
        %dma_wait3A_228 = arith.constant 0 : i32
        %dma_wait3A_229 = tpu.memref_slice %arg2[%add3A, %dma_wait3A_227, %dma_wait3A_228] : memref<32x240x64xi32, #tpu.memory_space<hbm>> -> memref<1x240x64xi32, #tpu.memory_space<hbm>>
        %dma_wait3A_230 = tpu.memref_squeeze %dma_wait3A_229 : memref<1x240x64xi32, #tpu.memory_space<hbm>> -> memref<240x64xi32, #tpu.memory_space<hbm>>
        %dma_wait3A_231 = arith.constant 0 : i32
        %dma_wait3A_232 = tpu.memref_slice %dma_wait3A_230[%mul3A_30, %dma_wait3A_231] : memref<240x64xi32, #tpu.memory_space<hbm>> -> memref<40x64xi32, #tpu.memory_space<hbm>>
        %dma_wait3A_233 = arith.constant 0 : i32
        %dma_wait3A_234 = arith.constant 0 : i32
        %dma_wait3A_235 = tpu.memref_slice %arg2[%add3A, %dma_wait3A_233, %dma_wait3A_234] : memref<32x240x64xi32, #tpu.memory_space<hbm>> -> memref<1x240x64xi32, #tpu.memory_space<hbm>>
        %dma_wait3A_236 = tpu.memref_squeeze %dma_wait3A_235 : memref<1x240x64xi32, #tpu.memory_space<hbm>> -> memref<240x64xi32, #tpu.memory_space<hbm>>
        %dma_wait3A_237 = arith.constant 0 : i32
        %dma_wait3A_238 = tpu.memref_slice %dma_wait3A_236[%mul3A_30, %dma_wait3A_237] : memref<240x64xi32, #tpu.memory_space<hbm>> -> memref<40x64xi32, #tpu.memory_space<hbm>>
        tpu.wait_dma2 semaphore(%run_scoped3A : memref<!tpu.dma_semaphore, #tpu.memory_space<semaphore_mem>>) src(%dma_wait3A_238 : memref<40x64xi32, #tpu.memory_space<hbm>>) dst(%arg7 : memref<40x64xi32, #tpu.memory_space<vmem>>)
        tpu.yield
      }) : () -> ()
      %mul3A_31 = arith.constant 40 : i32
      %mul3A_32 = arith.muli %add3A_28, %mul3A_31 : i32
      "tpu.region"() ({
        %run_scoped3A = tpu.sem_alloc : memref<!tpu.dma_semaphore, #tpu.memory_space<semaphore_mem>>
        %dma_start3A_215 = arith.constant 0 : i32
        %dma_start3A_216 = arith.constant 0 : i32
        %dma_start3A_217 = tpu.memref_slice %arg3[%add3A, %dma_start3A_215, %dma_start3A_216] : memref<32x240x64xi32, #tpu.memory_space<hbm>> -> memref<1x240x64xi32, #tpu.memory_space<hbm>>
        %dma_start3A_218 = tpu.memref_squeeze %dma_start3A_217 : memref<1x240x64xi32, #tpu.memory_space<hbm>> -> memref<240x64xi32, #tpu.memory_space<hbm>>
        %dma_start3A_219 = arith.constant 0 : i32
        %dma_start3A_220 = tpu.memref_slice %dma_start3A_218[%mul3A_32, %dma_start3A_219] : memref<240x64xi32, #tpu.memory_space<hbm>> -> memref<40x64xi32, #tpu.memory_space<hbm>>
        %dma_start3A_221 = arith.constant 0 : i32
        %dma_start3A_222 = arith.constant 0 : i32
        %dma_start3A_223 = tpu.memref_slice %arg3[%add3A, %dma_start3A_221, %dma_start3A_222] : memref<32x240x64xi32, #tpu.memory_space<hbm>> -> memref<1x240x64xi32, #tpu.memory_space<hbm>>
        %dma_start3A_224 = tpu.memref_squeeze %dma_start3A_223 : memref<1x240x64xi32, #tpu.memory_space<hbm>> -> memref<240x64xi32, #tpu.memory_space<hbm>>
        %dma_start3A_225 = arith.constant 0 : i32
        %dma_start3A_226 = tpu.memref_slice %dma_start3A_224[%mul3A_32, %dma_start3A_225] : memref<240x64xi32, #tpu.memory_space<hbm>> -> memref<40x64xi32, #tpu.memory_space<hbm>>
        tpu.enqueue_dma source(%dma_start3A_226 : memref<40x64xi32, #tpu.memory_space<hbm>>) target(%arg8 : memref<40x64xi32, #tpu.memory_space<vmem>>) target_semaphore(%run_scoped3A : memref<!tpu.dma_semaphore, #tpu.memory_space<semaphore_mem>>)
        %dma_wait3A_227 = arith.constant 0 : i32
        %dma_wait3A_228 = arith.constant 0 : i32
        %dma_wait3A_229 = tpu.memref_slice %arg3[%add3A, %dma_wait3A_227, %dma_wait3A_228] : memref<32x240x64xi32, #tpu.memory_space<hbm>> -> memref<1x240x64xi32, #tpu.memory_space<hbm>>
        %dma_wait3A_230 = tpu.memref_squeeze %dma_wait3A_229 : memref<1x240x64xi32, #tpu.memory_space<hbm>> -> memref<240x64xi32, #tpu.memory_space<hbm>>
        %dma_wait3A_231 = arith.constant 0 : i32
        %dma_wait3A_232 = tpu.memref_slice %dma_wait3A_230[%mul3A_32, %dma_wait3A_231] : memref<240x64xi32, #tpu.memory_space<hbm>> -> memref<40x64xi32, #tpu.memory_space<hbm>>
        %dma_wait3A_233 = arith.constant 0 : i32
        %dma_wait3A_234 = arith.constant 0 : i32
        %dma_wait3A_235 = tpu.memref_slice %arg3[%add3A, %dma_wait3A_233, %dma_wait3A_234] : memref<32x240x64xi32, #tpu.memory_space<hbm>> -> memref<1x240x64xi32, #tpu.memory_space<hbm>>
        %dma_wait3A_236 = tpu.memref_squeeze %dma_wait3A_235 : memref<1x240x64xi32, #tpu.memory_space<hbm>> -> memref<240x64xi32, #tpu.memory_space<hbm>>
        %dma_wait3A_237 = arith.constant 0 : i32
        %dma_wait3A_238 = tpu.memref_slice %dma_wait3A_236[%mul3A_32, %dma_wait3A_237] : memref<240x64xi32, #tpu.memory_space<hbm>> -> memref<40x64xi32, #tpu.memory_space<hbm>>
        tpu.wait_dma2 semaphore(%run_scoped3A : memref<!tpu.dma_semaphore, #tpu.memory_space<semaphore_mem>>) src(%dma_wait3A_238 : memref<40x64xi32, #tpu.memory_space<hbm>>) dst(%arg8 : memref<40x64xi32, #tpu.memory_space<vmem>>)
        tpu.yield
      }) : () -> ()
      %dma_start3A = arith.constant 0 : i32
      %dma_start3A_33 = arith.constant 0 : i32
      %dma_start3A_34 = arith.constant 0 : i32
      %dma_start3A_35 = arith.constant 0 : i32
      %dma_start3A_36 = arith.constant 0 : i32
      %dma_start3A_37 = tpu.memref_slice %arg9[%dma_start3A_33, %dma_start3A_35, %dma_start3A_36] : memref<4x64x64xf32, #tpu.memory_space<vmem>> -> memref<1x64x64xf32, #tpu.memory_space<vmem>>
      %dma_start3A_38 = tpu.memref_squeeze %dma_start3A_37 : memref<1x64x64xf32, #tpu.memory_space<vmem>> -> memref<64x64xf32, #tpu.memory_space<vmem>>
      %dma_start3A_39 = arith.constant 0 : i32
      %dma_start3A_40 = tpu.memref_slice %arg7[%dma_start3A, %dma_start3A_39] : memref<40x64xi32, #tpu.memory_space<vmem>> -> memref<1x64xi32, #tpu.memory_space<vmem>>
      %dma_start3A_41 = tpu.memref_squeeze %dma_start3A_40 : memref<1x64xi32, #tpu.memory_space<vmem>> -> memref<64xi32, #tpu.memory_space<vmem>>
      %dma_start3A_42 = arith.constant 0 : i32
      %dma_start3A_43 = arith.constant 0 : i32
      %dma_start3A_44 = tpu.memref_slice %arg4[%dma_start3A_42, %dma_start3A_43] : memref<10240x64xf32, #tpu.memory_space<hbm>> -> memref<10240x64xf32, #tpu.memory_space<hbm>>
      %dma_start3A_45 = tpu.memref_slice %arg11[%dma_start3A_34] : memref<4x!tpu.dma_semaphore, #tpu.memory_space<semaphore_mem>> -> memref<1x!tpu.dma_semaphore, #tpu.memory_space<semaphore_mem>>
      %dma_start3A_46 = tpu.memref_squeeze %dma_start3A_45 : memref<1x!tpu.dma_semaphore, #tpu.memory_space<semaphore_mem>> -> memref<!tpu.dma_semaphore, #tpu.memory_space<semaphore_mem>>
      tpu.enqueue_indirect_dma source(%dma_start3A_44 : memref<10240x64xf32, #tpu.memory_space<hbm>>) target(%dma_start3A_38 : memref<64x64xf32, #tpu.memory_space<vmem>>) offsets(%dma_start3A_41 : memref<64xi32, #tpu.memory_space<vmem>>) semaphore(%dma_start3A_46 : memref<!tpu.dma_semaphore, #tpu.memory_space<semaphore_mem>>)
      %dma_start3A_47 = arith.constant 1 : i32
      %dma_start3A_48 = arith.constant 1 : i32
      %dma_start3A_49 = arith.constant 1 : i32
      %dma_start3A_50 = arith.constant 0 : i32
      %dma_start3A_51 = arith.constant 0 : i32
      %dma_start3A_52 = tpu.memref_slice %arg9[%dma_start3A_48, %dma_start3A_50, %dma_start3A_51] : memref<4x64x64xf32, #tpu.memory_space<vmem>> -> memref<1x64x64xf32, #tpu.memory_space<vmem>>
      %dma_start3A_53 = tpu.memref_squeeze %dma_start3A_52 : memref<1x64x64xf32, #tpu.memory_space<vmem>> -> memref<64x64xf32, #tpu.memory_space<vmem>>
      %dma_start3A_54 = arith.constant 0 : i32
      %dma_start3A_55 = tpu.memref_slice %arg7[%dma_start3A_47, %dma_start3A_54] : memref<40x64xi32, #tpu.memory_space<vmem>> -> memref<1x64xi32, #tpu.memory_space<vmem>>
      %dma_start3A_56 = tpu.memref_squeeze %dma_start3A_55 : memref<1x64xi32, #tpu.memory_space<vmem>> -> memref<64xi32, #tpu.memory_space<vmem>>
      %dma_start3A_57 = arith.constant 0 : i32
      %dma_start3A_58 = arith.constant 0 : i32
      %dma_start3A_59 = tpu.memref_slice %arg4[%dma_start3A_57, %dma_start3A_58] : memref<10240x64xf32, #tpu.memory_space<hbm>> -> memref<10240x64xf32, #tpu.memory_space<hbm>>
      %dma_start3A_60 = tpu.memref_slice %arg11[%dma_start3A_49] : memref<4x!tpu.dma_semaphore, #tpu.memory_space<semaphore_mem>> -> memref<1x!tpu.dma_semaphore, #tpu.memory_space<semaphore_mem>>
      %dma_start3A_61 = tpu.memref_squeeze %dma_start3A_60 : memref<1x!tpu.dma_semaphore, #tpu.memory_space<semaphore_mem>> -> memref<!tpu.dma_semaphore, #tpu.memory_space<semaphore_mem>>
      tpu.enqueue_indirect_dma source(%dma_start3A_59 : memref<10240x64xf32, #tpu.memory_space<hbm>>) target(%dma_start3A_53 : memref<64x64xf32, #tpu.memory_space<vmem>>) offsets(%dma_start3A_56 : memref<64xi32, #tpu.memory_space<vmem>>) semaphore(%dma_start3A_61 : memref<!tpu.dma_semaphore, #tpu.memory_space<semaphore_mem>>)
      %dma_wait3A = arith.constant 0 : i32
      %dma_wait3A_62 = arith.constant 0 : i32
      %dma_wait3A_63 = arith.constant 0 : i32
      %dma_wait3A_64 = arith.constant 0 : i32
      %dma_wait3A_65 = arith.constant 0 : i32
      %dma_wait3A_66 = tpu.memref_slice %arg9[%dma_wait3A_62, %dma_wait3A_64, %dma_wait3A_65] : memref<4x64x64xf32, #tpu.memory_space<vmem>> -> memref<1x64x64xf32, #tpu.memory_space<vmem>>
      %dma_wait3A_67 = tpu.memref_squeeze %dma_wait3A_66 : memref<1x64x64xf32, #tpu.memory_space<vmem>> -> memref<64x64xf32, #tpu.memory_space<vmem>>
      %dma_wait3A_68 = arith.constant 0 : i32
      %dma_wait3A_69 = tpu.memref_slice %arg7[%dma_wait3A, %dma_wait3A_68] : memref<40x64xi32, #tpu.memory_space<vmem>> -> memref<1x64xi32, #tpu.memory_space<vmem>>
      %dma_wait3A_70 = tpu.memref_squeeze %dma_wait3A_69 : memref<1x64xi32, #tpu.memory_space<vmem>> -> memref<64xi32, #tpu.memory_space<vmem>>
      %dma_wait3A_71 = arith.constant 0 : i32
      %dma_wait3A_72 = arith.constant 0 : i32
      %dma_wait3A_73 = tpu.memref_slice %arg4[%dma_wait3A_71, %dma_wait3A_72] : memref<10240x64xf32, #tpu.memory_space<hbm>> -> memref<10240x64xf32, #tpu.memory_space<hbm>>
      %dma_wait3A_74 = tpu.memref_slice %arg11[%dma_wait3A_63] : memref<4x!tpu.dma_semaphore, #tpu.memory_space<semaphore_mem>> -> memref<1x!tpu.dma_semaphore, #tpu.memory_space<semaphore_mem>>
      %dma_wait3A_75 = tpu.memref_squeeze %dma_wait3A_74 : memref<1x!tpu.dma_semaphore, #tpu.memory_space<semaphore_mem>> -> memref<!tpu.dma_semaphore, #tpu.memory_space<semaphore_mem>>
      tpu.wait_indirect_dma semaphore(%dma_wait3A_75 : memref<!tpu.dma_semaphore, #tpu.memory_space<semaphore_mem>>) src(%dma_wait3A_73 : memref<10240x64xf32, #tpu.memory_space<hbm>>) dst(%dma_wait3A_67 : memref<64x64xf32, #tpu.memory_space<vmem>>)
      %dma_start3A_76 = arith.constant 2 : i32
      %dma_start3A_77 = arith.constant 2 : i32
      %dma_start3A_78 = arith.constant 2 : i32
      %dma_start3A_79 = arith.constant 0 : i32
      %dma_start3A_80 = arith.constant 0 : i32
      %dma_start3A_81 = tpu.memref_slice %arg9[%dma_start3A_77, %dma_start3A_79, %dma_start3A_80] : memref<4x64x64xf32, #tpu.memory_space<vmem>> -> memref<1x64x64xf32, #tpu.memory_space<vmem>>
      %dma_start3A_82 = tpu.memref_squeeze %dma_start3A_81 : memref<1x64x64xf32, #tpu.memory_space<vmem>> -> memref<64x64xf32, #tpu.memory_space<vmem>>
      %dma_start3A_83 = arith.constant 0 : i32
      %dma_start3A_84 = tpu.memref_slice %arg7[%dma_start3A_76, %dma_start3A_83] : memref<40x64xi32, #tpu.memory_space<vmem>> -> memref<1x64xi32, #tpu.memory_space<vmem>>
      %dma_start3A_85 = tpu.memref_squeeze %dma_start3A_84 : memref<1x64xi32, #tpu.memory_space<vmem>> -> memref<64xi32, #tpu.memory_space<vmem>>
      %dma_start3A_86 = arith.constant 0 : i32
      %dma_start3A_87 = arith.constant 0 : i32
      %dma_start3A_88 = tpu.memref_slice %arg4[%dma_start3A_86, %dma_start3A_87] : memref<10240x64xf32, #tpu.memory_space<hbm>> -> memref<10240x64xf32, #tpu.memory_space<hbm>>
      %dma_start3A_89 = tpu.memref_slice %arg11[%dma_start3A_78] : memref<4x!tpu.dma_semaphore, #tpu.memory_space<semaphore_mem>> -> memref<1x!tpu.dma_semaphore, #tpu.memory_space<semaphore_mem>>
      %dma_start3A_90 = tpu.memref_squeeze %dma_start3A_89 : memref<1x!tpu.dma_semaphore, #tpu.memory_space<semaphore_mem>> -> memref<!tpu.dma_semaphore, #tpu.memory_space<semaphore_mem>>
      tpu.enqueue_indirect_dma source(%dma_start3A_88 : memref<10240x64xf32, #tpu.memory_space<hbm>>) target(%dma_start3A_82 : memref<64x64xf32, #tpu.memory_space<vmem>>) offsets(%dma_start3A_85 : memref<64xi32, #tpu.memory_space<vmem>>) semaphore(%dma_start3A_90 : memref<!tpu.dma_semaphore, #tpu.memory_space<semaphore_mem>>)
      %dma_start3A_91 = arith.constant 0 : i32
      %dma_start3A_92 = arith.constant 0 : i32
      %dma_start3A_93 = arith.constant 0 : i32
      %dma_start3A_94 = arith.constant 0 : i32
      %dma_start3A_95 = arith.constant 0 : i32
      %dma_start3A_96 = tpu.memref_slice %arg9[%dma_start3A_91, %dma_start3A_94, %dma_start3A_95] : memref<4x64x64xf32, #tpu.memory_space<vmem>> -> memref<1x64x64xf32, #tpu.memory_space<vmem>>
      %dma_start3A_97 = tpu.memref_squeeze %dma_start3A_96 : memref<1x64x64xf32, #tpu.memory_space<vmem>> -> memref<64x64xf32, #tpu.memory_space<vmem>>
      %dma_start3A_98 = arith.constant 0 : i32
      %dma_start3A_99 = tpu.memref_slice %arg8[%dma_start3A_92, %dma_start3A_98] : memref<40x64xi32, #tpu.memory_space<vmem>> -> memref<1x64xi32, #tpu.memory_space<vmem>>
      %dma_start3A_100 = tpu.memref_squeeze %dma_start3A_99 : memref<1x64xi32, #tpu.memory_space<vmem>> -> memref<64xi32, #tpu.memory_space<vmem>>
      %dma_start3A_101 = arith.constant 0 : i32
      %dma_start3A_102 = arith.constant 0 : i32
      %dma_start3A_103 = tpu.memref_slice %arg10[%dma_start3A_101, %dma_start3A_102] : memref<10240x64xf32, #tpu.memory_space<vmem_shared>> -> memref<10240x64xf32, #tpu.memory_space<vmem_shared>>
      %dma_start3A_104 = tpu.memref_slice %arg12[%dma_start3A_93] : memref<4x!tpu.dma_semaphore, #tpu.memory_space<semaphore_mem>> -> memref<1x!tpu.dma_semaphore, #tpu.memory_space<semaphore_mem>>
      %dma_start3A_105 = tpu.memref_squeeze %dma_start3A_104 : memref<1x!tpu.dma_semaphore, #tpu.memory_space<semaphore_mem>> -> memref<!tpu.dma_semaphore, #tpu.memory_space<semaphore_mem>>
      tpu.enqueue_indirect_dma source(%dma_start3A_97 : memref<64x64xf32, #tpu.memory_space<vmem>>) target(%dma_start3A_103 : memref<10240x64xf32, #tpu.memory_space<vmem_shared>>) offsets(%dma_start3A_100 : memref<64xi32, #tpu.memory_space<vmem>>) semaphore(%dma_start3A_105 : memref<!tpu.dma_semaphore, #tpu.memory_space<semaphore_mem>>) {add = true}
      %dma_wait3A_106 = arith.constant 0 : i32
      %dma_wait3A_107 = arith.constant 0 : i32
      %dma_wait3A_108 = arith.constant 1 : i32
      %dma_wait3A_109 = arith.constant 0 : i32
      %dma_wait3A_110 = arith.constant 0 : i32
      %dma_wait3A_111 = tpu.memref_slice %arg9[%dma_wait3A_107, %dma_wait3A_109, %dma_wait3A_110] : memref<4x64x64xf32, #tpu.memory_space<vmem>> -> memref<1x64x64xf32, #tpu.memory_space<vmem>>
      %dma_wait3A_112 = tpu.memref_squeeze %dma_wait3A_111 : memref<1x64x64xf32, #tpu.memory_space<vmem>> -> memref<64x64xf32, #tpu.memory_space<vmem>>
      %dma_wait3A_113 = arith.constant 0 : i32
      %dma_wait3A_114 = tpu.memref_slice %arg7[%dma_wait3A_106, %dma_wait3A_113] : memref<40x64xi32, #tpu.memory_space<vmem>> -> memref<1x64xi32, #tpu.memory_space<vmem>>
      %dma_wait3A_115 = tpu.memref_squeeze %dma_wait3A_114 : memref<1x64xi32, #tpu.memory_space<vmem>> -> memref<64xi32, #tpu.memory_space<vmem>>
      %dma_wait3A_116 = arith.constant 0 : i32
      %dma_wait3A_117 = arith.constant 0 : i32
      %dma_wait3A_118 = tpu.memref_slice %arg4[%dma_wait3A_116, %dma_wait3A_117] : memref<10240x64xf32, #tpu.memory_space<hbm>> -> memref<10240x64xf32, #tpu.memory_space<hbm>>
      %dma_wait3A_119 = tpu.memref_slice %arg11[%dma_wait3A_108] : memref<4x!tpu.dma_semaphore, #tpu.memory_space<semaphore_mem>> -> memref<1x!tpu.dma_semaphore, #tpu.memory_space<semaphore_mem>>
      %dma_wait3A_120 = tpu.memref_squeeze %dma_wait3A_119 : memref<1x!tpu.dma_semaphore, #tpu.memory_space<semaphore_mem>> -> memref<!tpu.dma_semaphore, #tpu.memory_space<semaphore_mem>>
      tpu.wait_indirect_dma semaphore(%dma_wait3A_120 : memref<!tpu.dma_semaphore, #tpu.memory_space<semaphore_mem>>) src(%dma_wait3A_118 : memref<10240x64xf32, #tpu.memory_space<hbm>>) dst(%dma_wait3A_112 : memref<64x64xf32, #tpu.memory_space<vmem>>)
      %dma_start3A_121 = arith.constant 3 : i32
      %dma_start3A_122 = arith.constant 3 : i32
      %dma_start3A_123 = arith.constant 3 : i32
      %dma_start3A_124 = arith.constant 0 : i32
      %dma_start3A_125 = arith.constant 0 : i32
      %dma_start3A_126 = tpu.memref_slice %arg9[%dma_start3A_122, %dma_start3A_124, %dma_start3A_125] : memref<4x64x64xf32, #tpu.memory_space<vmem>> -> memref<1x64x64xf32, #tpu.memory_space<vmem>>
      %dma_start3A_127 = tpu.memref_squeeze %dma_start3A_126 : memref<1x64x64xf32, #tpu.memory_space<vmem>> -> memref<64x64xf32, #tpu.memory_space<vmem>>
      %dma_start3A_128 = arith.constant 0 : i32
      %dma_start3A_129 = tpu.memref_slice %arg7[%dma_start3A_121, %dma_start3A_128] : memref<40x64xi32, #tpu.memory_space<vmem>> -> memref<1x64xi32, #tpu.memory_space<vmem>>
      %dma_start3A_130 = tpu.memref_squeeze %dma_start3A_129 : memref<1x64xi32, #tpu.memory_space<vmem>> -> memref<64xi32, #tpu.memory_space<vmem>>
      %dma_start3A_131 = arith.constant 0 : i32
      %dma_start3A_132 = arith.constant 0 : i32
      %dma_start3A_133 = tpu.memref_slice %arg4[%dma_start3A_131, %dma_start3A_132] : memref<10240x64xf32, #tpu.memory_space<hbm>> -> memref<10240x64xf32, #tpu.memory_space<hbm>>
      %dma_start3A_134 = tpu.memref_slice %arg11[%dma_start3A_123] : memref<4x!tpu.dma_semaphore, #tpu.memory_space<semaphore_mem>> -> memref<1x!tpu.dma_semaphore, #tpu.memory_space<semaphore_mem>>
      %dma_start3A_135 = tpu.memref_squeeze %dma_start3A_134 : memref<1x!tpu.dma_semaphore, #tpu.memory_space<semaphore_mem>> -> memref<!tpu.dma_semaphore, #tpu.memory_space<semaphore_mem>>
      tpu.enqueue_indirect_dma source(%dma_start3A_133 : memref<10240x64xf32, #tpu.memory_space<hbm>>) target(%dma_start3A_127 : memref<64x64xf32, #tpu.memory_space<vmem>>) offsets(%dma_start3A_130 : memref<64xi32, #tpu.memory_space<vmem>>) semaphore(%dma_start3A_135 : memref<!tpu.dma_semaphore, #tpu.memory_space<semaphore_mem>>)
      %dma_start3A_136 = arith.constant 1 : i32
      %dma_start3A_137 = arith.constant 1 : i32
      %dma_start3A_138 = arith.constant 1 : i32
      %dma_start3A_139 = arith.constant 0 : i32
      %dma_start3A_140 = arith.constant 0 : i32
      %dma_start3A_141 = tpu.memref_slice %arg9[%dma_start3A_136, %dma_start3A_139, %dma_start3A_140] : memref<4x64x64xf32, #tpu.memory_space<vmem>> -> memref<1x64x64xf32, #tpu.memory_space<vmem>>
      %dma_start3A_142 = tpu.memref_squeeze %dma_start3A_141 : memref<1x64x64xf32, #tpu.memory_space<vmem>> -> memref<64x64xf32, #tpu.memory_space<vmem>>
      %dma_start3A_143 = arith.constant 0 : i32
      %dma_start3A_144 = tpu.memref_slice %arg8[%dma_start3A_137, %dma_start3A_143] : memref<40x64xi32, #tpu.memory_space<vmem>> -> memref<1x64xi32, #tpu.memory_space<vmem>>
      %dma_start3A_145 = tpu.memref_squeeze %dma_start3A_144 : memref<1x64xi32, #tpu.memory_space<vmem>> -> memref<64xi32, #tpu.memory_space<vmem>>
      %dma_start3A_146 = arith.constant 0 : i32
      %dma_start3A_147 = arith.constant 0 : i32
      %dma_start3A_148 = tpu.memref_slice %arg10[%dma_start3A_146, %dma_start3A_147] : memref<10240x64xf32, #tpu.memory_space<vmem_shared>> -> memref<10240x64xf32, #tpu.memory_space<vmem_shared>>
      %dma_start3A_149 = tpu.memref_slice %arg12[%dma_start3A_138] : memref<4x!tpu.dma_semaphore, #tpu.memory_space<semaphore_mem>> -> memref<1x!tpu.dma_semaphore, #tpu.memory_space<semaphore_mem>>
      %dma_start3A_150 = tpu.memref_squeeze %dma_start3A_149 : memref<1x!tpu.dma_semaphore, #tpu.memory_space<semaphore_mem>> -> memref<!tpu.dma_semaphore, #tpu.memory_space<semaphore_mem>>
      tpu.enqueue_indirect_dma source(%dma_start3A_142 : memref<64x64xf32, #tpu.memory_space<vmem>>) target(%dma_start3A_148 : memref<10240x64xf32, #tpu.memory_space<vmem_shared>>) offsets(%dma_start3A_145 : memref<64xi32, #tpu.memory_space<vmem>>) semaphore(%dma_start3A_150 : memref<!tpu.dma_semaphore, #tpu.memory_space<semaphore_mem>>) {add = true}
      %scan3A = arith.constant 0 : i32
      %scan3A_151 = arith.constant 38 : i32
      %scan3A_152 = arith.addi %scan3A, %scan3A_151 : i32
      %scan3A_153 = arith.constant 1 : i32
      scf.for %scan3A_215 = %scan3A to %scan3A_152 step %scan3A_153  : i32 {
        %mul3A_216 = arith.constant 1 : i32
        %mul3A_217 = arith.muli %scan3A_215, %mul3A_216 : i32
        %add3A_218 = arith.constant 2 : i32
        %add3A_219 = arith.addi %add3A_218, %mul3A_217 : i32
        %rem3A = arith.constant 4 : i32
        %rem3A_220 = arith.remsi %add3A_219, %rem3A : i32
        %add3A_221 = arith.constant 2 : i32
        %add3A_222 = arith.addi %add3A_219, %add3A_221 : i32
        %rem3A_223 = arith.constant 4 : i32
        %rem3A_224 = arith.remsi %add3A_222, %rem3A_223 : i32
        %dma_wait3A_225 = arith.constant 0 : i32
        %dma_wait3A_226 = arith.constant 0 : i32
        %dma_wait3A_227 = arith.constant 0 : i32
        %dma_wait3A_228 = arith.constant 0 : i32
        %dma_wait3A_229 = tpu.memref_slice %arg9[%dma_wait3A_226, %dma_wait3A_227, %dma_wait3A_228] : memref<4x64x64xf32, #tpu.memory_space<vmem>> -> memref<1x64x64xf32, #tpu.memory_space<vmem>>
        %dma_wait3A_230 = tpu.memref_squeeze %dma_wait3A_229 : memref<1x64x64xf32, #tpu.memory_space<vmem>> -> memref<64x64xf32, #tpu.memory_space<vmem>>
        %dma_wait3A_231 = arith.constant 0 : i32
        %dma_wait3A_232 = tpu.memref_slice %arg7[%dma_wait3A_225, %dma_wait3A_231] : memref<40x64xi32, #tpu.memory_space<vmem>> -> memref<1x64xi32, #tpu.memory_space<vmem>>
        %dma_wait3A_233 = tpu.memref_squeeze %dma_wait3A_232 : memref<1x64xi32, #tpu.memory_space<vmem>> -> memref<64xi32, #tpu.memory_space<vmem>>
        %dma_wait3A_234 = arith.constant 0 : i32
        %dma_wait3A_235 = arith.constant 0 : i32
        %dma_wait3A_236 = tpu.memref_slice %arg4[%dma_wait3A_234, %dma_wait3A_235] : memref<10240x64xf32, #tpu.memory_space<hbm>> -> memref<10240x64xf32, #tpu.memory_space<hbm>>
        %dma_wait3A_237 = tpu.memref_slice %arg11[%rem3A_220] : memref<4x!tpu.dma_semaphore, #tpu.memory_space<semaphore_mem>> -> memref<1x!tpu.dma_semaphore, #tpu.memory_space<semaphore_mem>>
        %dma_wait3A_238 = tpu.memref_squeeze %dma_wait3A_237 : memref<1x!tpu.dma_semaphore, #tpu.memory_space<semaphore_mem>> -> memref<!tpu.dma_semaphore, #tpu.memory_space<semaphore_mem>>
        tpu.wait_indirect_dma semaphore(%dma_wait3A_238 : memref<!tpu.dma_semaphore, #tpu.memory_space<semaphore_mem>>) src(%dma_wait3A_236 : memref<10240x64xf32, #tpu.memory_space<hbm>>) dst(%dma_wait3A_230 : memref<64x64xf32, #tpu.memory_space<vmem>>)
        %dma_wait3A_239 = arith.constant 0 : i32
        %dma_wait3A_240 = arith.constant 0 : i32
        %dma_wait3A_241 = arith.constant 0 : i32
        %dma_wait3A_242 = arith.constant 0 : i32
        %dma_wait3A_243 = tpu.memref_slice %arg9[%dma_wait3A_239, %dma_wait3A_241, %dma_wait3A_242] : memref<4x64x64xf32, #tpu.memory_space<vmem>> -> memref<1x64x64xf32, #tpu.memory_space<vmem>>
        %dma_wait3A_244 = tpu.memref_squeeze %dma_wait3A_243 : memref<1x64x64xf32, #tpu.memory_space<vmem>> -> memref<64x64xf32, #tpu.memory_space<vmem>>
        %dma_wait3A_245 = arith.constant 0 : i32
        %dma_wait3A_246 = tpu.memref_slice %arg8[%dma_wait3A_240, %dma_wait3A_245] : memref<40x64xi32, #tpu.memory_space<vmem>> -> memref<1x64xi32, #tpu.memory_space<vmem>>
        %dma_wait3A_247 = tpu.memref_squeeze %dma_wait3A_246 : memref<1x64xi32, #tpu.memory_space<vmem>> -> memref<64xi32, #tpu.memory_space<vmem>>
        %dma_wait3A_248 = arith.constant 0 : i32
        %dma_wait3A_249 = arith.constant 0 : i32
        %dma_wait3A_250 = tpu.memref_slice %arg10[%dma_wait3A_248, %dma_wait3A_249] : memref<10240x64xf32, #tpu.memory_space<vmem_shared>> -> memref<10240x64xf32, #tpu.memory_space<vmem_shared>>
        %dma_wait3A_251 = tpu.memref_slice %arg12[%rem3A_224] : memref<4x!tpu.dma_semaphore, #tpu.memory_space<semaphore_mem>> -> memref<1x!tpu.dma_semaphore, #tpu.memory_space<semaphore_mem>>
        %dma_wait3A_252 = tpu.memref_squeeze %dma_wait3A_251 : memref<1x!tpu.dma_semaphore, #tpu.memory_space<semaphore_mem>> -> memref<!tpu.dma_semaphore, #tpu.memory_space<semaphore_mem>>
        tpu.wait_indirect_dma semaphore(%dma_wait3A_252 : memref<!tpu.dma_semaphore, #tpu.memory_space<semaphore_mem>>) src(%dma_wait3A_244 : memref<64x64xf32, #tpu.memory_space<vmem>>) dst(%dma_wait3A_250 : memref<10240x64xf32, #tpu.memory_space<vmem_shared>>)
        %add3A_253 = arith.constant 2 : i32
        %add3A_254 = arith.addi %add3A_219, %add3A_253 : i32
        %min3A = arith.constant 39 : i32
        %min3A_255 = arith.minsi %add3A_254, %min3A : i32
        %dma_start3A_256 = arith.constant 0 : i32
        %dma_start3A_257 = arith.constant 0 : i32
        %dma_start3A_258 = tpu.memref_slice %arg9[%rem3A_224, %dma_start3A_256, %dma_start3A_257] : memref<4x64x64xf32, #tpu.memory_space<vmem>> -> memref<1x64x64xf32, #tpu.memory_space<vmem>>
        %dma_start3A_259 = tpu.memref_squeeze %dma_start3A_258 : memref<1x64x64xf32, #tpu.memory_space<vmem>> -> memref<64x64xf32, #tpu.memory_space<vmem>>
        %dma_start3A_260 = arith.constant 0 : i32
        %dma_start3A_261 = tpu.memref_slice %arg7[%min3A_255, %dma_start3A_260] : memref<40x64xi32, #tpu.memory_space<vmem>> -> memref<1x64xi32, #tpu.memory_space<vmem>>
        %dma_start3A_262 = tpu.memref_squeeze %dma_start3A_261 : memref<1x64xi32, #tpu.memory_space<vmem>> -> memref<64xi32, #tpu.memory_space<vmem>>
        %dma_start3A_263 = arith.constant 0 : i32
        %dma_start3A_264 = arith.constant 0 : i32
        %dma_start3A_265 = tpu.memref_slice %arg4[%dma_start3A_263, %dma_start3A_264] : memref<10240x64xf32, #tpu.memory_space<hbm>> -> memref<10240x64xf32, #tpu.memory_space<hbm>>
        %dma_start3A_266 = tpu.memref_slice %arg11[%rem3A_224] : memref<4x!tpu.dma_semaphore, #tpu.memory_space<semaphore_mem>> -> memref<1x!tpu.dma_semaphore, #tpu.memory_space<semaphore_mem>>
        %dma_start3A_267 = tpu.memref_squeeze %dma_start3A_266 : memref<1x!tpu.dma_semaphore, #tpu.memory_space<semaphore_mem>> -> memref<!tpu.dma_semaphore, #tpu.memory_space<semaphore_mem>>
        tpu.enqueue_indirect_dma source(%dma_start3A_265 : memref<10240x64xf32, #tpu.memory_space<hbm>>) target(%dma_start3A_259 : memref<64x64xf32, #tpu.memory_space<vmem>>) offsets(%dma_start3A_262 : memref<64xi32, #tpu.memory_space<vmem>>) semaphore(%dma_start3A_267 : memref<!tpu.dma_semaphore, #tpu.memory_space<semaphore_mem>>)
        %dma_start3A_268 = arith.constant 0 : i32
        %dma_start3A_269 = arith.constant 0 : i32
        %dma_start3A_270 = tpu.memref_slice %arg9[%rem3A_220, %dma_start3A_268, %dma_start3A_269] : memref<4x64x64xf32, #tpu.memory_space<vmem>> -> memref<1x64x64xf32, #tpu.memory_space<vmem>>
        %dma_start3A_271 = tpu.memref_squeeze %dma_start3A_270 : memref<1x64x64xf32, #tpu.memory_space<vmem>> -> memref<64x64xf32, #tpu.memory_space<vmem>>
        %dma_start3A_272 = arith.constant 0 : i32
        %dma_start3A_273 = tpu.memref_slice %arg8[%add3A_219, %dma_start3A_272] : memref<40x64xi32, #tpu.memory_space<vmem>> -> memref<1x64xi32, #tpu.memory_space<vmem>>
        %dma_start3A_274 = tpu.memref_squeeze %dma_start3A_273 : memref<1x64xi32, #tpu.memory_space<vmem>> -> memref<64xi32, #tpu.memory_space<vmem>>
        %dma_start3A_275 = arith.constant 0 : i32
        %dma_start3A_276 = arith.constant 0 : i32
        %dma_start3A_277 = tpu.memref_slice %arg10[%dma_start3A_275, %dma_start3A_276] : memref<10240x64xf32, #tpu.memory_space<vmem_shared>> -> memref<10240x64xf32, #tpu.memory_space<vmem_shared>>
        %dma_start3A_278 = tpu.memref_slice %arg12[%rem3A_220] : memref<4x!tpu.dma_semaphore, #tpu.memory_space<semaphore_mem>> -> memref<1x!tpu.dma_semaphore, #tpu.memory_space<semaphore_mem>>
        %dma_start3A_279 = tpu.memref_squeeze %dma_start3A_278 : memref<1x!tpu.dma_semaphore, #tpu.memory_space<semaphore_mem>> -> memref<!tpu.dma_semaphore, #tpu.memory_space<semaphore_mem>>
        tpu.enqueue_indirect_dma source(%dma_start3A_271 : memref<64x64xf32, #tpu.memory_space<vmem>>) target(%dma_start3A_277 : memref<10240x64xf32, #tpu.memory_space<vmem_shared>>) offsets(%dma_start3A_274 : memref<64xi32, #tpu.memory_space<vmem>>) semaphore(%dma_start3A_279 : memref<!tpu.dma_semaphore, #tpu.memory_space<semaphore_mem>>) {add = true}
      }
      %scan3A_154 = arith.constant 38 : i32
      %dma_wait3A_155 = arith.constant 0 : i32
      %dma_wait3A_156 = arith.constant 0 : i32
      %dma_wait3A_157 = arith.constant 0 : i32
      %dma_wait3A_158 = arith.constant 0 : i32
      %dma_wait3A_159 = arith.constant 0 : i32
      %dma_wait3A_160 = tpu.memref_slice %arg9[%dma_wait3A_156, %dma_wait3A_158, %dma_wait3A_159] : memref<4x64x64xf32, #tpu.memory_space<vmem>> -> memref<1x64x64xf32, #tpu.memory_space<vmem>>
      %dma_wait3A_161 = tpu.memref_squeeze %dma_wait3A_160 : memref<1x64x64xf32, #tpu.memory_space<vmem>> -> memref<64x64xf32, #tpu.memory_space<vmem>>
      %dma_wait3A_162 = arith.constant 0 : i32
      %dma_wait3A_163 = tpu.memref_slice %arg7[%dma_wait3A_155, %dma_wait3A_162] : memref<40x64xi32, #tpu.memory_space<vmem>> -> memref<1x64xi32, #tpu.memory_space<vmem>>
      %dma_wait3A_164 = tpu.memref_squeeze %dma_wait3A_163 : memref<1x64xi32, #tpu.memory_space<vmem>> -> memref<64xi32, #tpu.memory_space<vmem>>
      %dma_wait3A_165 = arith.constant 0 : i32
      %dma_wait3A_166 = arith.constant 0 : i32
      %dma_wait3A_167 = tpu.memref_slice %arg4[%dma_wait3A_165, %dma_wait3A_166] : memref<10240x64xf32, #tpu.memory_space<hbm>> -> memref<10240x64xf32, #tpu.memory_space<hbm>>
      %dma_wait3A_168 = tpu.memref_slice %arg11[%dma_wait3A_157] : memref<4x!tpu.dma_semaphore, #tpu.memory_space<semaphore_mem>> -> memref<1x!tpu.dma_semaphore, #tpu.memory_space<semaphore_mem>>
      %dma_wait3A_169 = tpu.memref_squeeze %dma_wait3A_168 : memref<1x!tpu.dma_semaphore, #tpu.memory_space<semaphore_mem>> -> memref<!tpu.dma_semaphore, #tpu.memory_space<semaphore_mem>>
      tpu.wait_indirect_dma semaphore(%dma_wait3A_169 : memref<!tpu.dma_semaphore, #tpu.memory_space<semaphore_mem>>) src(%dma_wait3A_167 : memref<10240x64xf32, #tpu.memory_space<hbm>>) dst(%dma_wait3A_161 : memref<64x64xf32, #tpu.memory_space<vmem>>)
      %dma_wait3A_170 = arith.constant 0 : i32
      %dma_wait3A_171 = arith.constant 0 : i32
      %dma_wait3A_172 = arith.constant 1 : i32
      %dma_wait3A_173 = arith.constant 0 : i32
      %dma_wait3A_174 = arith.constant 0 : i32
      %dma_wait3A_175 = tpu.memref_slice %arg9[%dma_wait3A_171, %dma_wait3A_173, %dma_wait3A_174] : memref<4x64x64xf32, #tpu.memory_space<vmem>> -> memref<1x64x64xf32, #tpu.memory_space<vmem>>
      %dma_wait3A_176 = tpu.memref_squeeze %dma_wait3A_175 : memref<1x64x64xf32, #tpu.memory_space<vmem>> -> memref<64x64xf32, #tpu.memory_space<vmem>>
      %dma_wait3A_177 = arith.constant 0 : i32
      %dma_wait3A_178 = tpu.memref_slice %arg7[%dma_wait3A_170, %dma_wait3A_177] : memref<40x64xi32, #tpu.memory_space<vmem>> -> memref<1x64xi32, #tpu.memory_space<vmem>>
      %dma_wait3A_179 = tpu.memref_squeeze %dma_wait3A_178 : memref<1x64xi32, #tpu.memory_space<vmem>> -> memref<64xi32, #tpu.memory_space<vmem>>
      %dma_wait3A_180 = arith.constant 0 : i32
      %dma_wait3A_181 = arith.constant 0 : i32
      %dma_wait3A_182 = tpu.memref_slice %arg4[%dma_wait3A_180, %dma_wait3A_181] : memref<10240x64xf32, #tpu.memory_space<hbm>> -> memref<10240x64xf32, #tpu.memory_space<hbm>>
      %dma_wait3A_183 = tpu.memref_slice %arg11[%dma_wait3A_172] : memref<4x!tpu.dma_semaphore, #tpu.memory_space<semaphore_mem>> -> memref<1x!tpu.dma_semaphore, #tpu.memory_space<semaphore_mem>>
      %dma_wait3A_184 = tpu.memref_squeeze %dma_wait3A_183 : memref<1x!tpu.dma_semaphore, #tpu.memory_space<semaphore_mem>> -> memref<!tpu.dma_semaphore, #tpu.memory_space<semaphore_mem>>
      tpu.wait_indirect_dma semaphore(%dma_wait3A_184 : memref<!tpu.dma_semaphore, #tpu.memory_space<semaphore_mem>>) src(%dma_wait3A_182 : memref<10240x64xf32, #tpu.memory_space<hbm>>) dst(%dma_wait3A_176 : memref<64x64xf32, #tpu.memory_space<vmem>>)
      %dma_wait3A_185 = arith.constant 0 : i32
      %dma_wait3A_186 = arith.constant 0 : i32
      %dma_wait3A_187 = arith.constant 2 : i32
      %dma_wait3A_188 = arith.constant 0 : i32
      %dma_wait3A_189 = arith.constant 0 : i32
      %dma_wait3A_190 = tpu.memref_slice %arg9[%dma_wait3A_185, %dma_wait3A_188, %dma_wait3A_189] : memref<4x64x64xf32, #tpu.memory_space<vmem>> -> memref<1x64x64xf32, #tpu.memory_space<vmem>>
      %dma_wait3A_191 = tpu.memref_squeeze %dma_wait3A_190 : memref<1x64x64xf32, #tpu.memory_space<vmem>> -> memref<64x64xf32, #tpu.memory_space<vmem>>
      %dma_wait3A_192 = arith.constant 0 : i32
      %dma_wait3A_193 = tpu.memref_slice %arg8[%dma_wait3A_186, %dma_wait3A_192] : memref<40x64xi32, #tpu.memory_space<vmem>> -> memref<1x64xi32, #tpu.memory_space<vmem>>
      %dma_wait3A_194 = tpu.memref_squeeze %dma_wait3A_193 : memref<1x64xi32, #tpu.memory_space<vmem>> -> memref<64xi32, #tpu.memory_space<vmem>>
      %dma_wait3A_195 = arith.constant 0 : i32
      %dma_wait3A_196 = arith.constant 0 : i32
      %dma_wait3A_197 = tpu.memref_slice %arg10[%dma_wait3A_195, %dma_wait3A_196] : memref<10240x64xf32, #tpu.memory_space<vmem_shared>> -> memref<10240x64xf32, #tpu.memory_space<vmem_shared>>
      %dma_wait3A_198 = tpu.memref_slice %arg12[%dma_wait3A_187] : memref<4x!tpu.dma_semaphore, #tpu.memory_space<semaphore_mem>> -> memref<1x!tpu.dma_semaphore, #tpu.memory_space<semaphore_mem>>
      %dma_wait3A_199 = tpu.memref_squeeze %dma_wait3A_198 : memref<1x!tpu.dma_semaphore, #tpu.memory_space<semaphore_mem>> -> memref<!tpu.dma_semaphore, #tpu.memory_space<semaphore_mem>>
      tpu.wait_indirect_dma semaphore(%dma_wait3A_199 : memref<!tpu.dma_semaphore, #tpu.memory_space<semaphore_mem>>) src(%dma_wait3A_191 : memref<64x64xf32, #tpu.memory_space<vmem>>) dst(%dma_wait3A_197 : memref<10240x64xf32, #tpu.memory_space<vmem_shared>>)
      %dma_wait3A_200 = arith.constant 0 : i32
      %dma_wait3A_201 = arith.constant 0 : i32
      %dma_wait3A_202 = arith.constant 3 : i32
      %dma_wait3A_203 = arith.constant 0 : i32
      %dma_wait3A_204 = arith.constant 0 : i32
      %dma_wait3A_205 = tpu.memref_slice %arg9[%dma_wait3A_200, %dma_wait3A_203, %dma_wait3A_204] : memref<4x64x64xf32, #tpu.memory_space<vmem>> -> memref<1x64x64xf32, #tpu.memory_space<vmem>>
      %dma_wait3A_206 = tpu.memref_squeeze %dma_wait3A_205 : memref<1x64x64xf32, #tpu.memory_space<vmem>> -> memref<64x64xf32, #tpu.memory_space<vmem>>
      %dma_wait3A_207 = arith.constant 0 : i32
      %dma_wait3A_208 = tpu.memref_slice %arg8[%dma_wait3A_201, %dma_wait3A_207] : memref<40x64xi32, #tpu.memory_space<vmem>> -> memref<1x64xi32, #tpu.memory_space<vmem>>
      %dma_wait3A_209 = tpu.memref_squeeze %dma_wait3A_208 : memref<1x64xi32, #tpu.memory_space<vmem>> -> memref<64xi32, #tpu.memory_space<vmem>>
      %dma_wait3A_210 = arith.constant 0 : i32
      %dma_wait3A_211 = arith.constant 0 : i32
      %dma_wait3A_212 = tpu.memref_slice %arg10[%dma_wait3A_210, %dma_wait3A_211] : memref<10240x64xf32, #tpu.memory_space<vmem_shared>> -> memref<10240x64xf32, #tpu.memory_space<vmem_shared>>
      %dma_wait3A_213 = tpu.memref_slice %arg12[%dma_wait3A_202] : memref<4x!tpu.dma_semaphore, #tpu.memory_space<semaphore_mem>> -> memref<1x!tpu.dma_semaphore, #tpu.memory_space<semaphore_mem>>
      %dma_wait3A_214 = tpu.memref_squeeze %dma_wait3A_213 : memref<1x!tpu.dma_semaphore, #tpu.memory_space<semaphore_mem>> -> memref<!tpu.dma_semaphore, #tpu.memory_space<semaphore_mem>>
      tpu.wait_indirect_dma semaphore(%dma_wait3A_214 : memref<!tpu.dma_semaphore, #tpu.memory_space<semaphore_mem>>) src(%dma_wait3A_206 : memref<64x64xf32, #tpu.memory_space<vmem>>) dst(%dma_wait3A_212 : memref<10240x64xf32, #tpu.memory_space<vmem_shared>>)
    }
    %barrier3A_21 = arith.constant 0 : index
    tpu.barrier barrier_id(%barrier3A_21)
    %mul3A_22 = arith.constant 640 : i32
    %mul3A_23 = arith.muli %arg1, %mul3A_22 : i32
    %mul3A_24 = arith.constant 640 : i32
    %mul3A_25 = arith.muli %arg1, %mul3A_24 : i32
    "tpu.region"() ({
      %run_scoped3A = tpu.sem_alloc : memref<!tpu.dma_semaphore, #tpu.memory_space<semaphore_mem>>
      %dma_start3A = arith.constant 0 : i32
      %dma_start3A_26 = arith.constant 0 : i32
      %dma_start3A_27 = tpu.memref_slice %arg6[%arg0, %dma_start3A, %dma_start3A_26] : memref<2x10240x64xf32, #tpu.memory_space<hbm>> -> memref<1x10240x64xf32, #tpu.memory_space<hbm>>
      %dma_start3A_28 = tpu.memref_squeeze %dma_start3A_27 : memref<1x10240x64xf32, #tpu.memory_space<hbm>> -> memref<10240x64xf32, #tpu.memory_space<hbm>>
      %dma_start3A_29 = arith.constant 0 : i32
      %dma_start3A_30 = tpu.memref_slice %dma_start3A_28[%mul3A_25, %dma_start3A_29] : memref<10240x64xf32, #tpu.memory_space<hbm>> -> memref<640x64xf32, #tpu.memory_space<hbm>>
      %dma_start3A_31 = arith.constant 0 : i32
      %dma_start3A_32 = tpu.memref_slice %arg10[%mul3A_23, %dma_start3A_31] : memref<10240x64xf32, #tpu.memory_space<vmem_shared>> -> memref<640x64xf32, #tpu.memory_space<vmem_shared>>
      tpu.enqueue_dma source(%dma_start3A_32 : memref<640x64xf32, #tpu.memory_space<vmem_shared>>) target(%dma_start3A_30 : memref<640x64xf32, #tpu.memory_space<hbm>>) target_semaphore(%run_scoped3A : memref<!tpu.dma_semaphore, #tpu.memory_space<semaphore_mem>>)
      %dma_wait3A = arith.constant 0 : i32
      %dma_wait3A_33 = arith.constant 0 : i32
      %dma_wait3A_34 = tpu.memref_slice %arg6[%arg0, %dma_wait3A, %dma_wait3A_33] : memref<2x10240x64xf32, #tpu.memory_space<hbm>> -> memref<1x10240x64xf32, #tpu.memory_space<hbm>>
      %dma_wait3A_35 = tpu.memref_squeeze %dma_wait3A_34 : memref<1x10240x64xf32, #tpu.memory_space<hbm>> -> memref<10240x64xf32, #tpu.memory_space<hbm>>
      %dma_wait3A_36 = arith.constant 0 : i32
      %dma_wait3A_37 = tpu.memref_slice %dma_wait3A_35[%mul3A_25, %dma_wait3A_36] : memref<10240x64xf32, #tpu.memory_space<hbm>> -> memref<640x64xf32, #tpu.memory_space<hbm>>
      %dma_wait3A_38 = arith.constant 0 : i32
      %dma_wait3A_39 = tpu.memref_slice %arg10[%mul3A_23, %dma_wait3A_38] : memref<10240x64xf32, #tpu.memory_space<vmem_shared>> -> memref<640x64xf32, #tpu.memory_space<vmem_shared>>
      tpu.wait_dma2 semaphore(%run_scoped3A : memref<!tpu.dma_semaphore, #tpu.memory_space<semaphore_mem>>) src(%dma_wait3A_39 : memref<640x64xf32, #tpu.memory_space<vmem_shared>>) dst(%dma_wait3A_37 : memref<640x64xf32, #tpu.memory_space<hbm>>)
      tpu.yield
    }) : () -> ()
    return
  }
}

module attributes {stable_mosaic.version = 14 : i64} {
  func.func @_mm1_body(%arg0: i32, %arg1: memref<256x2xf32, #tpu.memory_space<vmem>>, %arg2: memref<256x128xf32, #tpu.memory_space<vmem>>, %arg3: memref<128x128xf32, #tpu.memory_space<vmem>>, %arg4: memref<256x128xf32, #tpu.memory_space<vmem>>, %arg5: memref<256x1xf32, #tpu.memory_space<vmem>>) attributes {dimension_semantics = [#tpu.dimension_semantics<arbitrary>], iteration_bounds = array<i64: 40>, scalar_prefetch = 0 : i64, scratch_operands = 0 : i64, tpu.core_type = #tpu.core_type<tc>, window_params = [{transform_indices = @transform_0, window_bounds = array<i64: 256, 2>}, {transform_indices = @transform_1, window_bounds = array<i64: 256, 128>}, {pipeline_mode = #tpu.pipeline_mode<synchronous>, transform_indices = @transform_2, window_bounds = array<i64: 128, 128>}, {transform_indices = @transform_3, window_bounds = array<i64: 256, 128>}, {transform_indices = @transform_4, window_bounds = array<i64: 256, 1>}]} {
    %get3A = arith.constant 0 : index
    %get3A_0 = arith.constant 0 : index
    %get3A_1 = vector.load %arg1[%get3A, %get3A_0] : memref<256x2xf32, #tpu.memory_space<vmem>>, vector<256x1xf32>
    %get3A_2 = arith.constant 0 : index
    %get3A_3 = arith.constant 1 : index
    %get3A_4 = vector.load %arg1[%get3A_2, %get3A_3] : memref<256x2xf32, #tpu.memory_space<vmem>>, vector<256x1xf32>
    %add3A = arith.addf %get3A_1, %get3A_4 : vector<256x1xf32>
    %add3A_5 = arith.constant 1.000000e+00 : f32
    %add3A_6 = vector.broadcast %add3A_5 : f32 to vector<256x1xf32>
    %add3A_7 = arith.addf %add3A, %add3A_6 : vector<256x1xf32>
    %rsqrt3A = math.rsqrt %add3A_7 : vector<256x1xf32>
    %get3A_8 = arith.constant 0 : index
    %get3A_9 = arith.constant 0 : index
    %get3A_10 = vector.load %arg2[%get3A_8, %get3A_9] : memref<256x128xf32, #tpu.memory_space<vmem>>, vector<256x128xf32>
    %get3A_11 = arith.constant 0 : index
    %get3A_12 = arith.constant 0 : index
    %get3A_13 = vector.load %arg3[%get3A_11, %get3A_12] : memref<128x128xf32, #tpu.memory_space<vmem>>, vector<128x128xf32>
    %dot_general3A = arith.constant dense<0.000000e+00> : vector<256x128xf32>
    %dot_general3A_14 = tpu.matmul %get3A_10, %get3A_13, %dot_general3A {dimension_numbers = #tpu.dot_dimension_numbers<[1], [0], [0], [1], [0, 0, 1, 1], [], []>, transpose_lhs_hint = false} : vector<256x128xf32>, vector<128x128xf32>, vector<256x128xf32> -> vector<256x128xf32>
    %mul3A = vector.broadcast %rsqrt3A : vector<256x1xf32> to vector<256x128xf32>
    %mul3A_15 = arith.mulf %dot_general3A_14, %mul3A : vector<256x128xf32>
    %swap3A = arith.constant 0 : index
    %swap3A_16 = arith.constant 0 : index
    %swap3A_17 = vector.load %arg4[%swap3A, %swap3A_16] : memref<256x128xf32, #tpu.memory_space<vmem>>, vector<256x128xf32>
    tpu.vector_store %arg4[%swap3A, %swap3A_16], %mul3A_15 {strides = array<i32>} : memref<256x128xf32, #tpu.memory_space<vmem>>, vector<256x128xf32>,
    %swap3A_18 = arith.constant 0 : index
    %swap3A_19 = arith.constant 0 : index
    %swap3A_20 = vector.load %arg5[%swap3A_18, %swap3A_19] : memref<256x1xf32, #tpu.memory_space<vmem>>, vector<256x1xf32>
    tpu.vector_store %arg5[%swap3A_18, %swap3A_19], %rsqrt3A {strides = array<i32>} : memref<256x1xf32, #tpu.memory_space<vmem>>, vector<256x1xf32>,
    return
  }
  func.func @transform_0(%arg0: i32) -> (i32, i32) {
    %c0_i32 = arith.constant 0 : i32
    %c0_i32_0 = arith.constant 0 : i32
    return %arg0, %c0_i32 : i32, i32
  }
  func.func @transform_1(%arg0: i32) -> (i32, i32) {
    %c0_i32 = arith.constant 0 : i32
    %c0_i32_0 = arith.constant 0 : i32
    return %arg0, %c0_i32 : i32, i32
  }
  func.func @transform_2(%arg0: i32) -> (i32, i32) {
    %c0_i32 = arith.constant 0 : i32
    %c0_i32_0 = arith.constant 0 : i32
    %c0_i32_1 = arith.constant 0 : i32
    return %c0_i32, %c0_i32_0 : i32, i32
  }
  func.func @transform_3(%arg0: i32) -> (i32, i32) {
    %c0_i32 = arith.constant 0 : i32
    %c0_i32_0 = arith.constant 0 : i32
    return %arg0, %c0_i32 : i32, i32
  }
  func.func @transform_4(%arg0: i32) -> (i32, i32) {
    %c0_i32 = arith.constant 0 : i32
    %c0_i32_0 = arith.constant 0 : i32
    return %arg0, %c0_i32 : i32, i32
  }
}

module attributes {stable_mosaic.version = 14 : i64} {
  func.func @_mm2_body(%arg0: i32, %arg1: memref<2x256x128xf32, #tpu.memory_space<vmem>>, %arg2: memref<256x128xf32, #tpu.memory_space<vmem>>, %arg3: memref<256x1xf32, #tpu.memory_space<vmem>>, %arg4: memref<128x64xf32, #tpu.memory_space<vmem>>, %arg5: memref<1x128xf32, #tpu.memory_space<vmem>>, %arg6: memref<256x64xf32, #tpu.memory_space<vmem>>) attributes {dimension_semantics = [#tpu.dimension_semantics<arbitrary>], iteration_bounds = array<i64: 40>, scalar_prefetch = 0 : i64, scratch_operands = 0 : i64, tpu.core_type = #tpu.core_type<tc>, window_params = [{transform_indices = @transform_0, window_bounds = array<i64: 2, 256, 128>}, {transform_indices = @transform_1, window_bounds = array<i64: 256, 128>}, {transform_indices = @transform_2, window_bounds = array<i64: 256, 1>}, {pipeline_mode = #tpu.pipeline_mode<synchronous>, transform_indices = @transform_3, window_bounds = array<i64: 128, 64>}, {pipeline_mode = #tpu.pipeline_mode<synchronous>, transform_indices = @transform_4, window_bounds = array<i64: 1, 128>}, {transform_indices = @transform_5, window_bounds = array<i64: 256, 64>}]} {
    %get3A = arith.constant 0 : index
    %get3A_0 = arith.constant 0 : index
    %get3A_1 = arith.constant 0 : index
    %get3A_2 = vector.load %arg1[%get3A, %get3A_0, %get3A_1] : memref<2x256x128xf32, #tpu.memory_space<vmem>>, vector<1x256x128xf32>
    %get3A_3 = vector.shape_cast %get3A_2 : vector<1x256x128xf32> to vector<256x128xf32>
    %get3A_4 = arith.constant 1 : index
    %get3A_5 = arith.constant 0 : index
    %get3A_6 = arith.constant 0 : index
    %get3A_7 = vector.load %arg1[%get3A_4, %get3A_5, %get3A_6] : memref<2x256x128xf32, #tpu.memory_space<vmem>>, vector<1x256x128xf32>
    %get3A_8 = vector.shape_cast %get3A_7 : vector<1x256x128xf32> to vector<256x128xf32>
    %add3A = arith.addf %get3A_3, %get3A_8 : vector<256x128xf32>
    %get3A_9 = arith.constant 0 : index
    %get3A_10 = arith.constant 0 : index
    %get3A_11 = vector.load %arg2[%get3A_9, %get3A_10] : memref<256x128xf32, #tpu.memory_space<vmem>>, vector<256x128xf32>
    %add3A_12 = arith.addf %add3A, %get3A_11 : vector<256x128xf32>
    %get3A_13 = arith.constant 0 : index
    %get3A_14 = arith.constant 0 : index
    %get3A_15 = vector.load %arg3[%get3A_13, %get3A_14] : memref<256x1xf32, #tpu.memory_space<vmem>>, vector<256x1xf32>
    %mul3A = vector.broadcast %get3A_15 : vector<256x1xf32> to vector<256x128xf32>
    %mul3A_16 = arith.mulf %add3A_12, %mul3A : vector<256x128xf32>
    %get3A_17 = arith.constant 0 : index
    %get3A_18 = arith.constant 0 : index
    %get3A_19 = vector.load %arg5[%get3A_17, %get3A_18] : memref<1x128xf32, #tpu.memory_space<vmem>>, vector<1x128xf32>
    %add3A_20 = vector.broadcast %get3A_19 : vector<1x128xf32> to vector<256x128xf32>
    %add3A_21 = arith.addf %mul3A_16, %add3A_20 : vector<256x128xf32>
    %max3A = arith.constant 0.000000e+00 : f32
    %max3A_22 = vector.broadcast %max3A : f32 to vector<256x128xf32>
    %max3A_23 = arith.maximumf %add3A_21, %max3A_22 : vector<256x128xf32>
    %get3A_24 = arith.constant 0 : index
    %get3A_25 = arith.constant 0 : index
    %get3A_26 = vector.load %arg4[%get3A_24, %get3A_25] : memref<128x64xf32, #tpu.memory_space<vmem>>, vector<128x64xf32>
    %dot_general3A = arith.constant dense<0.000000e+00> : vector<256x64xf32>
    %dot_general3A_27 = tpu.matmul %max3A_23, %get3A_26, %dot_general3A {dimension_numbers = #tpu.dot_dimension_numbers<[1], [0], [0], [1], [0, 0, 1, 1], [], []>, transpose_lhs_hint = false} : vector<256x128xf32>, vector<128x64xf32>, vector<256x64xf32> -> vector<256x64xf32>
    %get3A_28 = arith.constant 0 : index
    %get3A_29 = arith.constant 0 : index
    %get3A_30 = vector.load %arg3[%get3A_28, %get3A_29] : memref<256x1xf32, #tpu.memory_space<vmem>>, vector<256x1xf32>
    %mul3A_31 = vector.broadcast %get3A_30 : vector<256x1xf32> to vector<256x64xf32>
    %mul3A_32 = arith.mulf %dot_general3A_27, %mul3A_31 : vector<256x64xf32>
    %swap3A = arith.constant 0 : index
    %swap3A_33 = arith.constant 0 : index
    %swap3A_34 = vector.load %arg6[%swap3A, %swap3A_33] : memref<256x64xf32, #tpu.memory_space<vmem>>, vector<256x64xf32>
    tpu.vector_store %arg6[%swap3A, %swap3A_33], %mul3A_32 {strides = array<i32>} : memref<256x64xf32, #tpu.memory_space<vmem>>, vector<256x64xf32>,
    return
  }
  func.func @transform_0(%arg0: i32) -> (i32, i32, i32) {
    %c0_i32 = arith.constant 0 : i32
    %c0_i32_0 = arith.constant 0 : i32
    %c0_i32_1 = arith.constant 0 : i32
    return %c0_i32, %arg0, %c0_i32_0 : i32, i32, i32
  }
  func.func @transform_1(%arg0: i32) -> (i32, i32) {
    %c0_i32 = arith.constant 0 : i32
    %c0_i32_0 = arith.constant 0 : i32
    return %arg0, %c0_i32 : i32, i32
  }
  func.func @transform_2(%arg0: i32) -> (i32, i32) {
    %c0_i32 = arith.constant 0 : i32
    %c0_i32_0 = arith.constant 0 : i32
    return %arg0, %c0_i32 : i32, i32
  }
  func.func @transform_3(%arg0: i32) -> (i32, i32) {
    %c0_i32 = arith.constant 0 : i32
    %c0_i32_0 = arith.constant 0 : i32
    %c0_i32_1 = arith.constant 0 : i32
    return %c0_i32, %c0_i32_0 : i32, i32
  }
  func.func @transform_4(%arg0: i32) -> (i32, i32) {
    %c0_i32 = arith.constant 0 : i32
    %c0_i32_0 = arith.constant 0 : i32
    %c0_i32_1 = arith.constant 0 : i32
    return %c0_i32, %c0_i32_0 : i32, i32
  }
  func.func @transform_5(%arg0: i32) -> (i32, i32) {
    %c0_i32 = arith.constant 0 : i32
    %c0_i32_0 = arith.constant 0 : i32
    return %arg0, %c0_i32 : i32, i32
  }
}

module attributes {stable_mosaic.version = 14 : i64} {
  func.func @_final_body(%arg0: i32, %arg1: memref<2x256x64xf32, #tpu.memory_space<vmem>>, %arg2: memref<256x64xf32, #tpu.memory_space<vmem>>, %arg3: memref<256x1xf32, #tpu.memory_space<vmem>>, %arg4: memref<1x64xf32, #tpu.memory_space<vmem>>, %arg5: memref<256x64xf32, #tpu.memory_space<vmem>>) attributes {dimension_semantics = [#tpu.dimension_semantics<arbitrary>], iteration_bounds = array<i64: 40>, scalar_prefetch = 0 : i64, scratch_operands = 0 : i64, tpu.core_type = #tpu.core_type<tc>, window_params = [{transform_indices = @transform_0, window_bounds = array<i64: 2, 256, 64>}, {transform_indices = @transform_1, window_bounds = array<i64: 256, 64>}, {transform_indices = @transform_2, window_bounds = array<i64: 256, 1>}, {pipeline_mode = #tpu.pipeline_mode<synchronous>, transform_indices = @transform_3, window_bounds = array<i64: 1, 64>}, {transform_indices = @transform_4, window_bounds = array<i64: 256, 64>}]} {
    %get3A = arith.constant 0 : index
    %get3A_0 = arith.constant 0 : index
    %get3A_1 = arith.constant 0 : index
    %get3A_2 = vector.load %arg1[%get3A, %get3A_0, %get3A_1] : memref<2x256x64xf32, #tpu.memory_space<vmem>>, vector<1x256x64xf32>
    %get3A_3 = vector.shape_cast %get3A_2 : vector<1x256x64xf32> to vector<256x64xf32>
    %get3A_4 = arith.constant 1 : index
    %get3A_5 = arith.constant 0 : index
    %get3A_6 = arith.constant 0 : index
    %get3A_7 = vector.load %arg1[%get3A_4, %get3A_5, %get3A_6] : memref<2x256x64xf32, #tpu.memory_space<vmem>>, vector<1x256x64xf32>
    %get3A_8 = vector.shape_cast %get3A_7 : vector<1x256x64xf32> to vector<256x64xf32>
    %add3A = arith.addf %get3A_3, %get3A_8 : vector<256x64xf32>
    %get3A_9 = arith.constant 0 : index
    %get3A_10 = arith.constant 0 : index
    %get3A_11 = vector.load %arg2[%get3A_9, %get3A_10] : memref<256x64xf32, #tpu.memory_space<vmem>>, vector<256x64xf32>
    %add3A_12 = arith.addf %add3A, %get3A_11 : vector<256x64xf32>
    %get3A_13 = arith.constant 0 : index
    %get3A_14 = arith.constant 0 : index
    %get3A_15 = vector.load %arg3[%get3A_13, %get3A_14] : memref<256x1xf32, #tpu.memory_space<vmem>>, vector<256x1xf32>
    %mul3A = vector.broadcast %get3A_15 : vector<256x1xf32> to vector<256x64xf32>
    %mul3A_16 = arith.mulf %add3A_12, %mul3A : vector<256x64xf32>
    %get3A_17 = arith.constant 0 : index
    %get3A_18 = arith.constant 0 : index
    %get3A_19 = vector.load %arg4[%get3A_17, %get3A_18] : memref<1x64xf32, #tpu.memory_space<vmem>>, vector<1x64xf32>
    %add3A_20 = vector.broadcast %get3A_19 : vector<1x64xf32> to vector<256x64xf32>
    %add3A_21 = arith.addf %mul3A_16, %add3A_20 : vector<256x64xf32>
    %reduce_max3A = arith.constant dense<0xFF800000> : vector<256xf32>
    %reduce_max3A_22 = vector.multi_reduction <maximumf>, %add3A_21, %reduce_max3A [1] : vector<256x64xf32> to vector<256xf32>
    %broadcast_in_dim3A = vector.shape_cast %reduce_max3A_22 : vector<256xf32> to vector<256x1xf32>
    %sub3A = vector.broadcast %broadcast_in_dim3A : vector<256x1xf32> to vector<256x64xf32>
    %sub3A_23 = arith.subf %add3A_21, %sub3A : vector<256x64xf32>
    %exp3A = math.exp %sub3A_23 : vector<256x64xf32>
    %reduce_sum3A = arith.constant dense<0.000000e+00> : vector<256xf32>
    %reduce_sum3A_24 = vector.multi_reduction <add>, %exp3A, %reduce_sum3A [1] : vector<256x64xf32> to vector<256xf32>
    %broadcast_in_dim3A_25 = vector.shape_cast %reduce_sum3A_24 : vector<256xf32> to vector<256x1xf32>
    %log3A = math.log %broadcast_in_dim3A_25 : vector<256x1xf32>
    %add3A_26 = arith.addf %log3A, %broadcast_in_dim3A : vector<256x1xf32>
    %sub3A_27 = vector.broadcast %add3A_26 : vector<256x1xf32> to vector<256x64xf32>
    %sub3A_28 = arith.subf %add3A_21, %sub3A_27 : vector<256x64xf32>
    %swap3A = arith.constant 0 : index
    %swap3A_29 = arith.constant 0 : index
    %swap3A_30 = vector.load %arg5[%swap3A, %swap3A_29] : memref<256x64xf32, #tpu.memory_space<vmem>>, vector<256x64xf32>
    tpu.vector_store %arg5[%swap3A, %swap3A_29], %sub3A_28 {strides = array<i32>} : memref<256x64xf32, #tpu.memory_space<vmem>>, vector<256x64xf32>,
    return
  }
  func.func @transform_0(%arg0: i32) -> (i32, i32, i32) {
    %c0_i32 = arith.constant 0 : i32
    %c0_i32_0 = arith.constant 0 : i32
    %c0_i32_1 = arith.constant 0 : i32
    return %c0_i32, %arg0, %c0_i32_0 : i32, i32, i32
  }
  func.func @transform_1(%arg0: i32) -> (i32, i32) {
    %c0_i32 = arith.constant 0 : i32
    %c0_i32_0 = arith.constant 0 : i32
    return %arg0, %c0_i32 : i32, i32
  }
  func.func @transform_2(%arg0: i32) -> (i32, i32) {
    %c0_i32 = arith.constant 0 : i32
    %c0_i32_0 = arith.constant 0 : i32
    return %arg0, %c0_i32 : i32, i32
  }
  func.func @transform_3(%arg0: i32) -> (i32, i32) {
    %c0_i32 = arith.constant 0 : i32
    %c0_i32_0 = arith.constant 0 : i32
    %c0_i32_1 = arith.constant 0 : i32
    return %c0_i32, %c0_i32_0 : i32, i32
  }
  func.func @transform_4(%arg0: i32) -> (i32, i32) {
    %c0_i32 = arith.constant 0 : i32
    %c0_i32_0 = arith.constant 0 : i32
    return %arg0, %c0_i32 : i32, i32
  }
}

</mosaic_0001>

<sc_bundles>
// kernel: kernel.11.cloned.1.call-start
scs
__scs_entry_jumppad:
0x0: {  	(pc) =	sbr.rel $0x88, $3  }
0x1: {  	(tag) =	ssettag $0x0;
	lr =	simm.s32 $0x1  }
0x2: {  	[smem:$0x3F9B] =	sst lr;
	_ =	strace $0xD0000000  }
0x3: {  	_ = 	snop  }
0x4: {  	_ = 	snop  }
0x5: {  	_ = 	snop  }
0x6: {  	_ = 	snop  }
0x7: {  	_ = 	snop  }
__scs_overlays_trampoline_lowered:
0x8: {  	[smem:$0x3FAA] =	sst s0  }
0x9: {  	[smem:$0x3FAB] =	sst s1  }
0xa: {  	[smem:$0x3FAC] =	sst s2  }
0xb: {  	[smem:$0x3FAD] =	sst s3  }
0xc: {  	[smem:$0x3FAE] =	sst s4  }
0xd: {  	[smem:$0x3FAF] =	sst s5  }
0xe: {  	[smem:$0x3FB0] =	sst s6  }
0xf: {  	[smem:$0x3FB1] =	sst s7  }
0x10: {  	[smem:$0x3FB2] =	sst s8  }
0x11: {  	[smem:$0x3FB3] =	sst s9;
	s0 =	simm.s32 @!p0 $0x0  }
0x12: {  	s1 =	sld [smem:$0x3F99];
	s0 =	simm.s32 @p0 $0x1  }
0x13: {  	[smem:$0x3FB4] =	sst s0;
	s0 =	simm.s32 @!p1 $0x0  }
0x14: {  	s2 =	sld [smem:$0x3F98];
	s0 =	simm.s32 @p1 $0x1  }
0x15: {  	[smem:$0x3FB5] =	sst s0;
	s0 =	simm.s32 @!p2 $0x0  }
0x16: {  	s3 =	sld [smem:$0x3FDB];
	s0 =	simm.s32 @p2 $0x1  }
0x17: {  	s4 =	simm.s32 $0x1BF5;
	[smem:$0x3FB7] =	sst s0  }
0x18: {  	s0 =	sld [smem:$0x3F9A];
	_ =	swait.ge [sflag:s4], $0x0  }
0x19: {  	s7 =	sld [smem:$0x3F9B]  }
0x1a: {  	s8 =	sadd.s32 $0xFFFFE003, lr  }
0x1b: {  	s9 =	sadd.s32 $0xFFFFFEF7, lr;
	s5 =	simm.s32 $0xFFFFFFFF;
	p2 =	slt.u32 s8, $0xFFFFF086  }
0x1c: {  	p1 =	slt.u32 s9, $0xF7A;
	s5 =	simm.s32 @!p2 $0x0  }
0x1d: {  	s5 =	simm.s32 @p1 $0x1;
	p0 =	seq.s32 s7, s2  }
0x1e: {  	s7 =	smul.u32 @!p0 $0xF7A, s2;
	p2 =	seq.s32 @!p0 s5, $0x0  }
0x1f: {  	s9 =	smul.u32 $0xF7A, s1;
	s8 =	simm.s32 @!p0 $0x1BF5;
	p2 =	por !p2, p0  }
0x20: {  	[sflag:s8] =	ssyncset.s32 @!p0 $0xFFFFF086;
	s6 =	sadd.s32 @!p0 s3, s7;
	s7 =	simm.s32 @!p0 $0x108  }
0x21: {  	s3 =	sadd.s32 s3, s9;
	s6 =	sadd.s32 @!p0 $0x88, s6;
	s7 =	simm.s32 @p2 $0x1082  }
0x22: {  	[simem:s7], [sflag:s8] =	dma.local @!p0 [hbm:s6], $0xF7A  }
0x23: {  	s9 =	sor.u32 $0xD0000000, s2;
	s6 =	simm.s32 $0x108;
	_ =	swait.ge @!p0 [sflag:s8], $0x0  }
0x24: {  	s3 =	sadd.s32 $0x88, s3;
	s6 =	simm.s32 @!p1 $0x1082;
	[sflag:s4] =	ssyncset.s32 $0xFFFFF086  }
0x25: {  	[simem:s6], [sflag:s4] =	dma.local [hbm:s3], $0xF7A  }
0x26: {  	[smem:$0x3F9B] =	sst s1;
	(tag) =	ssettag s2;
	_ =	strace s9  }
0x27: {  	s1 =	sld [smem:$0x3FAB]  }
0x28: {  	s2 =	sld [smem:$0x3FAC]  }
0x29: {  	s4 =	sld [smem:$0x3FAE]  }
0x2a: {  	p0 =	seq.s32 s5, $0x0;
	s5 =	sld [smem:$0x3FAF]  }
0x2b: {  	s6 =	sld [smem:$0x3FB0]  }
0x2c: {  	s7 =	sld [smem:$0x3FB1]  }
0x2d: {  	s3 =	simm.s32 $0x108;
	s8 =	sld [smem:$0x3FB2]  }
0x2e: {  	s3 =	simm.s32 @!p0 $0x1082;
	s9 =	sld [smem:$0x3FB3]  }
0x2f: {  	lr =	sadd.s32 s0, s3;
	s0 =	sld [smem:$0x3FAA]  }
0x30: {  	s3 =	sld [smem:$0x3FAD]  }
0x31: {  	[smem:$0x3FB6] =	sst s10  }
0x32: {  	s10 =	sld [smem:$0x3FB4];
	_ =	sdelay $0x3  }
0x33: {  	p0 =	seq.s32 s10, $0x1;
	s10 =	sld [smem:$0x3FB6];
	_ =	sdelay $0x3  }
0x34: {  	[smem:$0x3FB6] =	sst s10  }
0x35: {  	s10 =	sld [smem:$0x3FB5];
	_ =	sdelay $0x3  }
0x36: {  	p1 =	seq.s32 s10, $0x1;
	s10 =	sld [smem:$0x3FB6];
	_ =	sdelay $0x3  }
0x37: {  	[smem:$0x3FB6] =	sst s10  }
0x38: {  	s10 =	sld [smem:$0x3FB7]  }
0x39: {  	_ = 	snop;
	(pc) =	sbr.ind lr, $3  }
0x3a: {  	_ = 	snop  }
0x3b: {  	_ = 	snop  }
0x3c: {  	p2 =	seq.s32 s10, $0x1;
	s10 =	sld [smem:$0x3FB6]  }
0x3d: {  	_ =	shalt  }
0x3e: {  	_ =	shalt  }
0x3f: {  	_ =	shalt  }
0x40: {  	_ =	shalt  }
0x41: {  	_ =	shalt  }
0x42: {  	_ =	shalt  }
0x43: {  	_ =	shalt  }
0x44: {  	_ =	shalt  }
0x45: {  	_ =	shalt  }
0x46: {  	_ =	shalt  }
0x47: {  	_ =	shalt  }
0x48: {  	_ =	shalt  }
0x49: {  	_ =	shalt  }
0x4a: {  	_ =	shalt  }
0x4b: {  	_ =	shalt  }
0x4c: {  	_ =	shalt  }
0x4d: {  	_ =	shalt  }
0x4e: {  	_ =	shalt  }
0x4f: {  	_ =	shalt  }
0x50: {  	_ =	shalt  }
0x51: {  	_ =	shalt  }
0x52: {  	_ =	shalt  }
0x53: {  	_ =	shalt  }
0x54: {  	_ =	shalt  }
0x55: {  	_ =	shalt  }
0x56: {  	_ =	shalt  }
0x57: {  	_ =	shalt  }
0x58: {  	_ =	shalt  }
0x59: {  	_ =	shalt  }
0x5a: {  	_ =	shalt  }
0x5b: {  	_ =	shalt  }
0x5c: {  	_ =	shalt  }
0x5d: {  	_ =	shalt  }
0x5e: {  	_ =	shalt  }
0x5f: {  	_ =	shalt  }
0x60: {  	_ =	shalt  }
0x61: {  	_ =	shalt  }
0x62: {  	_ =	shalt  }
0x63: {  	_ =	shalt  }
0x64: {  	_ =	shalt  }
0x65: {  	_ =	shalt  }
0x66: {  	_ =	shalt  }
0x67: {  	_ =	shalt  }
0x68: {  	_ =	shalt  }
0x69: {  	_ =	shalt  }
0x6a: {  	_ =	shalt  }
0x6b: {  	_ =	shalt  }
0x6c: {  	_ =	shalt  }
0x6d: {  	_ =	shalt  }
0x6e: {  	_ =	shalt  }
0x6f: {  	_ =	shalt  }
0x70: {  	_ =	shalt  }
0x71: {  	_ =	shalt  }
0x72: {  	_ =	shalt  }
0x73: {  	_ =	shalt  }
0x74: {  	_ =	shalt  }
0x75: {  	_ =	shalt  }
0x76: {  	_ =	shalt  }
0x77: {  	_ =	shalt  }
0x78: {  	_ =	shalt  }
0x79: {  	_ =	shalt  }
0x7a: {  	_ =	shalt  }
0x7b: {  	_ =	shalt  }
0x7c: {  	_ =	shalt  }
0x7d: {  	_ =	shalt  }
0x7e: {  	_ =	shalt  }
0x7f: {  	_ =	shalt  }
0x80: {  	_ =	shalt  }
0x81: {  	_ =	shalt  }
0x82: {  	_ =	shalt  }
0x83: {  	_ =	shalt  }
0x84: {  	_ =	shalt  }
0x85: {  	_ =	shalt  }
0x86: {  	_ =	shalt  }
0x87: {  	_ =	shalt  }
.Lfunc_end0:
.L_simem_size_0:
called_computation.1_lowered:
.L_overlay_start_0:
0x88: {  	s2 =	sld [smem:$0x3FD9]  }
0x89: {  	s3 =	sld [smem:$0x3FFE];
	_ =	sdelay $0x1  }
0x8a: {  	s1 =	srdreg.scid  }
0x8b: {  	s0 =	sand.u32 $0x1, s1  }
0x8c: {  	s17 =	sshll.u32 s0, $0xA;
	s2 =	sadd.s32 s3, s2  }
0x8d: {  	s2 =	sadd.s32 s2, s17  }
0x8e: {  	[smem:$0x3FC2] =	sst s2  }
0x8f: {  	_ = 	snop  }
0x90: {  	s2 =	sld [smem:$0x3FD0];
	(tm) =	ssettm $0x1  }
0x91: {  	s18 =	sld [smem:$0x3FFB];
	_ =	sdelay $0x3  }
0x92: {  	_ =	strace s18  }
0x93: {  	s3 =	sld [smem:$0x3FFC];
	_ =	sdelay $0x3  }
0x94: {  	_ =	strace s3  }
0x95: {  	s3 =	sld [smem:$0x3FFD];
	_ =	sdelay $0x3  }
0x96: {  	_ =	strace s3  }
0x97: {  	_ =	strace $0x8FFFFFFF  }
0x98: {  	s19 =	sld [smem:$0x3FDB];
	_ =	sdelay $0x1  }
0x99: {  	s4 =	simm.s32 $_scs_section_size  }
0x9a: {  	s5 =	simm.s32 $_size__tile_overlayer_lowered;
	s6 =	simm.s32 $_tile_overlayer_lowered  }
0x9b: {  	s22 =	simm.s32 $0x1BFF;
	s21 =	sshll.u32 s6, $0x1;
	s3 =	sadd.s32 s4, s19  }
0x9c: {  	s7 =	simm.s32 $0x0;
	s20 =	sshll.u32 s5, $0x1;
	s5 =	sadd.s32 s21, s3  }
0x9d: {  	[timem:s7], [sflag:s22] =	dma.local [hbm:s5], s20  }
0x9e: {  	_ =	swait.ge [sflag:s22], s20  }
0x9f: {  	s4 =	ssub.s32 $0x0, s20;
	[sflag:s22] =	ssyncset.done $0x0  }
0xa0: {  	[sflag:s22] =	ssyncadd.s32 s4;
	_ =	sdelay $0x1  }
0xa1: {  	s23 =	simm.s32 $0x1B8B  }
0xa2: {  	_ =	swait.ge [sflag:s23], $0x1  }
0xa3: {  	[sflag:s23] =	ssyncset.done $0x0  }
0xa4: {  	s25 =	simm.s32 $0x1B8E;
	s24 =	sld [smem:$0x3FFE];
	[sflag:s23] =	ssyncadd.s32 $0xFFFFFFFF  }
0xa5: {  	s26 =	simm.s32 $execute0_lowered;
	[smem:$0x3FD2] =	sst s25  }
0xa6: {  	s5 =	sshll.u32 s26, $0x1;
	_ =	strace $0x80000049;
	[dreg:$0x1] =	wrdreg $0xFFFFFFFF  }
0xa7: {  	s28 =	simm.s32 $_size_execute0_lowered;
	s3 =	sadd.s32 s3, s5;
	[dreg:$0x0] =	wrdreg $0x0  }
0xa8: {  	s5 =	sshll.u32 s28, $0x1;
	[dreg:$0x2] =	wrdreg s3  }
0xa9: {  	[dreg:$0x3] =	wrdreg s5  }
0xaa: {  	[dreg:$0x4] =	wrdreg $0xC0  }
0xab: {  	_ =	task [dreg:s7], $0x5FFFF  }
0xac: {  	[dreg:$0x1] =	wrdreg $0xFFFFFFFF  }
0xad: {  	[dreg:$0x0] =	wrdreg $0x60  }
0xae: {  	[dreg:$0x2] =	wrdreg s2  }
0xaf: {  	[dreg:$0x3] =	wrdreg s24  }
0xb0: {  	[dreg:$0x4] =	wrdreg $0x94000  }
0xb1: {  	[dreg:$0x5] =	wrdreg $0x9  }
0xb2: {  	_ =	task.clear_ibuf [dreg:s7], $0x6FFFF;
	_ =	strace $0x90000049  }
0xb3: {  	s29 =	simm.s32 $0x9;
	_ =	strace $0x8000004B  }
0xb4: {  	_ =	swait.ge [sflag:s29], $0x1  }
0xb5: {  	[sflag:s29] =	ssyncadd.s32 $0xFFFFFFFF  }
0xb6: {  	_ =	strace $0x9000004B  }
0xb7: {  	_ =	sfence  }
0xb8: {  	s30 =	sld [smem:$0x0];
	_ =	sdelay $0x2  }
0xb9: {  	s31 =	sshll.u32 s1, $0xD;
	s1 =	sshrl.u32 s1, $0x2  }
0xba: {  	s3 =	sand.u32 $0x4000, s31;
	s1 =	sadd.s32 s1, s30  }
0xbb: {  	s0 =	sor.u32 s3, s0;
	s1 =	sshll.u32 s1, $0x11  }
0xbc: {  	s0 =	sor.u32 s1, s0  }
0xbd: {  	s0 =	sadd.s32 $0x8F2B, s0  }
0xbe: {  	[sflag:s0] =	ssyncadd.remote.s32 $0x1  }
0xbf: {  	_ =	sfence.sel $0xFFFF  }
0xc0: {  	[dreg:$0x0] =	wrdreg $0xFFFFFFFF;
	(pc) =	sbr.abs _section_cstart, $3  }
0xc1: {  	[dreg:$0x1] =	wrdreg $0xFFFFFFFF  }
0xc2: {  	_ =	task.clear_ibuf [dreg:s7], $0x2FFFF;
	_ =	strace $0x9FFFFFFF  }
0xc3: {  	(tm) =	ssettm $0x7FFFFFFF  }
tec
execute0_lowered:
.L_overlay_start_1:
0x0: {  	(tag) =	ssettag $0x1  }
0x1: {  	s0 =	rddreg [dreg:$0x0]  }
0x2: {  	s1 =	srdreg.scid;
	s5 =	rddreg [dreg:$0x1]  }
0x3: {  	s2 =	rddreg [dreg:$0x2];
	s11 =	stileid.u32;
	s3 =	simm.s32 $0x0  }
0x4: {  	s12 =	simm.s32 $0x9;
	s13 =	simm.s32 $0xA00;
	s14 =	simm.s32 $0x40  }
0x5: {  	s15 =	simm.s32 $0x1400;
	s16 =	simm.s32 $0x3400;
	s17 =	simm.s32 $0x1  }
0x6: {  	s18 =	simm.s32 $0x80;
	s19 =	simm.s32 $0x5400;
	s20 =	simm.s32 $0xC0  }
0x7: {  	s21 =	simm.s32 $0x7400;
	s22 =	simm.s32 $0xA40;
	s23 =	simm.s32 $0x2  }
0x8: {  	s28 =	simm.s32 $0x0;
	s1 =	sand.u32 $0x1, s1;
	[smem:$0x7FF] =	sst s3  }
0x9: {  	s10 =	sadd.s32 $0x1600, s5;
	s25 =	smul.u32 $0x14000, s11;
	s26 =	sshll.u32 s11, $0x6  }
0xa: {  	s4 =	sshll.u32 s1, $0x4;
	_ =	strace $0x8000004A;
	s6 =	smul.u32 $0x28000, s1  }
0xb: {  	s7 =	ssub.s32 $0x2, s1;
	[dreg:$0x4] =	wrdreg s10;
	p0 =	seq.s32 s1, $0x0  }
0xc: {  	s4 =	sor.u32 s11, s4;
	s24 =	sshrl.u32 s7, $0x1;
	s29 =	sadd.s32 s25, s2  }
0xd: {  	s1 =	sshrl.u32 s25, $0x3;
	s25 =	simm.s32 $0x7;
	s8 =	smul.u32 $0x780, s4  }
0xe: {  	s4 =	sadd.s32 $0x2F400, s5;
	s10 =	ssub.s32 s7, s24;
	s7 =	sor.u32 $0x1C09, s26  }
0xf: {  	s26 =	simm.s32 $0x8;
	s31 =	smax.u32 s10, $0x1;
	[dreg:$0x5] =	wrdreg s7  }
0x10: {  	s9 =	sadd.s32 s8, s5;
	s5 =	sadd.s32 s6, s5;
	s6 =	simm.s32 $0x6  }
0x11: {  	[dreg:$0x6] =	wrdreg s31;
	s30 =	sadd.s32 $0x57400, s5;
	s5 =	sshrl.u32 s29, $0x3  }
0x12: {  	s8 =	sadd.s32 s0, s8;
	s0 =	sadd.s32 s1, s30;
	[dreg:$0x7] =	wrdreg s5  }
0x13: {  	s6 =	simm.s32 @!p0 $0x2;
	s9 =	sadd.s32 $0x20400, s9;
	[dreg:$0x8] =	wrdreg s0  }
.LBB2_1:
0x14: {  	s0 =	rddreg [dreg:$0x4]  }
0x15: {  	[spmem:s5], [sflag:s7] =	dma.local [hbm:s0], $0x2800  }
0x16: {  	_ =	swait.ge [sflag:s12], $0x2800  }
0x17: {  	[sflag:s12] =	ssyncset.done $0x0  }
0x18: {  	[sflag:s12] =	ssyncadd.s32 $0xFFFFD800  }
0x19: {  	s29 =	simm.s32 $0x0;
	[bflag:$0x0] =	sbarrier.arrive $0xFFFF  }
.LBB2_2:
0x1a: {  	s0 =	smul.u32 $0x140, s29;
	_ =	sdelay $0x1  }
0x1b: {  	s1 =	sadd.s32 s0, s8  }
0x1c: {  	[tilespmem:s3], [sflag:$0x9] =	stream.linear.gather [hbm4b:s1+s3], $0xA00, $0x38;
	[tilespmem:$0x1D400] =	vst v63  }
0x1d: {  	_ =	swait.ge [sflag:s12], $0xA00  }
0x1e: {  	[sflag:s12] =	ssyncset.done $0x0  }
0x1f: {  	s0 =	sadd.s32 s0, s9;
	[sflag:s12] =	ssyncadd.s32 $0xFFFFF600  }
0x20: {  	[tilespmem:s13], [sflag:$0x9] =	stream.linear.gather [hbm4b:s0+s3], $0xA00, $0x38;
	[tilespmem:$0x1D400] =	vst v63  }
0x21: {  	_ =	swait.ge [sflag:s12], $0xA00  }
0x22: {  	[sflag:s12] =	ssyncset.done $0x0  }
0x23: {  	[sflag:s12] =	ssyncadd.s32 $0xFFFFF600  }
0x24: {  	[tilespmem:s15], [sflag:$0x1] =	stream.indirect.gather [hbm4b:s4+s14], $0x80, s3, s14, $0xb8;
	[tilespmem:$0x1D400] =	vst v63  }
0x25: {  	_ = 	snop  }
0x26: {  	[tilespmem:s16], [sflag:$0x2] =	stream.indirect.gather [hbm4b:s4+s14], $0x80, s14, s14, $0xb8;
	[tilespmem:$0x1D400] =	vst v63  }
0x27: {  	_ =	swait.ge [sflag:s17], $0x2000  }
0x28: {  	[sflag:s17] =	ssyncset.done $0x0  }
0x29: {  	[sflag:s17] =	ssyncadd.s32 $0xFFFFE000  }
0x2a: {  	[tilespmem:s19], [sflag:$0x3] =	stream.indirect.gather [hbm4b:s4+s14], $0x80, s18, s14, $0xb8;
	[tilespmem:$0x1D400] =	vst v63  }
0x2b: {  	s5 =	simm.s32 $0x2  }
0x2c: {  	[spmem:s2] =	stream.indirect.scatter.add.f32 [tilespmem:s15], [sflag:$0x5], $0x80, s13, s14, $0xb8;
	[tilespmem:$0x1D400] =	vst v63  }
0x2d: {  	_ =	swait.ge [sflag:s5], $0x2000  }
0x2e: {  	[sflag:s5] =	ssyncset.done $0x0  }
0x2f: {  	s0 =	sand.u32 $0x3, s5;
	[sflag:s5] =	ssyncadd.s32 $0xFFFFE000  }
0x30: {  	[tilespmem:s21], [sflag:$0x4] =	stream.indirect.gather [hbm4b:s4+s14], $0x80, s20, s14, $0xb8;
	[tilespmem:$0x1D400] =	vst v63  }
0x31: {  	s7 =	sadd.s32 $0x1, s0  }
0x32: {  	[spmem:s2] =	stream.indirect.scatter.add.f32 [tilespmem:s16], [sflag:$0x6], $0x80, s22, s14, $0xb8;
	[tilespmem:$0x1D400] =	vst v63  }
0x33: {  	s24 =	sshll.u32 s0, $0xD;
	s5 =	simm.s32 $0x0;
	_ =	swait.ge [sflag:s7], $0x2000  }
0x34: {  	s1 =	sor.u32 $0x1400, s24;
	s30 =	sand.u32 $0x3, s5;
	[sflag:s7] =	ssyncset.done $0x0  }
0x35: {  	s5 =	smin.u32 s5, $0x23;
	s10 =	sadd.s32 $0x5, s30;
	[sflag:s7] =	ssyncadd.s32 $0xFFFFE000  }
0x36: {  	s31 =	sshll.u32 s30, $0xD;
	s5 =	sshll.u32 s5, $0x6;
	_ =	swait.ge [sflag:s10], $0x2000  }
0x37: {  	s30 =	sadd.s32 $0x1, s30;
	s11 =	sor.u32 $0x1400, s31;
	[sflag:s10] =	ssyncset.done $0x0  }
0x38: {  	s5 =	sadd.s32 $0x100, s5;
	s31 =	simm.s32 $0x3;
	[sflag:s10] =	ssyncadd.s32 $0xFFFFE000  }
0x39: {  	[tilespmem:s11], [sflag:s30] =	stream.indirect.gather [hbm4b:s4+s14], $0x80, s5, s14, $0xb8;
	[tilespmem:$0x1D400] =	vst v63  }
0x3a: {  	s30 =	simm.s32 $0xA80;
	s5 =	sadd.s32 $0x5, s0;
	s0 =	simm.s32 $0xAC0  }
.LBB2_3:
0x3b: {  	[spmem:s2] =	stream.indirect.scatter.add.f32 [tilespmem:s1], [sflag:s5], $0x80, s30, s14, $0xb8;
	[tilespmem:$0x1D400] =	vst v63  }
0x3c: {  	s1 =	smov.u32 s31;
	s30 =	smov.u32 s0  }
0x3d: {  	p0 =	sne.s32 s31, $0x27;
	s31 =	sadd.s32 $0x1, s31;
	s5 =	sand.u32 $0x3, s1  }
0x3e: {  	s10 =	sadd.s32 $0x1, s5;
	s24 =	sshll.u32 s5, $0xD  }
0x3f: {  	s1 =	sadd.s32 $0xFFFFFFFE, s1;
	_ =	swait.ge [sflag:s10], $0x2000  }
0x40: {  	s7 =	sand.u32 $0x3, s1;
	s1 =	smin.u32 s1, $0x23;
	[sflag:s10] =	ssyncset.done $0x0  }
0x41: {  	s11 =	sshll.u32 s7, $0xD;
	[sflag:s10] =	ssyncadd.s32 $0xFFFFE000;
	s10 =	sadd.s32 $0x5, s7  }
.Ltmp0:
0x42: {  	s1 =	sshll.u32 s1, $0x6;
	_ =	swait.ge [sflag:s10], $0x2000;
	(pc) =	sbr.rel @p0 .LBB2_3-.Ltmp0, $4  }
0x43: {  	s7 =	sadd.s32 $0x1, s7;
	[sflag:s10] =	ssyncset.done $0x0  }
0x44: {  	s1 =	sadd.s32 $0x100, s1;
	[sflag:s10] =	ssyncadd.s32 $0xFFFFE000;
	s10 =	sor.u32 $0x1400, s11  }
0x45: {  	[tilespmem:s10], [sflag:s7] =	stream.indirect.gather [hbm4b:s4+s14], $0x80, s1, s14, $0xb8;
	[tilespmem:$0x1D400] =	vst v63  }
0x46: {  	s0 =	sadd.s32 $0x40, s0;
	s5 =	sadd.s32 $0x5, s5;
	s1 =	sor.u32 $0x1400, s24  }
0x47: {  	[spmem:s2] =	stream.indirect.scatter.add.f32 [tilespmem:s1], [sflag:s5], $0x80, s30, s14, $0xb8;
	[tilespmem:$0x1D400] =	vst v63  }
0x48: {  	_ =	swait.ge [sflag:s17], $0x2000  }
0x49: {  	[sflag:s17] =	ssyncset.done $0x0  }
0x4a: {  	[sflag:s17] =	ssyncadd.s32 $0xFFFFE000  }
0x4b: {  	_ =	swait.ge [sflag:s23], $0x2000  }
0x4c: {  	[sflag:s23] =	ssyncset.done $0x0  }
0x4d: {  	s29 =	sadd.s32 $0x1, s29;
	[sflag:s23] =	ssyncadd.s32 $0xFFFFE000  }
0x4e: {  	p0 =	sne.s32 s29, s6;
	_ =	swait.ge [sflag:s25], $0x2000  }
.Ltmp1:
0x4f: {  	[sflag:s25] =	ssyncset.done $0x0;
	(pc) =	sbr.rel @p0 .LBB2_2-.Ltmp1, $4  }
0x50: {  	[sflag:s25] =	ssyncadd.s32 $0xFFFFE000  }
0x51: {  	_ =	swait.ge [sflag:s26], $0x2000  }
0x52: {  	[sflag:s26] =	ssyncset.done $0x0  }
0x53: {  	[sflag:s26] =	ssyncadd.s32 $0xFFFFE000  }
0x54: {  	[bflag:$0x0] =	sbarrier.arrive $0xFFFF  }
0x55: {  	s7 =	rddreg [dreg:$0x5]  }
0x56: {  	s5 =	rddreg [dreg:$0x7]  }
0x57: {  	s0 =	rddreg [dreg:$0x8]  }
0x58: {  	[hbm:s0], [sflag:s7] =	dma.local [spmem:s5], $0x2800  }
0x59: {  	_ =	swait.ge [sflag:s12], $0x2800  }
0x5a: {  	s28 =	sadd.s32 $0x1, s28;
	s31 =	rddreg [dreg:$0x6]  }
0x5b: {  	p0 =	sne.s32 s28, s31  }
.Ltmp2:
0x5c: {  	_ = 	snop;
	(pc) =	sbr.rel @p0 .LBB2_1-.Ltmp2, $3  }
0x5d: {  	_ =	sdelay $0x1  }
0x5e: {  	[sflag:s12] =	ssyncset.done $0x0  }
0x5f: {  	[sflag:s12] =	ssyncadd.s32 $0xFFFFD800  }
0x60: {  	_ =	sfence.sel $0x180000  }
0x61: {  	[bflag:$0x0] =	sbarrier.arrive $0xFFFF  }
0x62: {  	_ =	strace $0x9000004A  }
0x63: {  	s0 =	stileid.u32;
	[bflag:$0x2] =	sbarrier.arrive $0xFFFF  }
0x64: {  	p0 =	sne.s32 s0, $0x0;
	s0 =	rddreg [dreg:$0x3]  }
0x65: {  	s0 =	sadd.s32 @!p0 $0x100000, s0  }
0x66: {  	[sflag:s0] =	ssyncadd.tile.s32 @!p0 $0x1;
	_ =	shalt  }
.Lfunc_end2:
_tile_overlayer_lowered:
.L_overlay_start_2:
0x67: {  	(tag) =	ssettag $0x2  }
0x68: {  	s0 =	rddreg [dreg:$0x0];
	s2 =	stileid.u32  }
0x69: {  	s1 =	rddreg [dreg:$0x1];
	p0 =	sne.s32 s2, $0x0  }
0x6a: {  	s3 =	rddreg [dreg:$0x2];
	[bflag:$0x3] =	sbarrier.arrive $0xFFFF;
	s2 =	simm.s32 @!p0 $0x1C09  }
0x6b: {  	[timem:s3], [sflag:s2] =	dma.local @!p0 [hbm:s0], s1  }
0x6c: {  	s0 =	simm.s32 @!p0 $0x9  }
0x6d: {  	_ =	swait.ge @!p0 [sflag:s0], s1  }
0x6e: {  	s1 =	ssub.s32 @!p0 $0x0, s1;
	[sflag:s0] =	ssyncset.done @!p0 $0x0  }
0x6f: {  	[sflag:s0] =	ssyncadd.s32 @!p0 s1  }
0x70: {  	[bflag:$0x3] =	sbarrier.arrive $0xFFFF  }
0x71: {  	_ =	shalt  }

// kernel: kernel.14.cloned.1.call-start
scs
__scs_entry_jumppad:
0x0: {  	(pc) =	sbr.rel $0x88, $3  }
0x1: {  	(tag) =	ssettag $0x0;
	lr =	simm.s32 $0x1  }
0x2: {  	[smem:$0x3F9B] =	sst lr;
	_ =	strace $0xD0000000  }
0x3: {  	_ = 	snop  }
0x4: {  	_ = 	snop  }
0x5: {  	_ = 	snop  }
0x6: {  	_ = 	snop  }
0x7: {  	_ = 	snop  }
__scs_overlays_trampoline_lowered:
0x8: {  	[smem:$0x3FAA] =	sst s0  }
0x9: {  	[smem:$0x3FAB] =	sst s1  }
0xa: {  	[smem:$0x3FAC] =	sst s2  }
0xb: {  	[smem:$0x3FAD] =	sst s3  }
0xc: {  	[smem:$0x3FAE] =	sst s4  }
0xd: {  	[smem:$0x3FAF] =	sst s5  }
0xe: {  	[smem:$0x3FB0] =	sst s6  }
0xf: {  	[smem:$0x3FB1] =	sst s7  }
0x10: {  	[smem:$0x3FB2] =	sst s8  }
0x11: {  	[smem:$0x3FB3] =	sst s9;
	s0 =	simm.s32 @!p0 $0x0  }
0x12: {  	s1 =	sld [smem:$0x3F99];
	s0 =	simm.s32 @p0 $0x1  }
0x13: {  	[smem:$0x3FB4] =	sst s0;
	s0 =	simm.s32 @!p1 $0x0  }
0x14: {  	s2 =	sld [smem:$0x3F98];
	s0 =	simm.s32 @p1 $0x1  }
0x15: {  	[smem:$0x3FB5] =	sst s0;
	s0 =	simm.s32 @!p2 $0x0  }
0x16: {  	s3 =	sld [smem:$0x3FDB];
	s0 =	simm.s32 @p2 $0x1  }
0x17: {  	s4 =	simm.s32 $0x1BF5;
	[smem:$0x3FB7] =	sst s0  }
0x18: {  	s0 =	sld [smem:$0x3F9A];
	_ =	swait.ge [sflag:s4], $0x0  }
0x19: {  	s7 =	sld [smem:$0x3F9B]  }
0x1a: {  	s8 =	sadd.s32 $0xFFFFE003, lr  }
0x1b: {  	s9 =	sadd.s32 $0xFFFFFEF7, lr;
	s5 =	simm.s32 $0xFFFFFFFF;
	p2 =	slt.u32 s8, $0xFFFFF086  }
0x1c: {  	p1 =	slt.u32 s9, $0xF7A;
	s5 =	simm.s32 @!p2 $0x0  }
0x1d: {  	s5 =	simm.s32 @p1 $0x1;
	p0 =	seq.s32 s7, s2  }
0x1e: {  	s7 =	smul.u32 @!p0 $0xF7A, s2;
	p2 =	seq.s32 @!p0 s5, $0x0  }
0x1f: {  	s9 =	smul.u32 $0xF7A, s1;
	s8 =	simm.s32 @!p0 $0x1BF5;
	p2 =	por !p2, p0  }
0x20: {  	[sflag:s8] =	ssyncset.s32 @!p0 $0xFFFFF086;
	s6 =	sadd.s32 @!p0 s3, s7;
	s7 =	simm.s32 @!p0 $0x108  }
0x21: {  	s3 =	sadd.s32 s3, s9;
	s6 =	sadd.s32 @!p0 $0x88, s6;
	s7 =	simm.s32 @p2 $0x1082  }
0x22: {  	[simem:s7], [sflag:s8] =	dma.local @!p0 [hbm:s6], $0xF7A  }
0x23: {  	s9 =	sor.u32 $0xD0000000, s2;
	s6 =	simm.s32 $0x108;
	_ =	swait.ge @!p0 [sflag:s8], $0x0  }
0x24: {  	s3 =	sadd.s32 $0x88, s3;
	s6 =	simm.s32 @!p1 $0x1082;
	[sflag:s4] =	ssyncset.s32 $0xFFFFF086  }
0x25: {  	[simem:s6], [sflag:s4] =	dma.local [hbm:s3], $0xF7A  }
0x26: {  	[smem:$0x3F9B] =	sst s1;
	(tag) =	ssettag s2;
	_ =	strace s9  }
0x27: {  	s1 =	sld [smem:$0x3FAB]  }
0x28: {  	s2 =	sld [smem:$0x3FAC]  }
0x29: {  	s4 =	sld [smem:$0x3FAE]  }
0x2a: {  	p0 =	seq.s32 s5, $0x0;
	s5 =	sld [smem:$0x3FAF]  }
0x2b: {  	s6 =	sld [smem:$0x3FB0]  }
0x2c: {  	s7 =	sld [smem:$0x3FB1]  }
0x2d: {  	s3 =	simm.s32 $0x108;
	s8 =	sld [smem:$0x3FB2]  }
0x2e: {  	s3 =	simm.s32 @!p0 $0x1082;
	s9 =	sld [smem:$0x3FB3]  }
0x2f: {  	lr =	sadd.s32 s0, s3;
	s0 =	sld [smem:$0x3FAA]  }
0x30: {  	s3 =	sld [smem:$0x3FAD]  }
0x31: {  	[smem:$0x3FB6] =	sst s10  }
0x32: {  	s10 =	sld [smem:$0x3FB4];
	_ =	sdelay $0x3  }
0x33: {  	p0 =	seq.s32 s10, $0x1;
	s10 =	sld [smem:$0x3FB6];
	_ =	sdelay $0x3  }
0x34: {  	[smem:$0x3FB6] =	sst s10  }
0x35: {  	s10 =	sld [smem:$0x3FB5];
	_ =	sdelay $0x3  }
0x36: {  	p1 =	seq.s32 s10, $0x1;
	s10 =	sld [smem:$0x3FB6];
	_ =	sdelay $0x3  }
0x37: {  	[smem:$0x3FB6] =	sst s10  }
0x38: {  	s10 =	sld [smem:$0x3FB7]  }
0x39: {  	_ = 	snop;
	(pc) =	sbr.ind lr, $3  }
0x3a: {  	_ = 	snop  }
0x3b: {  	_ = 	snop  }
0x3c: {  	p2 =	seq.s32 s10, $0x1;
	s10 =	sld [smem:$0x3FB6]  }
0x3d: {  	_ =	shalt  }
0x3e: {  	_ =	shalt  }
0x3f: {  	_ =	shalt  }
0x40: {  	_ =	shalt  }
0x41: {  	_ =	shalt  }
0x42: {  	_ =	shalt  }
0x43: {  	_ =	shalt  }
0x44: {  	_ =	shalt  }
0x45: {  	_ =	shalt  }
0x46: {  	_ =	shalt  }
0x47: {  	_ =	shalt  }
0x48: {  	_ =	shalt  }
0x49: {  	_ =	shalt  }
0x4a: {  	_ =	shalt  }
0x4b: {  	_ =	shalt  }
0x4c: {  	_ =	shalt  }
0x4d: {  	_ =	shalt  }
0x4e: {  	_ =	shalt  }
0x4f: {  	_ =	shalt  }
0x50: {  	_ =	shalt  }
0x51: {  	_ =	shalt  }
0x52: {  	_ =	shalt  }
0x53: {  	_ =	shalt  }
0x54: {  	_ =	shalt  }
0x55: {  	_ =	shalt  }
0x56: {  	_ =	shalt  }
0x57: {  	_ =	shalt  }
0x58: {  	_ =	shalt  }
0x59: {  	_ =	shalt  }
0x5a: {  	_ =	shalt  }
0x5b: {  	_ =	shalt  }
0x5c: {  	_ =	shalt  }
0x5d: {  	_ =	shalt  }
0x5e: {  	_ =	shalt  }
0x5f: {  	_ =	shalt  }
0x60: {  	_ =	shalt  }
0x61: {  	_ =	shalt  }
0x62: {  	_ =	shalt  }
0x63: {  	_ =	shalt  }
0x64: {  	_ =	shalt  }
0x65: {  	_ =	shalt  }
0x66: {  	_ =	shalt  }
0x67: {  	_ =	shalt  }
0x68: {  	_ =	shalt  }
0x69: {  	_ =	shalt  }
0x6a: {  	_ =	shalt  }
0x6b: {  	_ =	shalt  }
0x6c: {  	_ =	shalt  }
0x6d: {  	_ =	shalt  }
0x6e: {  	_ =	shalt  }
0x6f: {  	_ =	shalt  }
0x70: {  	_ =	shalt  }
0x71: {  	_ =	shalt  }
0x72: {  	_ =	shalt  }
0x73: {  	_ =	shalt  }
0x74: {  	_ =	shalt  }
0x75: {  	_ =	shalt  }
0x76: {  	_ =	shalt  }
0x77: {  	_ =	shalt  }
0x78: {  	_ =	shalt  }
0x79: {  	_ =	shalt  }
0x7a: {  	_ =	shalt  }
0x7b: {  	_ =	shalt  }
0x7c: {  	_ =	shalt  }
0x7d: {  	_ =	shalt  }
0x7e: {  	_ =	shalt  }
0x7f: {  	_ =	shalt  }
0x80: {  	_ =	shalt  }
0x81: {  	_ =	shalt  }
0x82: {  	_ =	shalt  }
0x83: {  	_ =	shalt  }
0x84: {  	_ =	shalt  }
0x85: {  	_ =	shalt  }
0x86: {  	_ =	shalt  }
0x87: {  	_ =	shalt  }
.Lfunc_end0:
.L_simem_size_0:
called_computation.2_lowered:
.L_overlay_start_0:
0x88: {  	s2 =	sld [smem:$0x3FD9]  }
0x89: {  	s3 =	sld [smem:$0x3FFE];
	_ =	sdelay $0x1  }
0x8a: {  	s1 =	srdreg.scid  }
0x8b: {  	s0 =	sand.u32 $0x1, s1  }
0x8c: {  	s17 =	sshll.u32 s0, $0xA;
	s2 =	sadd.s32 s3, s2  }
0x8d: {  	s2 =	sadd.s32 s2, s17  }
0x8e: {  	[smem:$0x3FC2] =	sst s2  }
0x8f: {  	_ = 	snop  }
0x90: {  	s2 =	sld [smem:$0x3FD0];
	(tm) =	ssettm $0x1  }
0x91: {  	s18 =	sld [smem:$0x3FFB];
	_ =	sdelay $0x3  }
0x92: {  	_ =	strace s18  }
0x93: {  	s3 =	sld [smem:$0x3FFC];
	_ =	sdelay $0x3  }
0x94: {  	_ =	strace s3  }
0x95: {  	s3 =	sld [smem:$0x3FFD];
	_ =	sdelay $0x3  }
0x96: {  	_ =	strace s3  }
0x97: {  	_ =	strace $0x8FFFFFFF  }
0x98: {  	s19 =	sld [smem:$0x3FDB];
	_ =	sdelay $0x1  }
0x99: {  	s4 =	simm.s32 $_scs_section_size  }
0x9a: {  	s5 =	simm.s32 $_size__tile_overlayer_lowered;
	s6 =	simm.s32 $_tile_overlayer_lowered  }
0x9b: {  	s22 =	simm.s32 $0x1BFF;
	s21 =	sshll.u32 s6, $0x1;
	s3 =	sadd.s32 s4, s19  }
0x9c: {  	s7 =	simm.s32 $0x0;
	s20 =	sshll.u32 s5, $0x1;
	s5 =	sadd.s32 s21, s3  }
0x9d: {  	[timem:s7], [sflag:s22] =	dma.local [hbm:s5], s20  }
0x9e: {  	_ =	swait.ge [sflag:s22], s20  }
0x9f: {  	s4 =	ssub.s32 $0x0, s20;
	[sflag:s22] =	ssyncset.done $0x0  }
0xa0: {  	[sflag:s22] =	ssyncadd.s32 s4;
	_ =	sdelay $0x1  }
0xa1: {  	s23 =	simm.s32 $0x1B8B  }
0xa2: {  	_ =	swait.ge [sflag:s23], $0x1  }
0xa3: {  	[sflag:s23] =	ssyncset.done $0x0  }
0xa4: {  	s25 =	simm.s32 $0x1B8E;
	s24 =	sld [smem:$0x3FFE];
	[sflag:s23] =	ssyncadd.s32 $0xFFFFFFFF  }
0xa5: {  	s26 =	simm.s32 $execute0_lowered;
	[smem:$0x3FD2] =	sst s25  }
0xa6: {  	s5 =	sshll.u32 s26, $0x1;
	_ =	strace $0x8000004C;
	[dreg:$0x1] =	wrdreg $0xFFFFFFFF  }
0xa7: {  	s28 =	simm.s32 $_size_execute0_lowered;
	s3 =	sadd.s32 s3, s5;
	[dreg:$0x0] =	wrdreg $0x0  }
0xa8: {  	s5 =	sshll.u32 s28, $0x1;
	[dreg:$0x2] =	wrdreg s3  }
0xa9: {  	[dreg:$0x3] =	wrdreg s5  }
0xaa: {  	[dreg:$0x4] =	wrdreg $0xC0  }
0xab: {  	_ =	task [dreg:s7], $0x5FFFF  }
0xac: {  	[dreg:$0x1] =	wrdreg $0xFFFFFFFF  }
0xad: {  	[dreg:$0x0] =	wrdreg $0x60  }
0xae: {  	[dreg:$0x2] =	wrdreg s2  }
0xaf: {  	[dreg:$0x3] =	wrdreg s24  }
0xb0: {  	[dreg:$0x4] =	wrdreg $0x54000  }
0xb1: {  	[dreg:$0x5] =	wrdreg $0x9  }
0xb2: {  	_ =	task.clear_ibuf [dreg:s7], $0x6FFFF;
	_ =	strace $0x9000004C  }
0xb3: {  	s29 =	simm.s32 $0x9;
	_ =	strace $0x8000004E  }
0xb4: {  	_ =	swait.ge [sflag:s29], $0x1  }
0xb5: {  	[sflag:s29] =	ssyncadd.s32 $0xFFFFFFFF  }
0xb6: {  	_ =	strace $0x9000004E  }
0xb7: {  	_ =	sfence  }
0xb8: {  	s30 =	sld [smem:$0x0];
	_ =	sdelay $0x2  }
0xb9: {  	s31 =	sshll.u32 s1, $0xD;
	s1 =	sshrl.u32 s1, $0x2  }
0xba: {  	s3 =	sand.u32 $0x4000, s31;
	s1 =	sadd.s32 s1, s30  }
0xbb: {  	s0 =	sor.u32 s3, s0;
	s1 =	sshll.u32 s1, $0x11  }
0xbc: {  	s0 =	sor.u32 s1, s0  }
0xbd: {  	s0 =	sadd.s32 $0x8F2B, s0  }
0xbe: {  	[sflag:s0] =	ssyncadd.remote.s32 $0x1  }
0xbf: {  	_ =	sfence.sel $0xFFFF  }
0xc0: {  	[dreg:$0x0] =	wrdreg $0xFFFFFFFF;
	(pc) =	sbr.abs _section_cstart, $3  }
0xc1: {  	[dreg:$0x1] =	wrdreg $0xFFFFFFFF  }
0xc2: {  	_ =	task.clear_ibuf [dreg:s7], $0x2FFFF;
	_ =	strace $0x9FFFFFFF  }
0xc3: {  	(tm) =	ssettm $0x7FFFFFFF  }
tec
execute0_lowered:
.L_overlay_start_1:
0x0: {  	(tag) =	ssettag $0x1  }
0x1: {  	s0 =	rddreg [dreg:$0x0]  }
0x2: {  	s1 =	srdreg.scid;
	s5 =	rddreg [dreg:$0x1]  }
0x3: {  	s2 =	rddreg [dreg:$0x2];
	s11 =	stileid.u32;
	s3 =	simm.s32 $0x0  }
0x4: {  	s12 =	simm.s32 $0x9;
	s13 =	simm.s32 $0xA00;
	s14 =	simm.s32 $0x40  }
0x5: {  	s15 =	simm.s32 $0x1400;
	s16 =	simm.s32 $0x2400;
	s17 =	simm.s32 $0x1  }
0x6: {  	s18 =	simm.s32 $0x80;
	s19 =	simm.s32 $0x3400;
	s20 =	simm.s32 $0xC0  }
0x7: {  	s21 =	simm.s32 $0x4400;
	s22 =	simm.s32 $0xA40;
	s23 =	simm.s32 $0x2  }
0x8: {  	s28 =	simm.s32 $0x0;
	s1 =	sand.u32 $0x1, s1;
	[smem:$0x7FF] =	sst s3  }
0x9: {  	s10 =	sadd.s32 $0x15600, s5;
	s25 =	smul.u32 $0xA000, s11;
	s26 =	sshll.u32 s11, $0x6  }
0xa: {  	s4 =	sshll.u32 s1, $0x4;
	_ =	strace $0x8000004D;
	s6 =	smul.u32 $0x14000, s1  }
0xb: {  	s7 =	ssub.s32 $0x2, s1;
	[dreg:$0x4] =	wrdreg s10;
	p0 =	seq.s32 s1, $0x0  }
0xc: {  	s4 =	sor.u32 s11, s4;
	s24 =	sshrl.u32 s7, $0x1;
	s29 =	sadd.s32 s25, s2  }
0xd: {  	s1 =	sshrl.u32 s25, $0x3;
	s25 =	simm.s32 $0x7;
	s8 =	smul.u32 $0x780, s4  }
0xe: {  	s4 =	sadd.s32 $0x1600, s5;
	s10 =	ssub.s32 s7, s24;
	s7 =	sor.u32 $0x1C09, s26  }
0xf: {  	s26 =	simm.s32 $0x8;
	s31 =	smax.u32 s10, $0x1;
	[dreg:$0x5] =	wrdreg s7  }
0x10: {  	s9 =	sadd.s32 s8, s5;
	s5 =	sadd.s32 s6, s5;
	s6 =	simm.s32 $0x6  }
0x11: {  	[dreg:$0x6] =	wrdreg s31;
	s30 =	sadd.s32 $0x2F400, s5;
	s5 =	sshrl.u32 s29, $0x3  }
0x12: {  	s8 =	sadd.s32 s0, s8;
	s0 =	sadd.s32 s1, s30;
	[dreg:$0x7] =	wrdreg s5  }
0x13: {  	s6 =	simm.s32 @!p0 $0x2;
	s9 =	sadd.s32 $0x20400, s9;
	[dreg:$0x8] =	wrdreg s0  }
.LBB2_1:
0x14: {  	s0 =	rddreg [dreg:$0x4]  }
0x15: {  	[spmem:s5], [sflag:s7] =	dma.local [hbm:s0], $0x1400  }
0x16: {  	_ =	swait.ge [sflag:s12], $0x1400  }
0x17: {  	[sflag:s12] =	ssyncset.done $0x0  }
0x18: {  	[sflag:s12] =	ssyncadd.s32 $0xFFFFEC00  }
0x19: {  	s29 =	simm.s32 $0x0;
	[bflag:$0x0] =	sbarrier.arrive $0xFFFF  }
.LBB2_2:
0x1a: {  	s0 =	smul.u32 $0x140, s29;
	_ =	sdelay $0x1  }
0x1b: {  	s1 =	sadd.s32 s0, s8  }
0x1c: {  	[tilespmem:s3], [sflag:$0x9] =	stream.linear.gather [hbm4b:s1+s3], $0xA00, $0x38;
	[tilespmem:$0xF400] =	vst v63  }
0x1d: {  	_ =	swait.ge [sflag:s12], $0xA00  }
0x1e: {  	[sflag:s12] =	ssyncset.done $0x0  }
0x1f: {  	s0 =	sadd.s32 s0, s9;
	[sflag:s12] =	ssyncadd.s32 $0xFFFFF600  }
0x20: {  	[tilespmem:s13], [sflag:$0x9] =	stream.linear.gather [hbm4b:s0+s3], $0xA00, $0x38;
	[tilespmem:$0xF400] =	vst v63  }
0x21: {  	_ =	swait.ge [sflag:s12], $0xA00  }
0x22: {  	[sflag:s12] =	ssyncset.done $0x0  }
0x23: {  	[sflag:s12] =	ssyncadd.s32 $0xFFFFF600  }
0x24: {  	[tilespmem:s15], [sflag:$0x1] =	stream.indirect.gather [hbm4b:s4+s14], $0x40, s3, s14, $0xb8;
	[tilespmem:$0xF400] =	vst v63  }
0x25: {  	_ = 	snop  }
0x26: {  	[tilespmem:s16], [sflag:$0x2] =	stream.indirect.gather [hbm4b:s4+s14], $0x40, s14, s14, $0xb8;
	[tilespmem:$0xF400] =	vst v63  }
0x27: {  	_ =	swait.ge [sflag:s17], $0x1000  }
0x28: {  	[sflag:s17] =	ssyncset.done $0x0  }
0x29: {  	[sflag:s17] =	ssyncadd.s32 $0xFFFFF000  }
0x2a: {  	[tilespmem:s19], [sflag:$0x3] =	stream.indirect.gather [hbm4b:s4+s14], $0x40, s18, s14, $0xb8;
	[tilespmem:$0xF400] =	vst v63  }
0x2b: {  	s5 =	simm.s32 $0x2  }
0x2c: {  	[spmem:s2] =	stream.indirect.scatter.add.f32 [tilespmem:s15], [sflag:$0x5], $0x40, s13, s14, $0xb8;
	[tilespmem:$0xF400] =	vst v63  }
0x2d: {  	_ =	swait.ge [sflag:s5], $0x1000  }
0x2e: {  	[sflag:s5] =	ssyncset.done $0x0  }
0x2f: {  	s0 =	sand.u32 $0x3, s5;
	[sflag:s5] =	ssyncadd.s32 $0xFFFFF000  }
0x30: {  	[tilespmem:s21], [sflag:$0x4] =	stream.indirect.gather [hbm4b:s4+s14], $0x40, s20, s14, $0xb8;
	[tilespmem:$0xF400] =	vst v63  }
0x31: {  	s7 =	sadd.s32 $0x1, s0  }
0x32: {  	[spmem:s2] =	stream.indirect.scatter.add.f32 [tilespmem:s16], [sflag:$0x6], $0x40, s22, s14, $0xb8;
	[tilespmem:$0xF400] =	vst v63  }
0x33: {  	s24 =	sshll.u32 s0, $0xC;
	s5 =	simm.s32 $0x0;
	_ =	swait.ge [sflag:s7], $0x1000  }
0x34: {  	s1 =	sadd.s32 $0x1400, s24;
	s30 =	sand.u32 $0x3, s5;
	[sflag:s7] =	ssyncset.done $0x0  }
0x35: {  	s5 =	smin.u32 s5, $0x23;
	s10 =	sadd.s32 $0x5, s30;
	[sflag:s7] =	ssyncadd.s32 $0xFFFFF000  }
0x36: {  	s31 =	sshll.u32 s30, $0xC;
	s5 =	sshll.u32 s5, $0x6;
	_ =	swait.ge [sflag:s10], $0x1000  }
0x37: {  	s30 =	sadd.s32 $0x1, s30;
	s11 =	sadd.s32 $0x1400, s31;
	[sflag:s10] =	ssyncset.done $0x0  }
0x38: {  	s5 =	sadd.s32 $0x100, s5;
	s31 =	simm.s32 $0x3;
	[sflag:s10] =	ssyncadd.s32 $0xFFFFF000  }
0x39: {  	[tilespmem:s11], [sflag:s30] =	stream.indirect.gather [hbm4b:s4+s14], $0x40, s5, s14, $0xb8;
	[tilespmem:$0xF400] =	vst v63  }
0x3a: {  	s30 =	simm.s32 $0xA80;
	s5 =	sadd.s32 $0x5, s0;
	s0 =	simm.s32 $0xAC0  }
.LBB2_3:
0x3b: {  	[spmem:s2] =	stream.indirect.scatter.add.f32 [tilespmem:s1], [sflag:s5], $0x40, s30, s14, $0xb8;
	[tilespmem:$0xF400] =	vst v63  }
0x3c: {  	s1 =	smov.u32 s31;
	s30 =	smov.u32 s0  }
0x3d: {  	p0 =	sne.s32 s31, $0x27;
	s31 =	sadd.s32 $0x1, s31;
	s5 =	sand.u32 $0x3, s1  }
0x3e: {  	s10 =	sadd.s32 $0x1, s5;
	s24 =	sshll.u32 s5, $0xC  }
0x3f: {  	s1 =	sadd.s32 $0xFFFFFFFE, s1;
	_ =	swait.ge [sflag:s10], $0x1000  }
0x40: {  	s7 =	sand.u32 $0x3, s1;
	s1 =	smin.u32 s1, $0x23;
	[sflag:s10] =	ssyncset.done $0x0  }
0x41: {  	s11 =	sshll.u32 s7, $0xC;
	[sflag:s10] =	ssyncadd.s32 $0xFFFFF000;
	s10 =	sadd.s32 $0x5, s7  }
.Ltmp0:
0x42: {  	s1 =	sshll.u32 s1, $0x6;
	_ =	swait.ge [sflag:s10], $0x1000;
	(pc) =	sbr.rel @p0 .LBB2_3-.Ltmp0, $4  }
0x43: {  	s7 =	sadd.s32 $0x1, s7;
	[sflag:s10] =	ssyncset.done $0x0  }
0x44: {  	s1 =	sadd.s32 $0x100, s1;
	[sflag:s10] =	ssyncadd.s32 $0xFFFFF000;
	s10 =	sadd.s32 $0x1400, s11  }
0x45: {  	[tilespmem:s10], [sflag:s7] =	stream.indirect.gather [hbm4b:s4+s14], $0x40, s1, s14, $0xb8;
	[tilespmem:$0xF400] =	vst v63  }
0x46: {  	s0 =	sadd.s32 $0x40, s0;
	s5 =	sadd.s32 $0x5, s5;
	s1 =	sadd.s32 $0x1400, s24  }
0x47: {  	[spmem:s2] =	stream.indirect.scatter.add.f32 [tilespmem:s1], [sflag:s5], $0x40, s30, s14, $0xb8;
	[tilespmem:$0xF400] =	vst v63  }
0x48: {  	_ =	swait.ge [sflag:s17], $0x1000  }
0x49: {  	[sflag:s17] =	ssyncset.done $0x0  }
0x4a: {  	[sflag:s17] =	ssyncadd.s32 $0xFFFFF000  }
0x4b: {  	_ =	swait.ge [sflag:s23], $0x1000  }
0x4c: {  	[sflag:s23] =	ssyncset.done $0x0  }
0x4d: {  	s29 =	sadd.s32 $0x1, s29;
	[sflag:s23] =	ssyncadd.s32 $0xFFFFF000  }
0x4e: {  	p0 =	sne.s32 s29, s6;
	_ =	swait.ge [sflag:s25], $0x1000  }
.Ltmp1:
0x4f: {  	[sflag:s25] =	ssyncset.done $0x0;
	(pc) =	sbr.rel @p0 .LBB2_2-.Ltmp1, $4  }
0x50: {  	[sflag:s25] =	ssyncadd.s32 $0xFFFFF000  }
0x51: {  	_ =	swait.ge [sflag:s26], $0x1000  }
0x52: {  	[sflag:s26] =	ssyncset.done $0x0  }
0x53: {  	[sflag:s26] =	ssyncadd.s32 $0xFFFFF000  }
0x54: {  	[bflag:$0x0] =	sbarrier.arrive $0xFFFF  }
0x55: {  	s7 =	rddreg [dreg:$0x5]  }
0x56: {  	s5 =	rddreg [dreg:$0x7]  }
0x57: {  	s0 =	rddreg [dreg:$0x8]  }
0x58: {  	[hbm:s0], [sflag:s7] =	dma.local [spmem:s5], $0x1400  }
0x59: {  	_ =	swait.ge [sflag:s12], $0x1400  }
0x5a: {  	s28 =	sadd.s32 $0x1, s28;
	s31 =	rddreg [dreg:$0x6]  }
0x5b: {  	p0 =	sne.s32 s28, s31  }
.Ltmp2:
0x5c: {  	_ = 	snop;
	(pc) =	sbr.rel @p0 .LBB2_1-.Ltmp2, $3  }
0x5d: {  	_ =	sdelay $0x1  }
0x5e: {  	[sflag:s12] =	ssyncset.done $0x0  }
0x5f: {  	[sflag:s12] =	ssyncadd.s32 $0xFFFFEC00  }
0x60: {  	_ =	sfence.sel $0x180000  }
0x61: {  	[bflag:$0x0] =	sbarrier.arrive $0xFFFF  }
0x62: {  	_ =	strace $0x9000004D  }
0x63: {  	s0 =	stileid.u32;
	[bflag:$0x2] =	sbarrier.arrive $0xFFFF  }
0x64: {  	p0 =	sne.s32 s0, $0x0;
	s0 =	rddreg [dreg:$0x3]  }
0x65: {  	s0 =	sadd.s32 @!p0 $0x100000, s0  }
0x66: {  	[sflag:s0] =	ssyncadd.tile.s32 @!p0 $0x1;
	_ =	shalt  }
.Lfunc_end2:
_tile_overlayer_lowered:
.L_overlay_start_2:
0x67: {  	(tag) =	ssettag $0x2  }
0x68: {  	s0 =	rddreg [dreg:$0x0];
	s2 =	stileid.u32  }
0x69: {  	s1 =	rddreg [dreg:$0x1];
	p0 =	sne.s32 s2, $0x0  }
0x6a: {  	s3 =	rddreg [dreg:$0x2];
	[bflag:$0x3] =	sbarrier.arrive $0xFFFF;
	s2 =	simm.s32 @!p0 $0x1C09  }
0x6b: {  	[timem:s3], [sflag:s2] =	dma.local @!p0 [hbm:s0], s1  }
0x6c: {  	s0 =	simm.s32 @!p0 $0x9  }
0x6d: {  	_ =	swait.ge @!p0 [sflag:s0], s1  }
0x6e: {  	s1 =	ssub.s32 @!p0 $0x0, s1;
	[sflag:s0] =	ssyncset.done @!p0 $0x0  }
0x6f: {  	[sflag:s0] =	ssyncadd.s32 @!p0 s1  }
0x70: {  	[bflag:$0x3] =	sbarrier.arrive $0xFFFF  }
0x71: {  	_ =	shalt  }

// kernel: kernel.8.cloned.1.call-start
scs
__scs_entry_jumppad:
0x0: {  	(pc) =	sbr.rel $0x88, $3  }
0x1: {  	(tag) =	ssettag $0x0;
	lr =	simm.s32 $0x1  }
0x2: {  	[smem:$0x3F9B] =	sst lr;
	_ =	strace $0xD0000000  }
0x3: {  	_ = 	snop  }
0x4: {  	_ = 	snop  }
0x5: {  	_ = 	snop  }
0x6: {  	_ = 	snop  }
0x7: {  	_ = 	snop  }
__scs_overlays_trampoline_lowered:
0x8: {  	[smem:$0x3FAA] =	sst s0  }
0x9: {  	[smem:$0x3FAB] =	sst s1  }
0xa: {  	[smem:$0x3FAC] =	sst s2  }
0xb: {  	[smem:$0x3FAD] =	sst s3  }
0xc: {  	[smem:$0x3FAE] =	sst s4  }
0xd: {  	[smem:$0x3FAF] =	sst s5  }
0xe: {  	[smem:$0x3FB0] =	sst s6  }
0xf: {  	[smem:$0x3FB1] =	sst s7  }
0x10: {  	[smem:$0x3FB2] =	sst s8  }
0x11: {  	[smem:$0x3FB3] =	sst s9;
	s0 =	simm.s32 @!p0 $0x0  }
0x12: {  	s1 =	sld [smem:$0x3F99];
	s0 =	simm.s32 @p0 $0x1  }
0x13: {  	[smem:$0x3FB4] =	sst s0;
	s0 =	simm.s32 @!p1 $0x0  }
0x14: {  	s2 =	sld [smem:$0x3F98];
	s0 =	simm.s32 @p1 $0x1  }
0x15: {  	[smem:$0x3FB5] =	sst s0;
	s0 =	simm.s32 @!p2 $0x0  }
0x16: {  	s3 =	sld [smem:$0x3FDB];
	s0 =	simm.s32 @p2 $0x1  }
0x17: {  	s4 =	simm.s32 $0x1BF5;
	[smem:$0x3FB7] =	sst s0  }
0x18: {  	s0 =	sld [smem:$0x3F9A];
	_ =	swait.ge [sflag:s4], $0x0  }
0x19: {  	s7 =	sld [smem:$0x3F9B]  }
0x1a: {  	s8 =	sadd.s32 $0xFFFFE003, lr  }
0x1b: {  	s9 =	sadd.s32 $0xFFFFFEF7, lr;
	s5 =	simm.s32 $0xFFFFFFFF;
	p2 =	slt.u32 s8, $0xFFFFF086  }
0x1c: {  	p1 =	slt.u32 s9, $0xF7A;
	s5 =	simm.s32 @!p2 $0x0  }
0x1d: {  	s5 =	simm.s32 @p1 $0x1;
	p0 =	seq.s32 s7, s2  }
0x1e: {  	s7 =	smul.u32 @!p0 $0xF7A, s2;
	p2 =	seq.s32 @!p0 s5, $0x0  }
0x1f: {  	s9 =	smul.u32 $0xF7A, s1;
	s8 =	simm.s32 @!p0 $0x1BF5;
	p2 =	por !p2, p0  }
0x20: {  	[sflag:s8] =	ssyncset.s32 @!p0 $0xFFFFF086;
	s6 =	sadd.s32 @!p0 s3, s7;
	s7 =	simm.s32 @!p0 $0x108  }
0x21: {  	s3 =	sadd.s32 s3, s9;
	s6 =	sadd.s32 @!p0 $0x88, s6;
	s7 =	simm.s32 @p2 $0x1082  }
0x22: {  	[simem:s7], [sflag:s8] =	dma.local @!p0 [hbm:s6], $0xF7A  }
0x23: {  	s9 =	sor.u32 $0xD0000000, s2;
	s6 =	simm.s32 $0x108;
	_ =	swait.ge @!p0 [sflag:s8], $0x0  }
0x24: {  	s3 =	sadd.s32 $0x88, s3;
	s6 =	simm.s32 @!p1 $0x1082;
	[sflag:s4] =	ssyncset.s32 $0xFFFFF086  }
0x25: {  	[simem:s6], [sflag:s4] =	dma.local [hbm:s3], $0xF7A  }
0x26: {  	[smem:$0x3F9B] =	sst s1;
	(tag) =	ssettag s2;
	_ =	strace s9  }
0x27: {  	s1 =	sld [smem:$0x3FAB]  }
0x28: {  	s2 =	sld [smem:$0x3FAC]  }
0x29: {  	s4 =	sld [smem:$0x3FAE]  }
0x2a: {  	p0 =	seq.s32 s5, $0x0;
	s5 =	sld [smem:$0x3FAF]  }
0x2b: {  	s6 =	sld [smem:$0x3FB0]  }
0x2c: {  	s7 =	sld [smem:$0x3FB1]  }
0x2d: {  	s3 =	simm.s32 $0x108;
	s8 =	sld [smem:$0x3FB2]  }
0x2e: {  	s3 =	simm.s32 @!p0 $0x1082;
	s9 =	sld [smem:$0x3FB3]  }
0x2f: {  	lr =	sadd.s32 s0, s3;
	s0 =	sld [smem:$0x3FAA]  }
0x30: {  	s3 =	sld [smem:$0x3FAD]  }
0x31: {  	[smem:$0x3FB6] =	sst s10  }
0x32: {  	s10 =	sld [smem:$0x3FB4];
	_ =	sdelay $0x3  }
0x33: {  	p0 =	seq.s32 s10, $0x1;
	s10 =	sld [smem:$0x3FB6];
	_ =	sdelay $0x3  }
0x34: {  	[smem:$0x3FB6] =	sst s10  }
0x35: {  	s10 =	sld [smem:$0x3FB5];
	_ =	sdelay $0x3  }
0x36: {  	p1 =	seq.s32 s10, $0x1;
	s10 =	sld [smem:$0x3FB6];
	_ =	sdelay $0x3  }
0x37: {  	[smem:$0x3FB6] =	sst s10  }
0x38: {  	s10 =	sld [smem:$0x3FB7]  }
0x39: {  	_ = 	snop;
	(pc) =	sbr.ind lr, $3  }
0x3a: {  	_ = 	snop  }
0x3b: {  	_ = 	snop  }
0x3c: {  	p2 =	seq.s32 s10, $0x1;
	s10 =	sld [smem:$0x3FB6]  }
0x3d: {  	_ =	shalt  }
0x3e: {  	_ =	shalt  }
0x3f: {  	_ =	shalt  }
0x40: {  	_ =	shalt  }
0x41: {  	_ =	shalt  }
0x42: {  	_ =	shalt  }
0x43: {  	_ =	shalt  }
0x44: {  	_ =	shalt  }
0x45: {  	_ =	shalt  }
0x46: {  	_ =	shalt  }
0x47: {  	_ =	shalt  }
0x48: {  	_ =	shalt  }
0x49: {  	_ =	shalt  }
0x4a: {  	_ =	shalt  }
0x4b: {  	_ =	shalt  }
0x4c: {  	_ =	shalt  }
0x4d: {  	_ =	shalt  }
0x4e: {  	_ =	shalt  }
0x4f: {  	_ =	shalt  }
0x50: {  	_ =	shalt  }
0x51: {  	_ =	shalt  }
0x52: {  	_ =	shalt  }
0x53: {  	_ =	shalt  }
0x54: {  	_ =	shalt  }
0x55: {  	_ =	shalt  }
0x56: {  	_ =	shalt  }
0x57: {  	_ =	shalt  }
0x58: {  	_ =	shalt  }
0x59: {  	_ =	shalt  }
0x5a: {  	_ =	shalt  }
0x5b: {  	_ =	shalt  }
0x5c: {  	_ =	shalt  }
0x5d: {  	_ =	shalt  }
0x5e: {  	_ =	shalt  }
0x5f: {  	_ =	shalt  }
0x60: {  	_ =	shalt  }
0x61: {  	_ =	shalt  }
0x62: {  	_ =	shalt  }
0x63: {  	_ =	shalt  }
0x64: {  	_ =	shalt  }
0x65: {  	_ =	shalt  }
0x66: {  	_ =	shalt  }
0x67: {  	_ =	shalt  }
0x68: {  	_ =	shalt  }
0x69: {  	_ =	shalt  }
0x6a: {  	_ =	shalt  }
0x6b: {  	_ =	shalt  }
0x6c: {  	_ =	shalt  }
0x6d: {  	_ =	shalt  }
0x6e: {  	_ =	shalt  }
0x6f: {  	_ =	shalt  }
0x70: {  	_ =	shalt  }
0x71: {  	_ =	shalt  }
0x72: {  	_ =	shalt  }
0x73: {  	_ =	shalt  }
0x74: {  	_ =	shalt  }
0x75: {  	_ =	shalt  }
0x76: {  	_ =	shalt  }
0x77: {  	_ =	shalt  }
0x78: {  	_ =	shalt  }
0x79: {  	_ =	shalt  }
0x7a: {  	_ =	shalt  }
0x7b: {  	_ =	shalt  }
0x7c: {  	_ =	shalt  }
0x7d: {  	_ =	shalt  }
0x7e: {  	_ =	shalt  }
0x7f: {  	_ =	shalt  }
0x80: {  	_ =	shalt  }
0x81: {  	_ =	shalt  }
0x82: {  	_ =	shalt  }
0x83: {  	_ =	shalt  }
0x84: {  	_ =	shalt  }
0x85: {  	_ =	shalt  }
0x86: {  	_ =	shalt  }
0x87: {  	_ =	shalt  }
.Lfunc_end0:
.L_simem_size_0:
called_computation_lowered:
.L_overlay_start_0:
0x88: {  	s2 =	sld [smem:$0x3FD9]  }
0x89: {  	s3 =	sld [smem:$0x3FFE];
	_ =	sdelay $0x1  }
0x8a: {  	s1 =	srdreg.scid  }
0x8b: {  	s0 =	sand.u32 $0x1, s1  }
0x8c: {  	s16 =	sshll.u32 s0, $0xA;
	s2 =	sadd.s32 s3, s2  }
0x8d: {  	s2 =	sadd.s32 s2, s16  }
0x8e: {  	[smem:$0x3FC2] =	sst s2  }
0x8f: {  	_ = 	snop  }
0x90: {  	(tm) =	ssettm $0x1  }
0x91: {  	s17 =	sld [smem:$0x3FFB];
	_ =	sdelay $0x3  }
0x92: {  	_ =	strace s17  }
0x93: {  	s2 =	sld [smem:$0x3FFC];
	_ =	sdelay $0x3  }
0x94: {  	_ =	strace s2  }
0x95: {  	s2 =	sld [smem:$0x3FFD];
	_ =	sdelay $0x3  }
0x96: {  	_ =	strace s2  }
0x97: {  	_ =	strace $0x8FFFFFFF  }
0x98: {  	s18 =	sld [smem:$0x3FDB];
	_ =	sdelay $0x1  }
0x99: {  	s19 =	simm.s32 $_scs_section_size  }
0x9a: {  	s4 =	simm.s32 $_size__tile_overlayer_lowered;
	s5 =	simm.s32 $_tile_overlayer_lowered  }
0x9b: {  	s22 =	simm.s32 $0x1BFF;
	s21 =	sshll.u32 s5, $0x1;
	s2 =	sadd.s32 s19, s18  }
0x9c: {  	s6 =	simm.s32 $0x0;
	s20 =	sshll.u32 s4, $0x1;
	s4 =	sadd.s32 s21, s2  }
0x9d: {  	[timem:s6], [sflag:s22] =	dma.local [hbm:s4], s20  }
0x9e: {  	_ =	swait.ge [sflag:s22], s20  }
0x9f: {  	s3 =	ssub.s32 $0x0, s20;
	[sflag:s22] =	ssyncset.done $0x0  }
0xa0: {  	[sflag:s22] =	ssyncadd.s32 s3;
	_ =	sdelay $0x1  }
0xa1: {  	s23 =	simm.s32 $0x1B8B  }
0xa2: {  	_ =	swait.ge [sflag:s23], $0x1  }
0xa3: {  	[sflag:s23] =	ssyncset.done $0x0  }
0xa4: {  	s25 =	simm.s32 $0x1B8E;
	s24 =	sld [smem:$0x3FFE];
	[sflag:s23] =	ssyncadd.s32 $0xFFFFFFFF  }
0xa5: {  	s26 =	simm.s32 $execute0_lowered;
	[smem:$0x3FD2] =	sst s25  }
0xa6: {  	s4 =	sshll.u32 s26, $0x1;
	_ =	strace $0x80000046;
	[dreg:$0x1] =	wrdreg $0xFFFFFFFF  }
0xa7: {  	s28 =	simm.s32 $_size_execute0_lowered;
	s2 =	sadd.s32 s2, s4;
	[dreg:$0x0] =	wrdreg $0x0  }
0xa8: {  	s4 =	sshll.u32 s28, $0x1;
	[dreg:$0x2] =	wrdreg s2  }
0xa9: {  	[dreg:$0x3] =	wrdreg s4  }
0xaa: {  	[dreg:$0x4] =	wrdreg $0xC0  }
0xab: {  	_ =	task [dreg:s6], $0x5FFFF  }
0xac: {  	[dreg:$0x1] =	wrdreg $0xFFFFFFFF  }
0xad: {  	[dreg:$0x0] =	wrdreg $0x60  }
0xae: {  	[dreg:$0x2] =	wrdreg s24  }
0xaf: {  	[dreg:$0x3] =	wrdreg $0x78800  }
0xb0: {  	[dreg:$0x4] =	wrdreg $0x9  }
0xb1: {  	_ =	task.clear_ibuf [dreg:s6], $0x5FFFF;
	_ =	strace $0x90000046  }
0xb2: {  	s29 =	simm.s32 $0x9;
	_ =	strace $0x80000048  }
0xb3: {  	_ =	swait.ge [sflag:s29], $0x1  }
0xb4: {  	[sflag:s29] =	ssyncadd.s32 $0xFFFFFFFF  }
0xb5: {  	_ =	strace $0x90000048  }
0xb6: {  	_ =	sfence  }
0xb7: {  	s30 =	sld [smem:$0x0];
	_ =	sdelay $0x2  }
0xb8: {  	s31 =	sshll.u32 s1, $0xD;
	s1 =	sshrl.u32 s1, $0x2  }
0xb9: {  	s3 =	sand.u32 $0x4000, s31;
	s1 =	sadd.s32 s1, s30  }
0xba: {  	s0 =	sor.u32 s3, s0;
	s1 =	sshll.u32 s1, $0x11  }
0xbb: {  	s0 =	sor.u32 s1, s0  }
0xbc: {  	s0 =	sadd.s32 $0x8F2B, s0  }
0xbd: {  	[sflag:s0] =	ssyncadd.remote.s32 $0x1  }
0xbe: {  	_ =	sfence.sel $0xFFFF  }
0xbf: {  	[dreg:$0x0] =	wrdreg $0xFFFFFFFF;
	(pc) =	sbr.abs _section_cstart, $3  }
0xc0: {  	[dreg:$0x1] =	wrdreg $0xFFFFFFFF  }
0xc1: {  	_ =	task.clear_ibuf [dreg:s6], $0x2FFFF;
	_ =	strace $0x9FFFFFFF  }
0xc2: {  	(tm) =	ssettm $0x7FFFFFFF  }
0xc3: {  	_ =	shalt  }
tec
execute0_lowered:
.L_overlay_start_1:
0x0: {  	(tag) =	ssettag $0x1  }
0x1: {  	s7 =	rddreg [dreg:$0x0]  }
0x2: {  	s2 =	rddreg [dreg:$0x1]  }
0x3: {  	s0 =	srdreg.scid;
	s1 =	rddreg [dreg:$0x2]  }
0x4: {  	s3 =	simm.s32 $0x0;
	s13 =	simm.s32 $0x40;
	s14 =	simm.s32 $0x1  }
0x5: {  	s17 =	simm.s32 $0x10;
	s18 =	simm.s32 $0x0;
	s6 =	sand.u32 $0x1, s0  }
0x6: {  	s0 =	stileid.u32;
	[smem:$0x7FF] =	sst s3;
	s5 =	sadd.s32 $0x1F800, s7  }
0x7: {  	s8 =	sshll.u32 s6, $0x4;
	_ =	strace $0x80000047;
	s10 =	ssub.s32 $0x2, s6  }
0x8: {  	s29 =	smul.u32 $0xA00, s0;
	p0 =	seq.s32 s6, $0x0;
	s6 =	simm.s32 $0xF0  }
0x9: {  	s31 =	sshll.u32 s0, $0x6;
	s16 =	smul.u32 $0xA0, s0;
	s4 =	sor.u32 s0, s8  }
0xa: {  	s11 =	sadd.s32 s8, s7;
	s28 =	sshrl.u32 s10, $0x1;
	s6 =	simm.s32 @!p0 $0x50  }
0xb: {  	s4 =	smul.u32 $0xF00, s4;
	s10 =	ssub.s32 s10, s28;
	s30 =	sshrl.u32 s29, $0x2  }
0xc: {  	s15 =	sadd.s32 $0x1FA00, s11;
	s11 =	simm.s32 $0x2;
	s12 =	sadd.s32 s30, s2  }
0xd: {  	s15 =	sadd.s32 s16, s15;
	s16 =	simm.s32 $0x20;
	s9 =	sadd.s32 s4, s7  }
0xe: {  	s4 =	sadd.s32 $0x1F600, s7;
	s7 =	sor.u32 $0x1C02, s31;
	s8 =	sadd.s32 $0x1600, s9  }
0xf: {  	s9 =	smax.u32 s10, $0x1;
	s10 =	sshrl.u32 s12, $0x3;
	s12 =	simm.s32 $0x7800  }
.LBB2_1:
0x10: {  	[spmem:s10], [sflag:s7] =	dma.local [hbm:s4], $0x50  }
0x11: {  	_ =	swait.ge [sflag:s11], $0x50  }
0x12: {  	[sflag:s11] =	ssyncset.done $0x0  }
0x13: {  	[sflag:s11] =	ssyncadd.s32 $0xFFFFFFB0  }
0x14: {  	[tilespmem:s12], [sflag:$0x2] =	stream.linear.gather [hbm4b:s5+s3], $0x80, $0x38;
	[tilespmem:$0x7B00] =	vst v63  }
0x15: {  	_ =	swait.ge [sflag:s11], $0x80  }
0x16: {  	[sflag:s11] =	ssyncset.done $0x0  }
0x17: {  	p0 =	sne.s32 s6, $0x1;
	[sflag:s11] =	ssyncadd.s32 $0xFFFFFF80  }
0x18: {  	[tilespmem:s3], [sflag:$0x2] =	stream.linear.gather [hbm4b:s8+s3], $0x7800, $0x38;
	[tilespmem:$0x7B00] =	vst v63  }
.Ltmp0:
0x19: {  	_ =	swait.ge [sflag:s11], $0x7800;
	(pc) =	sbr.rel @!p0 .LBB2_3-.Ltmp0, $4  }
0x1a: {  	[sflag:s11] =	ssyncset.done $0x0  }
0x1b: {  	[sflag:s11] =	ssyncadd.s32 $0xFFFF8800  }
0x1c: {  	s19 =	sadd.s32 $0xFFFFFFFF, s6;
	s20 =	simm.s32 $0x0;
	[bflag:$0x0] =	sbarrier.arrive $0xFFFF  }
0x1d: {  	[spmem:s2] =	stream.indirect.scatter.add.f32 [tilespmem:s12], [sflag:$0x1], $0x1, s3, s13, $0xb8;
	[tilespmem:$0x7B00] =	vst v63  }
.LBB2_2:
0x1e: {  	p1 =	sne.s32 s19, $0x1  }
.Ltmp1:
0x1f: {  	_ = 	snop;
	(pc) =	sbr.rel @p1 .LBB2_2-.Ltmp1, $3  }
0x20: {  	_ = 	snop  }
0x21: {  	s19 =	sadd.s32 $0xFFFFFFFF, s19;
	s20 =	sadd.s32 $0x80, s20;
	_ =	sdelay $0x1  }
0x22: {  	[spmem:s2] =	stream.indirect.scatter.add.f32 [tilespmem:s12], [sflag:$0x1], $0x1, s20, s13, $0xb8;
	[tilespmem:$0x7B00] =	vst v63  }
.LBB2_3:
.Ltmp2:
0x23: {  	(pc) =	sbr.rel @!p0 .LBB2_5-.Ltmp2, $3  }
0x24: {  	_ =	sdelay $0x1  }
0x25: {  	_ =	swait.ge [sflag:s14], $0x40  }
0x26: {  	s19 =	sadd.s32 $0xFFFFFFFF, s6;
	[sflag:s14] =	ssyncset.done $0x0  }
.LBB2_4:
0x27: {  	p0 =	sne.s32 s19, $0x1;
	s19 =	sadd.s32 $0xFFFFFFFF, s19;
	[sflag:s14] =	ssyncadd.s32 $0xFFFFFFC0  }
.Ltmp3:
0x28: {  	(pc) =	sbr.rel @p0 .LBB2_4-.Ltmp3, $3  }
0x29: {  	_ =	sdelay $0x1  }
0x2a: {  	_ =	swait.ge [sflag:s14], $0x40  }
0x2b: {  	[sflag:s14] =	ssyncset.done $0x0  }
.LBB2_5:
0x2c: {  	s18 =	sadd.s32 $0x1, s18  }
0x2d: {  	[sflag:s14] =	ssyncadd.s32 $0xFFFFFFC0;
	p0 =	sne.s32 s18, s9  }
.Ltmp4:
0x2e: {  	[bflag:$0x0] =	sbarrier.arrive $0xFFFF;
	(pc) =	sbr.rel @p0 .LBB2_1-.Ltmp4, $4  }
0x2f: {  	[hbm:s15@s16], [sflag:s7] =	dma.strided [spmem:s10@s17], $0x50, s14, $0x10   }
0x30: {  	_ =	swait.ge [sflag:s11], $0x50  }
0x31: {  	[sflag:s11] =	ssyncset.done $0x0  }
0x32: {  	[sflag:s11] =	ssyncadd.s32 $0xFFFFFFB0  }
0x33: {  	_ =	sfence.sel $0x180000  }
0x34: {  	[bflag:$0x0] =	sbarrier.arrive $0xFFFF  }
0x35: {  	p0 =	sne.s32 s0, $0x0;
	_ =	strace $0x90000047  }
0x36: {  	s0 =	sadd.s32 @!p0 $0x100000, s1;
	[bflag:$0x2] =	sbarrier.arrive $0xFFFF  }
0x37: {  	[sflag:s0] =	ssyncadd.tile.s32 @!p0 $0x1;
	_ =	shalt  }
.Lfunc_end2:
_tile_overlayer_lowered:
.L_overlay_start_2:
0x38: {  	(tag) =	ssettag $0x2  }
0x39: {  	s0 =	rddreg [dreg:$0x0];
	s2 =	stileid.u32  }
0x3a: {  	s1 =	rddreg [dreg:$0x1];
	p0 =	sne.s32 s2, $0x0  }
0x3b: {  	s3 =	rddreg [dreg:$0x2];
	[bflag:$0x3] =	sbarrier.arrive $0xFFFF;
	s2 =	simm.s32 @!p0 $0x1C02  }
0x3c: {  	[timem:s3], [sflag:s2] =	dma.local @!p0 [hbm:s0], s1  }
0x3d: {  	s0 =	simm.s32 @!p0 $0x2  }
0x3e: {  	_ =	swait.ge @!p0 [sflag:s0], s1  }
0x3f: {  	s1 =	ssub.s32 @!p0 $0x0, s1;
	[sflag:s0] =	ssyncset.done @!p0 $0x0  }
0x40: {  	[sflag:s0] =	ssyncadd.s32 @!p0 s1  }
0x41: {  	[bflag:$0x3] =	sbarrier.arrive $0xFFFF  }
0x42: {  	_ =	shalt  }

</sc_bundles>
